<compile_context>
chip_gen: v7x
topology: tpu7x:2x2x1
jax: 0.10.2.dev20260603
libtpu: 0.0.44.dev20260713+nightly
codegen_flags: <defaults>
</compile_context>

<pallas_src>
import functools

import jax
import jax.numpy as jnp
from jax import lax
from jax.experimental import pallas as pl
from jax.experimental.pallas import tpu as pltpu
from jax.experimental.pallas import tpu_sc as plsc

N_NODES = 10000
N_EDGES = 320000
NUM_OPS = 120
OP_DIM = 64
D_IN = 128
D_HID = 256

CHUNK = 128
NCHUNK = 2560
E_PAD = NCHUNK * CHUNK
PAD_DST = 10104
NACC = 10112
ZROWS = NACC // 16
OPS_PER_TILE = 320
NOPS_PAD = 10240

_mesh = lambda: plsc.VectorSubcoreMesh(core_axis_name="c", subcore_axis_name="s")



@functools.partial(
    pl.kernel, mesh=_mesh(),
    out_type=jax.ShapeDtypeStruct((NOPS_PAD, 128), jnp.float32),
    scratch_types=[
        pltpu.VMEM((OPS_PER_TILE,), jnp.int32),
        pltpu.VMEM((CHUNK, 128), jnp.float32),
        pltpu.SemaphoreType.DMA,
    ],
)
def _sc_op_lookup(emb, ops, out, idxv, buf, sem):
    c = lax.axis_index("c")
    s = lax.axis_index("s")
    base = (c * 16 + s) * OPS_PER_TILE
    pltpu.sync_copy(ops.at[pl.ds(base, OPS_PER_TILE)], idxv)
    for off, sz in ((0, 128), (128, 128), (256, 64)):
        pltpu.async_copy(emb.at[idxv.at[pl.ds(off, sz)]],
                         buf.at[pl.ds(0, sz)], sem).wait()
        pltpu.sync_copy(buf.at[pl.ds(0, sz)], out.at[pl.ds(base + off, sz)])


def _edge_sweep(gtable, ngrp, grp, gstart, srcc, dstc, base0,
                idxs, idxd, rows, acc, gsem, ssem, isem):
    pltpu.sync_copy(srcc.at[pl.ds(base0, grp)], idxs.at[0])
    pltpu.sync_copy(dstc.at[pl.ds(base0, grp)], idxd.at[0])

    def gbody(g, carry):
        sl = lax.rem(g, 2)
        nsl = lax.rem(g + 1, 2)

        @pl.when(g + 1 < ngrp)
        def _():
            nb0 = base0 + (g + 1) * grp
            pltpu.async_copy(srcc.at[pl.ds(nb0, grp)], idxs.at[nsl], isem)
            pltpu.async_copy(dstc.at[pl.ds(nb0, grp)], idxd.at[nsl], isem)

        def gwait(j, b):
            pltpu.make_async_copy(
                gtable.at[idxs.at[sl, j]], rows.at[b], gsem).wait()

        gstart(sl, 0, 0)

        def body(j, carry2):
            b = lax.rem(j, 2)
            nb = lax.rem(j + 1, 2)

            @pl.when(j > 0)
            def _():
                pltpu.make_async_copy(
                    rows.at[nb], acc.at[idxd.at[sl, j - 1]], ssem).wait()

            @pl.when(j + 1 < grp)
            def _():
                gstart(sl, j + 1, nb)

            gwait(j, b)
            pltpu.async_copy(rows.at[b], acc.at[idxd.at[sl, j]], ssem,
                             add=True)
            return carry2

        lax.fori_loop(0, grp, body, 0)
        pltpu.make_async_copy(
            rows.at[(grp - 1) % 2], acc.at[idxd.at[sl, grp - 1]], ssem).wait()

        @pl.when(g + 1 < ngrp)
        def _():
            pltpu.make_async_copy(
                srcc.at[pl.ds(base0, grp)], idxs.at[nsl], isem).wait()
            pltpu.make_async_copy(
                dstc.at[pl.ds(base0, grp)], idxd.at[nsl], isem).wait()
        return carry

    lax.fori_loop(0, ngrp, gbody, 0)


_GRP1 = 16
_GRP = 32


@functools.partial(
    pl.kernel, mesh=_mesh(),
    out_type=jax.ShapeDtypeStruct((2, NACC, D_IN), jnp.float32),
    scratch_types=[
        pltpu.VMEM((2, _GRP1, CHUNK), jnp.int32),
        pltpu.VMEM((2, _GRP1, CHUNK), jnp.int32),
        pltpu.VMEM((2, CHUNK, D_IN), jnp.float32),
        pltpu.VMEM_SHARED((NACC, D_IN), jnp.float32),
        pltpu.SemaphoreType.DMA,
        pltpu.SemaphoreType.DMA,
        pltpu.SemaphoreType.DMA,
    ],
)
def _sc_agg_l1(x0, srcc, dstc, zacc,
               aggp, idxs, idxd, rows, acc, gsem, ssem, isem):
    c = lax.axis_index("c")
    s = lax.axis_index("s")
    t = c * 16 + s
    nck = NCHUNK // 32
    r0 = s * ZROWS
    pltpu.sync_copy(zacc.at[pl.ds(r0, ZROWS)], acc.at[pl.ds(r0, ZROWS)])
    plsc.subcore_barrier()

    def gstart(sl, j, b):
        pltpu.async_copy(x0.at[idxs.at[sl, j]], rows.at[b], gsem)

    _edge_sweep(x0, nck // _GRP1, _GRP1, gstart, srcc, dstc, t * nck,
                idxs, idxd, rows, acc, gsem, ssem, isem)
    plsc.subcore_barrier()

    @pl.when(c == 0)
    def _():
        pltpu.sync_copy(acc.at[pl.ds(r0, ZROWS)], aggp.at[0, pl.ds(r0, ZROWS)])

    @pl.when(c == 1)
    def _():
        pltpu.sync_copy(acc.at[pl.ds(r0, ZROWS)], aggp.at[1, pl.ds(r0, ZROWS)])


@functools.partial(
    pl.kernel, mesh=_mesh(),
    out_type=jax.ShapeDtypeStruct((2, NACC, D_IN), jnp.float32),
    scratch_types=[
        pltpu.VMEM((2, _GRP, CHUNK), jnp.int32),
        pltpu.VMEM((2, _GRP, CHUNK), jnp.int32),
        pltpu.VMEM((2, CHUNK, D_IN), jnp.float32),
        pltpu.VMEM_SHARED((NACC, D_IN), jnp.float32),
        pltpu.SemaphoreType.DMA,
        pltpu.SemaphoreType.DMA,
        pltpu.SemaphoreType.DMA,
    ],
)
def _sc_agg_h2(xlo, xhi, srcc, dstc, zacc,
               aggs, idxs, idxd, rows, acc, gsem, ssem, isem):
    c = lax.axis_index("c")
    s = lax.axis_index("s")
    nck = NCHUNK // 16
    r0 = s * ZROWS
    pltpu.sync_copy(zacc.at[pl.ds(r0, ZROWS)], acc.at[pl.ds(r0, ZROWS)])
    plsc.subcore_barrier()

    def gstart(sl, j, b):
        @pl.when(c == 0)
        def _():
            pltpu.async_copy(xlo.at[idxs.at[sl, j]], rows.at[b], gsem)

        @pl.when(c == 1)
        def _():
            pltpu.async_copy(xhi.at[idxs.at[sl, j]], rows.at[b], gsem)

    _edge_sweep(xlo, nck // _GRP, _GRP, gstart, srcc, dstc, s * nck,
                idxs, idxd, rows, acc, gsem, ssem, isem)
    plsc.subcore_barrier()

    @pl.when(c == 0)
    def _():
        pltpu.sync_copy(acc.at[pl.ds(r0, ZROWS)], aggs.at[0, pl.ds(r0, ZROWS)])

    @pl.when(c == 1)
    def _():
        pltpu.sync_copy(acc.at[pl.ds(r0, ZROWS)], aggs.at[1, pl.ds(r0, ZROWS)])



_BLK = 1000
_EBLK = 8192
_NQ = 80


def _tc_deg_body(dstb, o):
    i = pl.program_id(0)
    dv = dstb[0]
    q = dv // 128
    r = dv % 128
    m1 = (lax.broadcasted_iota(jnp.int32, (_NQ, _EBLK), 0) == q
          ).astype(jnp.bfloat16)
    m2 = (lax.broadcasted_iota(jnp.int32, (128, _EBLK), 0) == r
          ).astype(jnp.bfloat16)
    part = lax.dot_general(m1, m2, (((1,), (1,)), ((), ())),
                           preferred_element_type=jnp.float32)

    @pl.when(i == 0)
    def _():
        o[...] = part

    @pl.when(i > 0)
    def _():
        o[...] = o[...] + part


_tc_deg = pl.pallas_call(
    _tc_deg_body,
    grid=(E_PAD // _EBLK,),
    in_specs=[pl.BlockSpec((1, 1, _EBLK), lambda i: (i, 0, 0))],
    out_specs=pl.BlockSpec((_NQ, 128), lambda i: (0, 0)),
    out_shape=jax.ShapeDtypeStruct((_NQ, 128), jnp.float32),
)


def _dotT(a, w):
    return lax.dot_general(a, w, (((1,), (1,)), ((), ())),
                           preferred_element_type=jnp.float32)


def _norm_act(h):
    n = jnp.sqrt(jnp.sum(h * h, axis=1, keepdims=True))
    h = h / jnp.maximum(n, 1e-12)
    return jnp.where(h > 0, h, 0.01 * h)


def _tc1_body(x0, aggp, degp, wl, wr, b, olo, ohi):
    deg = degp[0, 0]
    dinv = 1.0 / jnp.maximum(deg, 1.0)
    agg = (aggp[0] + aggp[1]) * dinv[:, None]
    h = _dotT(agg, wl[...]) + _dotT(x0[...], wr[...]) + b[...]
    h = _norm_act(h)
    olo[...] = h[:, :D_IN]
    ohi[...] = h[:, D_IN:]


_tc1 = pl.pallas_call(
    _tc1_body,
    grid=(N_NODES // _BLK,),
    in_specs=[
        pl.BlockSpec((_BLK, D_IN), lambda i: (i, 0)),
        pl.BlockSpec((2, _BLK, D_IN), lambda i: (0, i, 0)),
        pl.BlockSpec((1, 1, _BLK), lambda i: (i, 0, 0)),
        pl.BlockSpec((D_HID, D_IN), lambda i: (0, 0)),
        pl.BlockSpec((D_HID, D_IN), lambda i: (0, 0)),
        pl.BlockSpec((1, D_HID), lambda i: (0, 0)),
    ],
    out_specs=[pl.BlockSpec((_BLK, D_IN), lambda i: (i, 0)),
               pl.BlockSpec((_BLK, D_IN), lambda i: (i, 0))],
    out_shape=[jax.ShapeDtypeStruct((N_NODES, D_IN), jnp.float32),
               jax.ShapeDtypeStruct((N_NODES, D_IN), jnp.float32)],
)


def _make_tc23(final):
    def body(xlo, xhi, aggs, degp, wl, wr, b, *outs):
        deg = degp[0, 0]
        dinv = 1.0 / jnp.maximum(deg, 1.0)
        agg = jnp.concatenate([aggs[0], aggs[1]], axis=1) * dinv[:, None]
        x = jnp.concatenate([xlo[...], xhi[...]], axis=1)
        h = _dotT(agg, wl[...]) + _dotT(x, wr[...]) + b[...]
        if final:
            outs[0][...] = h
        else:
            h = _norm_act(h)
            outs[0][...] = h[:, :D_IN]
            outs[1][...] = h[:, D_IN:]

    in_specs = [
        pl.BlockSpec((_BLK, D_IN), lambda i: (i, 0)),
        pl.BlockSpec((_BLK, D_IN), lambda i: (i, 0)),
        pl.BlockSpec((2, _BLK, D_IN), lambda i: (0, i, 0)),
        pl.BlockSpec((1, 1, _BLK), lambda i: (i, 0, 0)),
        pl.BlockSpec((D_HID, D_HID), lambda i: (0, 0)),
        pl.BlockSpec((D_HID, D_HID), lambda i: (0, 0)),
        pl.BlockSpec((1, D_HID), lambda i: (0, 0)),
    ]
    if final:
        out_specs = pl.BlockSpec((_BLK, D_HID), lambda i: (i, 0))
        out_shape = jax.ShapeDtypeStruct((N_NODES, D_HID), jnp.float32)
    else:
        out_specs = [pl.BlockSpec((_BLK, D_IN), lambda i: (i, 0)),
                     pl.BlockSpec((_BLK, D_IN), lambda i: (i, 0))]
        out_shape = [jax.ShapeDtypeStruct((N_NODES, D_IN), jnp.float32),
                     jax.ShapeDtypeStruct((N_NODES, D_IN), jnp.float32)]
    return pl.pallas_call(body, grid=(N_NODES // _BLK,), in_specs=in_specs,
                          out_specs=out_specs, out_shape=out_shape)


_tc2 = _make_tc23(final=False)
_tc3 = _make_tc23(final=True)



def kernel(node_features, node_separation, node_ops, edges, batches,
           opcode_emb, W1l, b1, W1r, W2l, b2, W2r, W3l, b3, W3r):
    del node_separation, batches

    src = edges[0].astype(jnp.int32)
    dst = edges[1].astype(jnp.int32)
    pad_e = E_PAD - N_EDGES

    def _chunked(v, fill):
        c = jnp.concatenate(
            [v, jnp.full((pad_e,), fill, jnp.int32)]).reshape(NCHUNK, CHUNK)
        return c.reshape(NCHUNK // 32, 32, CHUNK).transpose(1, 0, 2).reshape(
            NCHUNK, CHUNK)

    srcc = _chunked(src, 0)
    dstc = _chunked(dst, PAD_DST)
    ops_p = jnp.concatenate(
        [node_ops.astype(jnp.int32),
         jnp.zeros((NOPS_PAD - N_NODES,), jnp.int32)])
    zacc = jnp.zeros((NACC, D_IN), jnp.float32)

    emb_p = jnp.concatenate(
        [opcode_emb, jnp.zeros((NUM_OPS, 128 - OP_DIM), jnp.float32)], axis=1)
    op_e = _sc_op_lookup(emb_p, ops_p)[:N_NODES, :OP_DIM]
    x0 = jnp.concatenate([node_features, op_e], axis=1)

    degq = _tc_deg(dstc.reshape(E_PAD // _EBLK, 1, _EBLK))
    degt = degq.reshape(_NQ * 128)[:N_NODES].reshape(N_NODES // _BLK, 1, _BLK)

    aggp = _sc_agg_l1(x0, srcc, dstc, zacc)
    x1lo, x1hi = _tc1(x0, aggp, degt, W1l, W1r, b1.reshape(1, D_HID))

    aggs2 = _sc_agg_h2(x1lo, x1hi, srcc, dstc, zacc)
    x2lo, x2hi = _tc2(x1lo, x1hi, aggs2, degt, W2l, W2r, b2.reshape(1, D_HID))

    aggs3 = _sc_agg_h2(x2lo, x2hi, srcc, dstc, zacc)
    return _tc3(x2lo, x2hi, aggs3, degt, W3l, W3r, b3.reshape(1, D_HID))

# --- scband reference (transcript-rebuilt; emitter-appended) ---
"""Pipeline reference for scband-layout-graph-model-71786083385992 (READ-ONLY COPY).

The authoritative reference and input builder live on the scoring server;
editing this copy changes nothing except your own understanding.
"""

import jax, jax.numpy as jnp
import numpy as np

N_NODES = 10000
N_EDGES = 320000
NUM_OPS = 120
OP_DIM = 64
D_IN = 128
D_HID = 256


def setup_inputs(seed: int = 0) -> dict:
    key = jax.random.key(seed)
    ks = jax.random.split(key, 16)
    node_features = jax.random.normal(ks[0], (N_NODES, 64), dtype=jnp.float32)
    node_separation = jnp.sort(jax.random.randint(ks[1], (16,), 0, N_NODES))
    node_ops = jax.random.randint(ks[2], (N_NODES,), 0, NUM_OPS)
    edges = jax.random.randint(ks[3], (2, N_EDGES), 0, N_NODES)
    batches = jnp.sort(jax.random.randint(ks[4], (N_NODES,), 0, 16))
    opcode_emb = jax.random.normal(ks[5], (NUM_OPS, OP_DIM), dtype=jnp.float32)
    W1l = jax.random.normal(ks[6], (D_HID, D_IN), dtype=jnp.float32) / np.sqrt(D_IN)
    b1 = jnp.zeros((D_HID,), dtype=jnp.float32)
    W1r = jax.random.normal(ks[7], (D_HID, D_IN), dtype=jnp.float32) / np.sqrt(D_IN)
    W2l = jax.random.normal(ks[8], (D_HID, D_HID), dtype=jnp.float32) / np.sqrt(D_HID)
    b2 = jnp.zeros((D_HID,), dtype=jnp.float32)
    W2r = jax.random.normal(ks[9], (D_HID, D_HID), dtype=jnp.float32) / np.sqrt(D_HID)
    W3l = jax.random.normal(ks[10], (D_HID, D_HID), dtype=jnp.float32) / np.sqrt(D_HID)
    b3 = jnp.zeros((D_HID,), dtype=jnp.float32)
    W3r = jax.random.normal(ks[11], (D_HID, D_HID), dtype=jnp.float32) / np.sqrt(D_HID)
    return {"node_features": node_features, "node_separation": node_separation,
            "node_ops": node_ops, "edges": edges, "batches": batches,
            "opcode_emb": opcode_emb,
            "W1l": W1l, "b1": b1, "W1r": W1r,
            "W2l": W2l, "b2": b2, "W2r": W2r,
            "W3l": W3l, "b3": b3, "W3r": W3r}


def _leaky_relu(x):
    return jnp.where(x > 0, x, 0.01 * x)


def _l2norm(x, eps=1e-12):
    n = jnp.sqrt(jnp.sum(x * x, axis=1, keepdims=True))
    return x / jnp.maximum(n, eps)


def _sage_conv(x, src, dst, Wl, bl, Wr, num_nodes):
    # PyG SAGEConv (aggr='mean'): out = lin_l(mean_{j in N(i)} x_j) + lin_r(x_i)
    msg = jnp.take(x, src, axis=0)
    agg = jax.ops.segment_sum(msg, dst, num_segments=num_nodes)
    deg = jax.ops.segment_sum(jnp.ones((src.shape[0],), dtype=x.dtype), dst, num_segments=num_nodes)
    agg = agg / jnp.maximum(deg, 1.0)[:, None]
    return agg @ Wl.T + bl + x @ Wr.T


def reference(node_features, node_separation, node_ops, edges, batches,
              opcode_emb, W1l, b1, W1r, W2l, b2, W2r, W3l, b3, W3r):
    # opcode embedding lookup + concat
    op_e = jnp.take(opcode_emb, node_ops, axis=0)
    x = jnp.concatenate([node_features, op_e], axis=1)  # [N, 128]
    src = edges[0]
    dst = edges[1]
    n = x.shape[0]
    # GraphSAGE layer 1 (128 -> 256): conv -> norm -> act
    x = _sage_conv(x, src, dst, W1l, b1, W1r, n)
    x = _l2norm(x)
    x = _leaky_relu(x)
    # layer 2 (256 -> 256): conv -> norm -> act
    x = _sage_conv(x, src, dst, W2l, b2, W2r, n)
    x = _l2norm(x)
    x = _leaky_relu(x)
    # layer 3 (256 -> 256): final conv, no norm/act (PyG BasicGNN)
    x = _sage_conv(x, src, dst, W3l, b3, W3r, n)
    return x

if __name__ == "__main__":
    import jax
    _d = setup_inputs()
    print(jax.jit(kernel)(*tuple(_d.values())))

</pallas_src>

<mosaic_0001>
#map = affine_map<(d0, d1) -> (0, 0)>
#map1 = affine_map<(d0, d1) -> (0, 0, 0)>
module attributes {stable_mosaic.version = 14 : i64} {
  func.func @_sc_agg_l1(%arg0: i32, %arg1: i32, %arg2: memref<10000x128xf32, #tpu.memory_space<hbm>>, %arg3: memref<2560x128xi32, #tpu.memory_space<hbm>>, %arg4: memref<2560x128xi32, #tpu.memory_space<hbm>>, %arg5: memref<10112x128xf32, #tpu.memory_space<hbm>>, %arg6: memref<2x10112x128xf32, #tpu.memory_space<hbm>>, %arg7: memref<2x16x128xi32, #tpu.memory_space<vmem>>, %arg8: memref<2x16x128xi32, #tpu.memory_space<vmem>>, %arg9: memref<2x128x128xf32, #tpu.memory_space<vmem>>, %arg10: memref<10112x128xf32, #tpu.memory_space<vmem_shared>>, %arg11: memref<!tpu.dma_semaphore, #tpu.memory_space<semaphore_mem>>, %arg12: memref<!tpu.dma_semaphore, #tpu.memory_space<semaphore_mem>>, %arg13: memref<!tpu.dma_semaphore, #tpu.memory_space<semaphore_mem>>) attributes {dimension_semantics = [#tpu.dimension_semantics<core_parallel>, #tpu.dimension_semantics<subcore_parallel>], iteration_bounds = array<i64: 2, 16>, scalar_prefetch = 0 : i64, scratch_operands = 7 : i64, tpu.core_type = #tpu.core_type<sc_vector_subcore>, window_params = [{transform_indices = #map}, {transform_indices = #map}, {transform_indices = #map}, {transform_indices = #map}, {transform_indices = #map1}]} {
    %mul3A = arith.constant 16 : i32
    %mul3A_0 = arith.muli %arg0, %mul3A : i32
    %add3A = arith.addi %mul3A_0, %arg1 : i32
    %mul3A_1 = arith.constant 632 : i32
    %mul3A_2 = arith.muli %arg1, %mul3A_1 : i32
    "tpu.region"() ({
      %run_scoped3A_19 = tpu.sem_alloc : memref<!tpu.dma_semaphore, #tpu.memory_space<semaphore_mem>>
      %dma_start3A = arith.constant 0 : i32
      %dma_start3A_20 = tpu.memref_slice %arg10[%mul3A_2, %dma_start3A] : memref<10112x128xf32, #tpu.memory_space<vmem_shared>> -> memref<632x128xf32, #tpu.memory_space<vmem_shared>>
      %dma_start3A_21 = arith.constant 0 : i32
      %dma_start3A_22 = tpu.memref_slice %arg5[%mul3A_2, %dma_start3A_21] : memref<10112x128xf32, #tpu.memory_space<hbm>> -> memref<632x128xf32, #tpu.memory_space<hbm>>
      tpu.enqueue_dma source(%dma_start3A_22 : memref<632x128xf32, #tpu.memory_space<hbm>>) target(%dma_start3A_20 : memref<632x128xf32, #tpu.memory_space<vmem_shared>>) target_semaphore(%run_scoped3A_19 : memref<!tpu.dma_semaphore, #tpu.memory_space<semaphore_mem>>)
      %dma_wait3A = arith.constant 0 : i32
      %dma_wait3A_23 = tpu.memref_slice %arg10[%mul3A_2, %dma_wait3A] : memref<10112x128xf32, #tpu.memory_space<vmem_shared>> -> memref<632x128xf32, #tpu.memory_space<vmem_shared>>
      %dma_wait3A_24 = arith.constant 0 : i32
      %dma_wait3A_25 = tpu.memref_slice %arg5[%mul3A_2, %dma_wait3A_24] : memref<10112x128xf32, #tpu.memory_space<hbm>> -> memref<632x128xf32, #tpu.memory_space<hbm>>
      tpu.wait_dma2 semaphore(%run_scoped3A_19 : memref<!tpu.dma_semaphore, #tpu.memory_space<semaphore_mem>>) src(%dma_wait3A_25 : memref<632x128xf32, #tpu.memory_space<hbm>>) dst(%dma_wait3A_23 : memref<632x128xf32, #tpu.memory_space<vmem_shared>>)
      tpu.yield
    }) : () -> ()
    %barrier3A = arith.constant 0 : index
    tpu.barrier barrier_id(%barrier3A)
    %mul3A_3 = arith.constant 80 : i32
    %mul3A_4 = arith.muli %add3A, %mul3A_3 : i32
    %run_scoped3A = arith.constant 0 : i32
    "tpu.region"() ({
      %run_scoped3A_19 = tpu.sem_alloc : memref<!tpu.dma_semaphore, #tpu.memory_space<semaphore_mem>>
      %dma_start3A = arith.constant 0 : i32
      %dma_start3A_20 = arith.constant 0 : i32
      %dma_start3A_21 = tpu.memref_slice %arg7[%run_scoped3A, %dma_start3A, %dma_start3A_20] : memref<2x16x128xi32, #tpu.memory_space<vmem>> -> memref<1x16x128xi32, #tpu.memory_space<vmem>>
      %dma_start3A_22 = tpu.memref_squeeze %dma_start3A_21 : memref<1x16x128xi32, #tpu.memory_space<vmem>> -> memref<16x128xi32, #tpu.memory_space<vmem>>
      %dma_start3A_23 = arith.constant 0 : i32
      %dma_start3A_24 = tpu.memref_slice %arg3[%mul3A_4, %dma_start3A_23] : memref<2560x128xi32, #tpu.memory_space<hbm>> -> memref<16x128xi32, #tpu.memory_space<hbm>>
      %dma_start3A_25 = arith.constant 0 : i32
      %dma_start3A_26 = arith.constant 0 : i32
      %dma_start3A_27 = tpu.memref_slice %arg7[%run_scoped3A, %dma_start3A_25, %dma_start3A_26] : memref<2x16x128xi32, #tpu.memory_space<vmem>> -> memref<1x16x128xi32, #tpu.memory_space<vmem>>
      %dma_start3A_28 = tpu.memref_squeeze %dma_start3A_27 : memref<1x16x128xi32, #tpu.memory_space<vmem>> -> memref<16x128xi32, #tpu.memory_space<vmem>>
      %dma_start3A_29 = arith.constant 0 : i32
      %dma_start3A_30 = tpu.memref_slice %arg3[%mul3A_4, %dma_start3A_29] : memref<2560x128xi32, #tpu.memory_space<hbm>> -> memref<16x128xi32, #tpu.memory_space<hbm>>
      tpu.enqueue_dma source(%dma_start3A_30 : memref<16x128xi32, #tpu.memory_space<hbm>>) target(%dma_start3A_28 : memref<16x128xi32, #tpu.memory_space<vmem>>) target_semaphore(%run_scoped3A_19 : memref<!tpu.dma_semaphore, #tpu.memory_space<semaphore_mem>>)
      %dma_wait3A = arith.constant 0 : i32
      %dma_wait3A_31 = arith.constant 0 : i32
      %dma_wait3A_32 = tpu.memref_slice %arg7[%run_scoped3A, %dma_wait3A, %dma_wait3A_31] : memref<2x16x128xi32, #tpu.memory_space<vmem>> -> memref<1x16x128xi32, #tpu.memory_space<vmem>>
      %dma_wait3A_33 = tpu.memref_squeeze %dma_wait3A_32 : memref<1x16x128xi32, #tpu.memory_space<vmem>> -> memref<16x128xi32, #tpu.memory_space<vmem>>
      %dma_wait3A_34 = arith.constant 0 : i32
      %dma_wait3A_35 = tpu.memref_slice %arg3[%mul3A_4, %dma_wait3A_34] : memref<2560x128xi32, #tpu.memory_space<hbm>> -> memref<16x128xi32, #tpu.memory_space<hbm>>
      %dma_wait3A_36 = arith.constant 0 : i32
      %dma_wait3A_37 = arith.constant 0 : i32
      %dma_wait3A_38 = tpu.memref_slice %arg7[%run_scoped3A, %dma_wait3A_36, %dma_wait3A_37] : memref<2x16x128xi32, #tpu.memory_space<vmem>> -> memref<1x16x128xi32, #tpu.memory_space<vmem>>
      %dma_wait3A_39 = tpu.memref_squeeze %dma_wait3A_38 : memref<1x16x128xi32, #tpu.memory_space<vmem>> -> memref<16x128xi32, #tpu.memory_space<vmem>>
      %dma_wait3A_40 = arith.constant 0 : i32
      %dma_wait3A_41 = tpu.memref_slice %arg3[%mul3A_4, %dma_wait3A_40] : memref<2560x128xi32, #tpu.memory_space<hbm>> -> memref<16x128xi32, #tpu.memory_space<hbm>>
      tpu.wait_dma2 semaphore(%run_scoped3A_19 : memref<!tpu.dma_semaphore, #tpu.memory_space<semaphore_mem>>) src(%dma_wait3A_41 : memref<16x128xi32, #tpu.memory_space<hbm>>) dst(%dma_wait3A_39 : memref<16x128xi32, #tpu.memory_space<vmem>>)
      tpu.yield
    }) : () -> ()
    %run_scoped3A_5 = arith.constant 0 : i32
    "tpu.region"() ({
      %run_scoped3A_19 = tpu.sem_alloc : memref<!tpu.dma_semaphore, #tpu.memory_space<semaphore_mem>>
      %dma_start3A = arith.constant 0 : i32
      %dma_start3A_20 = arith.constant 0 : i32
      %dma_start3A_21 = tpu.memref_slice %arg8[%run_scoped3A_5, %dma_start3A, %dma_start3A_20] : memref<2x16x128xi32, #tpu.memory_space<vmem>> -> memref<1x16x128xi32, #tpu.memory_space<vmem>>
      %dma_start3A_22 = tpu.memref_squeeze %dma_start3A_21 : memref<1x16x128xi32, #tpu.memory_space<vmem>> -> memref<16x128xi32, #tpu.memory_space<vmem>>
      %dma_start3A_23 = arith.constant 0 : i32
      %dma_start3A_24 = tpu.memref_slice %arg4[%mul3A_4, %dma_start3A_23] : memref<2560x128xi32, #tpu.memory_space<hbm>> -> memref<16x128xi32, #tpu.memory_space<hbm>>
      %dma_start3A_25 = arith.constant 0 : i32
      %dma_start3A_26 = arith.constant 0 : i32
      %dma_start3A_27 = tpu.memref_slice %arg8[%run_scoped3A_5, %dma_start3A_25, %dma_start3A_26] : memref<2x16x128xi32, #tpu.memory_space<vmem>> -> memref<1x16x128xi32, #tpu.memory_space<vmem>>
      %dma_start3A_28 = tpu.memref_squeeze %dma_start3A_27 : memref<1x16x128xi32, #tpu.memory_space<vmem>> -> memref<16x128xi32, #tpu.memory_space<vmem>>
      %dma_start3A_29 = arith.constant 0 : i32
      %dma_start3A_30 = tpu.memref_slice %arg4[%mul3A_4, %dma_start3A_29] : memref<2560x128xi32, #tpu.memory_space<hbm>> -> memref<16x128xi32, #tpu.memory_space<hbm>>
      tpu.enqueue_dma source(%dma_start3A_30 : memref<16x128xi32, #tpu.memory_space<hbm>>) target(%dma_start3A_28 : memref<16x128xi32, #tpu.memory_space<vmem>>) target_semaphore(%run_scoped3A_19 : memref<!tpu.dma_semaphore, #tpu.memory_space<semaphore_mem>>)
      %dma_wait3A = arith.constant 0 : i32
      %dma_wait3A_31 = arith.constant 0 : i32
      %dma_wait3A_32 = tpu.memref_slice %arg8[%run_scoped3A_5, %dma_wait3A, %dma_wait3A_31] : memref<2x16x128xi32, #tpu.memory_space<vmem>> -> memref<1x16x128xi32, #tpu.memory_space<vmem>>
      %dma_wait3A_33 = tpu.memref_squeeze %dma_wait3A_32 : memref<1x16x128xi32, #tpu.memory_space<vmem>> -> memref<16x128xi32, #tpu.memory_space<vmem>>
      %dma_wait3A_34 = arith.constant 0 : i32
      %dma_wait3A_35 = tpu.memref_slice %arg4[%mul3A_4, %dma_wait3A_34] : memref<2560x128xi32, #tpu.memory_space<hbm>> -> memref<16x128xi32, #tpu.memory_space<hbm>>
      %dma_wait3A_36 = arith.constant 0 : i32
      %dma_wait3A_37 = arith.constant 0 : i32
      %dma_wait3A_38 = tpu.memref_slice %arg8[%run_scoped3A_5, %dma_wait3A_36, %dma_wait3A_37] : memref<2x16x128xi32, #tpu.memory_space<vmem>> -> memref<1x16x128xi32, #tpu.memory_space<vmem>>
      %dma_wait3A_39 = tpu.memref_squeeze %dma_wait3A_38 : memref<1x16x128xi32, #tpu.memory_space<vmem>> -> memref<16x128xi32, #tpu.memory_space<vmem>>
      %dma_wait3A_40 = arith.constant 0 : i32
      %dma_wait3A_41 = tpu.memref_slice %arg4[%mul3A_4, %dma_wait3A_40] : memref<2560x128xi32, #tpu.memory_space<hbm>> -> memref<16x128xi32, #tpu.memory_space<hbm>>
      tpu.wait_dma2 semaphore(%run_scoped3A_19 : memref<!tpu.dma_semaphore, #tpu.memory_space<semaphore_mem>>) src(%dma_wait3A_41 : memref<16x128xi32, #tpu.memory_space<hbm>>) dst(%dma_wait3A_39 : memref<16x128xi32, #tpu.memory_space<vmem>>)
      tpu.yield
    }) : () -> ()
    %scan3A = arith.constant 0 : i32
    %scan3A_6 = arith.constant 0 : i32
    %scan3A_7 = arith.constant 5 : i32
    %scan3A_8 = arith.addi %scan3A_6, %scan3A_7 : i32
    %scan3A_9 = arith.constant 1 : i32
    scf.for %scan3A_19 = %scan3A_6 to %scan3A_8 step %scan3A_9  : i32 {
      %rem3A = arith.constant 2 : i32
      %rem3A_20 = arith.remsi %scan3A_19, %rem3A : i32
      %add3A_21 = arith.constant 1 : i32
      %add3A_22 = arith.addi %scan3A_19, %add3A_21 : i32
      %rem3A_23 = arith.constant 2 : i32
      %rem3A_24 = arith.remsi %add3A_22, %rem3A_23 : i32
      %add3A_25 = arith.constant 1 : i32
      %add3A_26 = arith.addi %scan3A_19, %add3A_25 : i32
      %lt3A = arith.constant 5 : i32
      %lt3A_27 = arith.cmpi slt, %add3A_26, %lt3A : i32
      %convert_element_type3A_28 = arith.extui %lt3A_27 : i1 to i32
      %cond3A_29 = arith.constant 0 : i32
      %cond3A_30 = arith.cmpi ne, %convert_element_type3A_28, %cond3A_29 : i32
      scf.if %cond3A_30 {
        %add3A_66 = arith.constant 1 : i32
        %add3A_67 = arith.addi %scan3A_19, %add3A_66 : i32
        %mul3A_68 = arith.constant 16 : i32
        %mul3A_69 = arith.muli %add3A_67, %mul3A_68 : i32
        %add3A_70 = arith.addi %mul3A_4, %mul3A_69 : i32
        %dma_start3A_71 = arith.constant 0 : i32
        %dma_start3A_72 = arith.constant 0 : i32
        %dma_start3A_73 = tpu.memref_slice %arg7[%rem3A_24, %dma_start3A_71, %dma_start3A_72] : memref<2x16x128xi32, #tpu.memory_space<vmem>> -> memref<1x16x128xi32, #tpu.memory_space<vmem>>
        %dma_start3A_74 = tpu.memref_squeeze %dma_start3A_73 : memref<1x16x128xi32, #tpu.memory_space<vmem>> -> memref<16x128xi32, #tpu.memory_space<vmem>>
        %dma_start3A_75 = arith.constant 0 : i32
        %dma_start3A_76 = tpu.memref_slice %arg3[%add3A_70, %dma_start3A_75] : memref<2560x128xi32, #tpu.memory_space<hbm>> -> memref<16x128xi32, #tpu.memory_space<hbm>>
        %dma_start3A_77 = arith.constant 0 : i32
        %dma_start3A_78 = arith.constant 0 : i32
        %dma_start3A_79 = tpu.memref_slice %arg7[%rem3A_24, %dma_start3A_77, %dma_start3A_78] : memref<2x16x128xi32, #tpu.memory_space<vmem>> -> memref<1x16x128xi32, #tpu.memory_space<vmem>>
        %dma_start3A_80 = tpu.memref_squeeze %dma_start3A_79 : memref<1x16x128xi32, #tpu.memory_space<vmem>> -> memref<16x128xi32, #tpu.memory_space<vmem>>
        %dma_start3A_81 = arith.constant 0 : i32
        %dma_start3A_82 = tpu.memref_slice %arg3[%add3A_70, %dma_start3A_81] : memref<2560x128xi32, #tpu.memory_space<hbm>> -> memref<16x128xi32, #tpu.memory_space<hbm>>
        tpu.enqueue_dma source(%dma_start3A_82 : memref<16x128xi32, #tpu.memory_space<hbm>>) target(%dma_start3A_80 : memref<16x128xi32, #tpu.memory_space<vmem>>) target_semaphore(%arg13 : memref<!tpu.dma_semaphore, #tpu.memory_space<semaphore_mem>>)
        %dma_start3A_83 = arith.constant 0 : i32
        %dma_start3A_84 = arith.constant 0 : i32
        %dma_start3A_85 = tpu.memref_slice %arg8[%rem3A_24, %dma_start3A_83, %dma_start3A_84] : memref<2x16x128xi32, #tpu.memory_space<vmem>> -> memref<1x16x128xi32, #tpu.memory_space<vmem>>
        %dma_start3A_86 = tpu.memref_squeeze %dma_start3A_85 : memref<1x16x128xi32, #tpu.memory_space<vmem>> -> memref<16x128xi32, #tpu.memory_space<vmem>>
        %dma_start3A_87 = arith.constant 0 : i32
        %dma_start3A_88 = tpu.memref_slice %arg4[%add3A_70, %dma_start3A_87] : memref<2560x128xi32, #tpu.memory_space<hbm>> -> memref<16x128xi32, #tpu.memory_space<hbm>>
        %dma_start3A_89 = arith.constant 0 : i32
        %dma_start3A_90 = arith.constant 0 : i32
        %dma_start3A_91 = tpu.memref_slice %arg8[%rem3A_24, %dma_start3A_89, %dma_start3A_90] : memref<2x16x128xi32, #tpu.memory_space<vmem>> -> memref<1x16x128xi32, #tpu.memory_space<vmem>>
        %dma_start3A_92 = tpu.memref_squeeze %dma_start3A_91 : memref<1x16x128xi32, #tpu.memory_space<vmem>> -> memref<16x128xi32, #tpu.memory_space<vmem>>
        %dma_start3A_93 = arith.constant 0 : i32
        %dma_start3A_94 = tpu.memref_slice %arg4[%add3A_70, %dma_start3A_93] : memref<2560x128xi32, #tpu.memory_space<hbm>> -> memref<16x128xi32, #tpu.memory_space<hbm>>
        tpu.enqueue_dma source(%dma_start3A_94 : memref<16x128xi32, #tpu.memory_space<hbm>>) target(%dma_start3A_92 : memref<16x128xi32, #tpu.memory_space<vmem>>) target_semaphore(%arg13 : memref<!tpu.dma_semaphore, #tpu.memory_space<semaphore_mem>>)
      } else {
      }
      %dma_start3A = arith.constant 0 : i32
      %dma_start3A_31 = arith.constant 0 : i32
      %dma_start3A_32 = arith.constant 0 : i32
      %dma_start3A_33 = arith.constant 0 : i32
      %dma_start3A_34 = tpu.memref_slice %arg9[%dma_start3A_31, %dma_start3A_32, %dma_start3A_33] : memref<2x128x128xf32, #tpu.memory_space<vmem>> -> memref<1x128x128xf32, #tpu.memory_space<vmem>>
      %dma_start3A_35 = tpu.memref_squeeze %dma_start3A_34 : memref<1x128x128xf32, #tpu.memory_space<vmem>> -> memref<128x128xf32, #tpu.memory_space<vmem>>
      %dma_start3A_36 = arith.constant 0 : i32
      %dma_start3A_37 = tpu.memref_slice %arg7[%rem3A_20, %dma_start3A, %dma_start3A_36] : memref<2x16x128xi32, #tpu.memory_space<vmem>> -> memref<1x1x128xi32, #tpu.memory_space<vmem>>
      %dma_start3A_38 = tpu.memref_squeeze %dma_start3A_37 : memref<1x1x128xi32, #tpu.memory_space<vmem>> -> memref<128xi32, #tpu.memory_space<vmem>>
      %dma_start3A_39 = arith.constant 0 : i32
      %dma_start3A_40 = arith.constant 0 : i32
      %dma_start3A_41 = tpu.memref_slice %arg2[%dma_start3A_39, %dma_start3A_40] : memref<10000x128xf32, #tpu.memory_space<hbm>> -> memref<10000x128xf32, #tpu.memory_space<hbm>>
      tpu.enqueue_indirect_dma source(%dma_start3A_41 : memref<10000x128xf32, #tpu.memory_space<hbm>>) target(%dma_start3A_35 : memref<128x128xf32, #tpu.memory_space<vmem>>) offsets(%dma_start3A_38 : memref<128xi32, #tpu.memory_space<vmem>>) semaphore(%arg11 : memref<!tpu.dma_semaphore, #tpu.memory_space<semaphore_mem>>)
      %scan3A_42 = arith.constant 0 : i32
      %scan3A_43 = arith.constant 0 : i32
      %scan3A_44 = arith.constant 16 : i32
      %scan3A_45 = arith.addi %scan3A_43, %scan3A_44 : i32
      %scan3A_46 = arith.constant 1 : i32
      scf.for %scan3A_66 = %scan3A_43 to %scan3A_45 step %scan3A_46  : i32 {
        %rem3A_67 = arith.constant 2 : i32
        %rem3A_68 = arith.remsi %scan3A_66, %rem3A_67 : i32
        %add3A_69 = arith.constant 1 : i32
        %add3A_70 = arith.addi %scan3A_66, %add3A_69 : i32
        %rem3A_71 = arith.constant 2 : i32
        %rem3A_72 = arith.remsi %add3A_70, %rem3A_71 : i32
        %gt3A = arith.constant 0 : i32
        %gt3A_73 = arith.cmpi sgt, %scan3A_66, %gt3A : i32
        %convert_element_type3A_74 = arith.extui %gt3A_73 : i1 to i32
        %cond3A_75 = arith.constant 0 : i32
        %cond3A_76 = arith.cmpi ne, %convert_element_type3A_74, %cond3A_75 : i32
        scf.if %cond3A_76 {
          %sub3A = arith.constant 1 : i32
          %sub3A_104 = arith.subi %scan3A_66, %sub3A : i32
          %dma_wait3A_105 = arith.constant 0 : i32
          %dma_wait3A_106 = arith.constant 0 : i32
          %dma_wait3A_107 = tpu.memref_slice %arg9[%rem3A_72, %dma_wait3A_105, %dma_wait3A_106] : memref<2x128x128xf32, #tpu.memory_space<vmem>> -> memref<1x128x128xf32, #tpu.memory_space<vmem>>
          %dma_wait3A_108 = tpu.memref_squeeze %dma_wait3A_107 : memref<1x128x128xf32, #tpu.memory_space<vmem>> -> memref<128x128xf32, #tpu.memory_space<vmem>>
          %dma_wait3A_109 = arith.constant 0 : i32
          %dma_wait3A_110 = tpu.memref_slice %arg8[%rem3A_20, %sub3A_104, %dma_wait3A_109] : memref<2x16x128xi32, #tpu.memory_space<vmem>> -> memref<1x1x128xi32, #tpu.memory_space<vmem>>
          %dma_wait3A_111 = tpu.memref_squeeze %dma_wait3A_110 : memref<1x1x128xi32, #tpu.memory_space<vmem>> -> memref<128xi32, #tpu.memory_space<vmem>>
          %dma_wait3A_112 = arith.constant 0 : i32
          %dma_wait3A_113 = arith.constant 0 : i32
          %dma_wait3A_114 = tpu.memref_slice %arg10[%dma_wait3A_112, %dma_wait3A_113] : memref<10112x128xf32, #tpu.memory_space<vmem_shared>> -> memref<10112x128xf32, #tpu.memory_space<vmem_shared>>
          tpu.wait_indirect_dma semaphore(%arg12 : memref<!tpu.dma_semaphore, #tpu.memory_space<semaphore_mem>>) src(%dma_wait3A_108 : memref<128x128xf32, #tpu.memory_space<vmem>>) dst(%dma_wait3A_114 : memref<10112x128xf32, #tpu.memory_space<vmem_shared>>)
        } else {
        }
        %add3A_77 = arith.constant 1 : i32
        %add3A_78 = arith.addi %scan3A_66, %add3A_77 : i32
        %lt3A_79 = arith.constant 16 : i32
        %lt3A_80 = arith.cmpi slt, %add3A_78, %lt3A_79 : i32
        %convert_element_type3A_81 = arith.extui %lt3A_80 : i1 to i32
        %cond3A_82 = arith.constant 0 : i32
        %cond3A_83 = arith.cmpi ne, %convert_element_type3A_81, %cond3A_82 : i32
        scf.if %cond3A_83 {
          %add3A_104 = arith.constant 1 : i32
          %add3A_105 = arith.addi %scan3A_66, %add3A_104 : i32
          %dma_start3A_106 = arith.constant 0 : i32
          %dma_start3A_107 = arith.constant 0 : i32
          %dma_start3A_108 = tpu.memref_slice %arg9[%rem3A_72, %dma_start3A_106, %dma_start3A_107] : memref<2x128x128xf32, #tpu.memory_space<vmem>> -> memref<1x128x128xf32, #tpu.memory_space<vmem>>
          %dma_start3A_109 = tpu.memref_squeeze %dma_start3A_108 : memref<1x128x128xf32, #tpu.memory_space<vmem>> -> memref<128x128xf32, #tpu.memory_space<vmem>>
          %dma_start3A_110 = arith.constant 0 : i32
          %dma_start3A_111 = tpu.memref_slice %arg7[%rem3A_20, %add3A_105, %dma_start3A_110] : memref<2x16x128xi32, #tpu.memory_space<vmem>> -> memref<1x1x128xi32, #tpu.memory_space<vmem>>
          %dma_start3A_112 = tpu.memref_squeeze %dma_start3A_111 : memref<1x1x128xi32, #tpu.memory_space<vmem>> -> memref<128xi32, #tpu.memory_space<vmem>>
          %dma_start3A_113 = arith.constant 0 : i32
          %dma_start3A_114 = arith.constant 0 : i32
          %dma_start3A_115 = tpu.memref_slice %arg2[%dma_start3A_113, %dma_start3A_114] : memref<10000x128xf32, #tpu.memory_space<hbm>> -> memref<10000x128xf32, #tpu.memory_space<hbm>>
          tpu.enqueue_indirect_dma source(%dma_start3A_115 : memref<10000x128xf32, #tpu.memory_space<hbm>>) target(%dma_start3A_109 : memref<128x128xf32, #tpu.memory_space<vmem>>) offsets(%dma_start3A_112 : memref<128xi32, #tpu.memory_space<vmem>>) semaphore(%arg11 : memref<!tpu.dma_semaphore, #tpu.memory_space<semaphore_mem>>)
        } else {
        }
        %dma_wait3A_84 = arith.constant 0 : i32
        %dma_wait3A_85 = arith.constant 0 : i32
        %dma_wait3A_86 = tpu.memref_slice %arg9[%rem3A_68, %dma_wait3A_84, %dma_wait3A_85] : memref<2x128x128xf32, #tpu.memory_space<vmem>> -> memref<1x128x128xf32, #tpu.memory_space<vmem>>
        %dma_wait3A_87 = tpu.memref_squeeze %dma_wait3A_86 : memref<1x128x128xf32, #tpu.memory_space<vmem>> -> memref<128x128xf32, #tpu.memory_space<vmem>>
        %dma_wait3A_88 = arith.constant 0 : i32
        %dma_wait3A_89 = tpu.memref_slice %arg7[%rem3A_20, %scan3A_66, %dma_wait3A_88] : memref<2x16x128xi32, #tpu.memory_space<vmem>> -> memref<1x1x128xi32, #tpu.memory_space<vmem>>
        %dma_wait3A_90 = tpu.memref_squeeze %dma_wait3A_89 : memref<1x1x128xi32, #tpu.memory_space<vmem>> -> memref<128xi32, #tpu.memory_space<vmem>>
        %dma_wait3A_91 = arith.constant 0 : i32
        %dma_wait3A_92 = arith.constant 0 : i32
        %dma_wait3A_93 = tpu.memref_slice %arg2[%dma_wait3A_91, %dma_wait3A_92] : memref<10000x128xf32, #tpu.memory_space<hbm>> -> memref<10000x128xf32, #tpu.memory_space<hbm>>
        tpu.wait_indirect_dma semaphore(%arg11 : memref<!tpu.dma_semaphore, #tpu.memory_space<semaphore_mem>>) src(%dma_wait3A_93 : memref<10000x128xf32, #tpu.memory_space<hbm>>) dst(%dma_wait3A_87 : memref<128x128xf32, #tpu.memory_space<vmem>>)
        %dma_start3A_94 = arith.constant 0 : i32
        %dma_start3A_95 = arith.constant 0 : i32
        %dma_start3A_96 = tpu.memref_slice %arg9[%rem3A_68, %dma_start3A_94, %dma_start3A_95] : memref<2x128x128xf32, #tpu.memory_space<vmem>> -> memref<1x128x128xf32, #tpu.memory_space<vmem>>
        %dma_start3A_97 = tpu.memref_squeeze %dma_start3A_96 : memref<1x128x128xf32, #tpu.memory_space<vmem>> -> memref<128x128xf32, #tpu.memory_space<vmem>>
        %dma_start3A_98 = arith.constant 0 : i32
        %dma_start3A_99 = tpu.memref_slice %arg8[%rem3A_20, %scan3A_66, %dma_start3A_98] : memref<2x16x128xi32, #tpu.memory_space<vmem>> -> memref<1x1x128xi32, #tpu.memory_space<vmem>>
        %dma_start3A_100 = tpu.memref_squeeze %dma_start3A_99 : memref<1x1x128xi32, #tpu.memory_space<vmem>> -> memref<128xi32, #tpu.memory_space<vmem>>
        %dma_start3A_101 = arith.constant 0 : i32
        %dma_start3A_102 = arith.constant 0 : i32
        %dma_start3A_103 = tpu.memref_slice %arg10[%dma_start3A_101, %dma_start3A_102] : memref<10112x128xf32, #tpu.memory_space<vmem_shared>> -> memref<10112x128xf32, #tpu.memory_space<vmem_shared>>
        tpu.enqueue_indirect_dma source(%dma_start3A_97 : memref<128x128xf32, #tpu.memory_space<vmem>>) target(%dma_start3A_103 : memref<10112x128xf32, #tpu.memory_space<vmem_shared>>) offsets(%dma_start3A_100 : memref<128xi32, #tpu.memory_space<vmem>>) semaphore(%arg12 : memref<!tpu.dma_semaphore, #tpu.memory_space<semaphore_mem>>) {add = true}
      }
      %scan3A_47 = arith.constant 16 : i32
      %dma_wait3A = arith.constant 1 : i32
      %dma_wait3A_48 = arith.constant 15 : i32
      %dma_wait3A_49 = arith.constant 0 : i32
      %dma_wait3A_50 = arith.constant 0 : i32
      %dma_wait3A_51 = tpu.memref_slice %arg9[%dma_wait3A, %dma_wait3A_49, %dma_wait3A_50] : memref<2x128x128xf32, #tpu.memory_space<vmem>> -> memref<1x128x128xf32, #tpu.memory_space<vmem>>
      %dma_wait3A_52 = tpu.memref_squeeze %dma_wait3A_51 : memref<1x128x128xf32, #tpu.memory_space<vmem>> -> memref<128x128xf32, #tpu.memory_space<vmem>>
      %dma_wait3A_53 = arith.constant 0 : i32
      %dma_wait3A_54 = tpu.memref_slice %arg8[%rem3A_20, %dma_wait3A_48, %dma_wait3A_53] : memref<2x16x128xi32, #tpu.memory_space<vmem>> -> memref<1x1x128xi32, #tpu.memory_space<vmem>>
      %dma_wait3A_55 = tpu.memref_squeeze %dma_wait3A_54 : memref<1x1x128xi32, #tpu.memory_space<vmem>> -> memref<128xi32, #tpu.memory_space<vmem>>
      %dma_wait3A_56 = arith.constant 0 : i32
      %dma_wait3A_57 = arith.constant 0 : i32
      %dma_wait3A_58 = tpu.memref_slice %arg10[%dma_wait3A_56, %dma_wait3A_57] : memref<10112x128xf32, #tpu.memory_space<vmem_shared>> -> memref<10112x128xf32, #tpu.memory_space<vmem_shared>>
      tpu.wait_indirect_dma semaphore(%arg12 : memref<!tpu.dma_semaphore, #tpu.memory_space<semaphore_mem>>) src(%dma_wait3A_52 : memref<128x128xf32, #tpu.memory_space<vmem>>) dst(%dma_wait3A_58 : memref<10112x128xf32, #tpu.memory_space<vmem_shared>>)
      %add3A_59 = arith.constant 1 : i32
      %add3A_60 = arith.addi %scan3A_19, %add3A_59 : i32
      %lt3A_61 = arith.constant 5 : i32
      %lt3A_62 = arith.cmpi slt, %add3A_60, %lt3A_61 : i32
      %convert_element_type3A_63 = arith.extui %lt3A_62 : i1 to i32
      %cond3A_64 = arith.constant 0 : i32
      %cond3A_65 = arith.cmpi ne, %convert_element_type3A_63, %cond3A_64 : i32
      scf.if %cond3A_65 {
        %dma_wait3A_66 = arith.constant 0 : i32
        %dma_wait3A_67 = arith.constant 0 : i32
        %dma_wait3A_68 = tpu.memref_slice %arg7[%rem3A_24, %dma_wait3A_66, %dma_wait3A_67] : memref<2x16x128xi32, #tpu.memory_space<vmem>> -> memref<1x16x128xi32, #tpu.memory_space<vmem>>
        %dma_wait3A_69 = tpu.memref_squeeze %dma_wait3A_68 : memref<1x16x128xi32, #tpu.memory_space<vmem>> -> memref<16x128xi32, #tpu.memory_space<vmem>>
        %dma_wait3A_70 = arith.constant 0 : i32
        %dma_wait3A_71 = tpu.memref_slice %arg3[%mul3A_4, %dma_wait3A_70] : memref<2560x128xi32, #tpu.memory_space<hbm>> -> memref<16x128xi32, #tpu.memory_space<hbm>>
        %dma_wait3A_72 = arith.constant 0 : i32
        %dma_wait3A_73 = arith.constant 0 : i32
        %dma_wait3A_74 = tpu.memref_slice %arg7[%rem3A_24, %dma_wait3A_72, %dma_wait3A_73] : memref<2x16x128xi32, #tpu.memory_space<vmem>> -> memref<1x16x128xi32, #tpu.memory_space<vmem>>
        %dma_wait3A_75 = tpu.memref_squeeze %dma_wait3A_74 : memref<1x16x128xi32, #tpu.memory_space<vmem>> -> memref<16x128xi32, #tpu.memory_space<vmem>>
        %dma_wait3A_76 = arith.constant 0 : i32
        %dma_wait3A_77 = tpu.memref_slice %arg3[%mul3A_4, %dma_wait3A_76] : memref<2560x128xi32, #tpu.memory_space<hbm>> -> memref<16x128xi32, #tpu.memory_space<hbm>>
        tpu.wait_dma2 semaphore(%arg13 : memref<!tpu.dma_semaphore, #tpu.memory_space<semaphore_mem>>) src(%dma_wait3A_77 : memref<16x128xi32, #tpu.memory_space<hbm>>) dst(%dma_wait3A_75 : memref<16x128xi32, #tpu.memory_space<vmem>>)
        %dma_wait3A_78 = arith.constant 0 : i32
        %dma_wait3A_79 = arith.constant 0 : i32
        %dma_wait3A_80 = tpu.memref_slice %arg8[%rem3A_24, %dma_wait3A_78, %dma_wait3A_79] : memref<2x16x128xi32, #tpu.memory_space<vmem>> -> memref<1x16x128xi32, #tpu.memory_space<vmem>>
        %dma_wait3A_81 = tpu.memref_squeeze %dma_wait3A_80 : memref<1x16x128xi32, #tpu.memory_space<vmem>> -> memref<16x128xi32, #tpu.memory_space<vmem>>
        %dma_wait3A_82 = arith.constant 0 : i32
        %dma_wait3A_83 = tpu.memref_slice %arg4[%mul3A_4, %dma_wait3A_82] : memref<2560x128xi32, #tpu.memory_space<hbm>> -> memref<16x128xi32, #tpu.memory_space<hbm>>
        %dma_wait3A_84 = arith.constant 0 : i32
        %dma_wait3A_85 = arith.constant 0 : i32
        %dma_wait3A_86 = tpu.memref_slice %arg8[%rem3A_24, %dma_wait3A_84, %dma_wait3A_85] : memref<2x16x128xi32, #tpu.memory_space<vmem>> -> memref<1x16x128xi32, #tpu.memory_space<vmem>>
        %dma_wait3A_87 = tpu.memref_squeeze %dma_wait3A_86 : memref<1x16x128xi32, #tpu.memory_space<vmem>> -> memref<16x128xi32, #tpu.memory_space<vmem>>
        %dma_wait3A_88 = arith.constant 0 : i32
        %dma_wait3A_89 = tpu.memref_slice %arg4[%mul3A_4, %dma_wait3A_88] : memref<2560x128xi32, #tpu.memory_space<hbm>> -> memref<16x128xi32, #tpu.memory_space<hbm>>
        tpu.wait_dma2 semaphore(%arg13 : memref<!tpu.dma_semaphore, #tpu.memory_space<semaphore_mem>>) src(%dma_wait3A_89 : memref<16x128xi32, #tpu.memory_space<hbm>>) dst(%dma_wait3A_87 : memref<16x128xi32, #tpu.memory_space<vmem>>)
      } else {
      }
    }
    %scan3A_10 = arith.constant 5 : i32
    %barrier3A_11 = arith.constant 0 : index
    tpu.barrier barrier_id(%barrier3A_11)
    %eq3A = arith.constant 0 : i32
    %eq3A_12 = arith.cmpi eq, %arg0, %eq3A : i32
    %convert_element_type3A = arith.extui %eq3A_12 : i1 to i32
    %cond3A = arith.constant 0 : i32
    %cond3A_13 = arith.cmpi ne, %convert_element_type3A, %cond3A : i32
    scf.if %cond3A_13 {
      %run_scoped3A_19 = arith.constant 0 : i32
      "tpu.region"() ({
        %run_scoped3A_20 = tpu.sem_alloc : memref<!tpu.dma_semaphore, #tpu.memory_space<semaphore_mem>>
        %dma_start3A = arith.constant 0 : i32
        %dma_start3A_21 = tpu.memref_slice %arg6[%run_scoped3A_19, %mul3A_2, %dma_start3A] : memref<2x10112x128xf32, #tpu.memory_space<hbm>> -> memref<1x632x128xf32, #tpu.memory_space<hbm>>
        %dma_start3A_22 = tpu.memref_squeeze %dma_start3A_21 : memref<1x632x128xf32, #tpu.memory_space<hbm>> -> memref<632x128xf32, #tpu.memory_space<hbm>>
        %dma_start3A_23 = arith.constant 0 : i32
        %dma_start3A_24 = tpu.memref_slice %arg10[%mul3A_2, %dma_start3A_23] : memref<10112x128xf32, #tpu.memory_space<vmem_shared>> -> memref<632x128xf32, #tpu.memory_space<vmem_shared>>
        tpu.enqueue_dma source(%dma_start3A_24 : memref<632x128xf32, #tpu.memory_space<vmem_shared>>) target(%dma_start3A_22 : memref<632x128xf32, #tpu.memory_space<hbm>>) target_semaphore(%run_scoped3A_20 : memref<!tpu.dma_semaphore, #tpu.memory_space<semaphore_mem>>)
        %dma_wait3A = arith.constant 0 : i32
        %dma_wait3A_25 = tpu.memref_slice %arg6[%run_scoped3A_19, %mul3A_2, %dma_wait3A] : memref<2x10112x128xf32, #tpu.memory_space<hbm>> -> memref<1x632x128xf32, #tpu.memory_space<hbm>>
        %dma_wait3A_26 = tpu.memref_squeeze %dma_wait3A_25 : memref<1x632x128xf32, #tpu.memory_space<hbm>> -> memref<632x128xf32, #tpu.memory_space<hbm>>
        %dma_wait3A_27 = arith.constant 0 : i32
        %dma_wait3A_28 = tpu.memref_slice %arg10[%mul3A_2, %dma_wait3A_27] : memref<10112x128xf32, #tpu.memory_space<vmem_shared>> -> memref<632x128xf32, #tpu.memory_space<vmem_shared>>
        tpu.wait_dma2 semaphore(%run_scoped3A_20 : memref<!tpu.dma_semaphore, #tpu.memory_space<semaphore_mem>>) src(%dma_wait3A_28 : memref<632x128xf32, #tpu.memory_space<vmem_shared>>) dst(%dma_wait3A_26 : memref<632x128xf32, #tpu.memory_space<hbm>>)
        tpu.yield
      }) : () -> ()
    } else {
    }
    %eq3A_14 = arith.constant 1 : i32
    %eq3A_15 = arith.cmpi eq, %arg0, %eq3A_14 : i32
    %convert_element_type3A_16 = arith.extui %eq3A_15 : i1 to i32
    %cond3A_17 = arith.constant 0 : i32
    %cond3A_18 = arith.cmpi ne, %convert_element_type3A_16, %cond3A_17 : i32
    scf.if %cond3A_18 {
      %run_scoped3A_19 = arith.constant 1 : i32
      "tpu.region"() ({
        %run_scoped3A_20 = tpu.sem_alloc : memref<!tpu.dma_semaphore, #tpu.memory_space<semaphore_mem>>
        %dma_start3A = arith.constant 0 : i32
        %dma_start3A_21 = tpu.memref_slice %arg6[%run_scoped3A_19, %mul3A_2, %dma_start3A] : memref<2x10112x128xf32, #tpu.memory_space<hbm>> -> memref<1x632x128xf32, #tpu.memory_space<hbm>>
        %dma_start3A_22 = tpu.memref_squeeze %dma_start3A_21 : memref<1x632x128xf32, #tpu.memory_space<hbm>> -> memref<632x128xf32, #tpu.memory_space<hbm>>
        %dma_start3A_23 = arith.constant 0 : i32
        %dma_start3A_24 = tpu.memref_slice %arg10[%mul3A_2, %dma_start3A_23] : memref<10112x128xf32, #tpu.memory_space<vmem_shared>> -> memref<632x128xf32, #tpu.memory_space<vmem_shared>>
        tpu.enqueue_dma source(%dma_start3A_24 : memref<632x128xf32, #tpu.memory_space<vmem_shared>>) target(%dma_start3A_22 : memref<632x128xf32, #tpu.memory_space<hbm>>) target_semaphore(%run_scoped3A_20 : memref<!tpu.dma_semaphore, #tpu.memory_space<semaphore_mem>>)
        %dma_wait3A = arith.constant 0 : i32
        %dma_wait3A_25 = tpu.memref_slice %arg6[%run_scoped3A_19, %mul3A_2, %dma_wait3A] : memref<2x10112x128xf32, #tpu.memory_space<hbm>> -> memref<1x632x128xf32, #tpu.memory_space<hbm>>
        %dma_wait3A_26 = tpu.memref_squeeze %dma_wait3A_25 : memref<1x632x128xf32, #tpu.memory_space<hbm>> -> memref<632x128xf32, #tpu.memory_space<hbm>>
        %dma_wait3A_27 = arith.constant 0 : i32
        %dma_wait3A_28 = tpu.memref_slice %arg10[%mul3A_2, %dma_wait3A_27] : memref<10112x128xf32, #tpu.memory_space<vmem_shared>> -> memref<632x128xf32, #tpu.memory_space<vmem_shared>>
        tpu.wait_dma2 semaphore(%run_scoped3A_20 : memref<!tpu.dma_semaphore, #tpu.memory_space<semaphore_mem>>) src(%dma_wait3A_28 : memref<632x128xf32, #tpu.memory_space<vmem_shared>>) dst(%dma_wait3A_26 : memref<632x128xf32, #tpu.memory_space<hbm>>)
        tpu.yield
      }) : () -> ()
    } else {
    }
    return
  }
}

#map = affine_map<(d0, d1) -> (0, 0)>
#map1 = affine_map<(d0, d1) -> (0, 0, 0)>
module attributes {stable_mosaic.version = 14 : i64} {
  func.func @_sc_agg_h2(%arg0: i32, %arg1: i32, %arg2: memref<10000x128xf32, #tpu.memory_space<hbm>>, %arg3: memref<10000x128xf32, #tpu.memory_space<hbm>>, %arg4: memref<2560x128xi32, #tpu.memory_space<hbm>>, %arg5: memref<2560x128xi32, #tpu.memory_space<hbm>>, %arg6: memref<10112x128xf32, #tpu.memory_space<hbm>>, %arg7: memref<2x10112x128xf32, #tpu.memory_space<hbm>>, %arg8: memref<2x32x128xi32, #tpu.memory_space<vmem>>, %arg9: memref<2x32x128xi32, #tpu.memory_space<vmem>>, %arg10: memref<2x128x128xf32, #tpu.memory_space<vmem>>, %arg11: memref<10112x128xf32, #tpu.memory_space<vmem_shared>>, %arg12: memref<!tpu.dma_semaphore, #tpu.memory_space<semaphore_mem>>, %arg13: memref<!tpu.dma_semaphore, #tpu.memory_space<semaphore_mem>>, %arg14: memref<!tpu.dma_semaphore, #tpu.memory_space<semaphore_mem>>) attributes {dimension_semantics = [#tpu.dimension_semantics<core_parallel>, #tpu.dimension_semantics<subcore_parallel>], iteration_bounds = array<i64: 2, 16>, scalar_prefetch = 0 : i64, scratch_operands = 7 : i64, tpu.core_type = #tpu.core_type<sc_vector_subcore>, window_params = [{transform_indices = #map}, {transform_indices = #map}, {transform_indices = #map}, {transform_indices = #map}, {transform_indices = #map}, {transform_indices = #map1}]} {
    %mul3A = arith.constant 632 : i32
    %mul3A_0 = arith.muli %arg1, %mul3A : i32
    "tpu.region"() ({
      %run_scoped3A_17 = tpu.sem_alloc : memref<!tpu.dma_semaphore, #tpu.memory_space<semaphore_mem>>
      %dma_start3A = arith.constant 0 : i32
      %dma_start3A_18 = tpu.memref_slice %arg11[%mul3A_0, %dma_start3A] : memref<10112x128xf32, #tpu.memory_space<vmem_shared>> -> memref<632x128xf32, #tpu.memory_space<vmem_shared>>
      %dma_start3A_19 = arith.constant 0 : i32
      %dma_start3A_20 = tpu.memref_slice %arg6[%mul3A_0, %dma_start3A_19] : memref<10112x128xf32, #tpu.memory_space<hbm>> -> memref<632x128xf32, #tpu.memory_space<hbm>>
      tpu.enqueue_dma source(%dma_start3A_20 : memref<632x128xf32, #tpu.memory_space<hbm>>) target(%dma_start3A_18 : memref<632x128xf32, #tpu.memory_space<vmem_shared>>) target_semaphore(%run_scoped3A_17 : memref<!tpu.dma_semaphore, #tpu.memory_space<semaphore_mem>>)
      %dma_wait3A = arith.constant 0 : i32
      %dma_wait3A_21 = tpu.memref_slice %arg11[%mul3A_0, %dma_wait3A] : memref<10112x128xf32, #tpu.memory_space<vmem_shared>> -> memref<632x128xf32, #tpu.memory_space<vmem_shared>>
      %dma_wait3A_22 = arith.constant 0 : i32
      %dma_wait3A_23 = tpu.memref_slice %arg6[%mul3A_0, %dma_wait3A_22] : memref<10112x128xf32, #tpu.memory_space<hbm>> -> memref<632x128xf32, #tpu.memory_space<hbm>>
      tpu.wait_dma2 semaphore(%run_scoped3A_17 : memref<!tpu.dma_semaphore, #tpu.memory_space<semaphore_mem>>) src(%dma_wait3A_23 : memref<632x128xf32, #tpu.memory_space<hbm>>) dst(%dma_wait3A_21 : memref<632x128xf32, #tpu.memory_space<vmem_shared>>)
      tpu.yield
    }) : () -> ()
    %barrier3A = arith.constant 0 : index
    tpu.barrier barrier_id(%barrier3A)
    %mul3A_1 = arith.constant 160 : i32
    %mul3A_2 = arith.muli %arg1, %mul3A_1 : i32
    %run_scoped3A = arith.constant 0 : i32
    "tpu.region"() ({
      %run_scoped3A_17 = tpu.sem_alloc : memref<!tpu.dma_semaphore, #tpu.memory_space<semaphore_mem>>
      %dma_start3A = arith.constant 0 : i32
      %dma_start3A_18 = arith.constant 0 : i32
      %dma_start3A_19 = tpu.memref_slice %arg8[%run_scoped3A, %dma_start3A, %dma_start3A_18] : memref<2x32x128xi32, #tpu.memory_space<vmem>> -> memref<1x32x128xi32, #tpu.memory_space<vmem>>
      %dma_start3A_20 = tpu.memref_squeeze %dma_start3A_19 : memref<1x32x128xi32, #tpu.memory_space<vmem>> -> memref<32x128xi32, #tpu.memory_space<vmem>>
      %dma_start3A_21 = arith.constant 0 : i32
      %dma_start3A_22 = tpu.memref_slice %arg4[%mul3A_2, %dma_start3A_21] : memref<2560x128xi32, #tpu.memory_space<hbm>> -> memref<32x128xi32, #tpu.memory_space<hbm>>
      %dma_start3A_23 = arith.constant 0 : i32
      %dma_start3A_24 = arith.constant 0 : i32
      %dma_start3A_25 = tpu.memref_slice %arg8[%run_scoped3A, %dma_start3A_23, %dma_start3A_24] : memref<2x32x128xi32, #tpu.memory_space<vmem>> -> memref<1x32x128xi32, #tpu.memory_space<vmem>>
      %dma_start3A_26 = tpu.memref_squeeze %dma_start3A_25 : memref<1x32x128xi32, #tpu.memory_space<vmem>> -> memref<32x128xi32, #tpu.memory_space<vmem>>
      %dma_start3A_27 = arith.constant 0 : i32
      %dma_start3A_28 = tpu.memref_slice %arg4[%mul3A_2, %dma_start3A_27] : memref<2560x128xi32, #tpu.memory_space<hbm>> -> memref<32x128xi32, #tpu.memory_space<hbm>>
      tpu.enqueue_dma source(%dma_start3A_28 : memref<32x128xi32, #tpu.memory_space<hbm>>) target(%dma_start3A_26 : memref<32x128xi32, #tpu.memory_space<vmem>>) target_semaphore(%run_scoped3A_17 : memref<!tpu.dma_semaphore, #tpu.memory_space<semaphore_mem>>)
      %dma_wait3A = arith.constant 0 : i32
      %dma_wait3A_29 = arith.constant 0 : i32
      %dma_wait3A_30 = tpu.memref_slice %arg8[%run_scoped3A, %dma_wait3A, %dma_wait3A_29] : memref<2x32x128xi32, #tpu.memory_space<vmem>> -> memref<1x32x128xi32, #tpu.memory_space<vmem>>
      %dma_wait3A_31 = tpu.memref_squeeze %dma_wait3A_30 : memref<1x32x128xi32, #tpu.memory_space<vmem>> -> memref<32x128xi32, #tpu.memory_space<vmem>>
      %dma_wait3A_32 = arith.constant 0 : i32
      %dma_wait3A_33 = tpu.memref_slice %arg4[%mul3A_2, %dma_wait3A_32] : memref<2560x128xi32, #tpu.memory_space<hbm>> -> memref<32x128xi32, #tpu.memory_space<hbm>>
      %dma_wait3A_34 = arith.constant 0 : i32
      %dma_wait3A_35 = arith.constant 0 : i32
      %dma_wait3A_36 = tpu.memref_slice %arg8[%run_scoped3A, %dma_wait3A_34, %dma_wait3A_35] : memref<2x32x128xi32, #tpu.memory_space<vmem>> -> memref<1x32x128xi32, #tpu.memory_space<vmem>>
      %dma_wait3A_37 = tpu.memref_squeeze %dma_wait3A_36 : memref<1x32x128xi32, #tpu.memory_space<vmem>> -> memref<32x128xi32, #tpu.memory_space<vmem>>
      %dma_wait3A_38 = arith.constant 0 : i32
      %dma_wait3A_39 = tpu.memref_slice %arg4[%mul3A_2, %dma_wait3A_38] : memref<2560x128xi32, #tpu.memory_space<hbm>> -> memref<32x128xi32, #tpu.memory_space<hbm>>
      tpu.wait_dma2 semaphore(%run_scoped3A_17 : memref<!tpu.dma_semaphore, #tpu.memory_space<semaphore_mem>>) src(%dma_wait3A_39 : memref<32x128xi32, #tpu.memory_space<hbm>>) dst(%dma_wait3A_37 : memref<32x128xi32, #tpu.memory_space<vmem>>)
      tpu.yield
    }) : () -> ()
    %run_scoped3A_3 = arith.constant 0 : i32
    "tpu.region"() ({
      %run_scoped3A_17 = tpu.sem_alloc : memref<!tpu.dma_semaphore, #tpu.memory_space<semaphore_mem>>
      %dma_start3A = arith.constant 0 : i32
      %dma_start3A_18 = arith.constant 0 : i32
      %dma_start3A_19 = tpu.memref_slice %arg9[%run_scoped3A_3, %dma_start3A, %dma_start3A_18] : memref<2x32x128xi32, #tpu.memory_space<vmem>> -> memref<1x32x128xi32, #tpu.memory_space<vmem>>
      %dma_start3A_20 = tpu.memref_squeeze %dma_start3A_19 : memref<1x32x128xi32, #tpu.memory_space<vmem>> -> memref<32x128xi32, #tpu.memory_space<vmem>>
      %dma_start3A_21 = arith.constant 0 : i32
      %dma_start3A_22 = tpu.memref_slice %arg5[%mul3A_2, %dma_start3A_21] : memref<2560x128xi32, #tpu.memory_space<hbm>> -> memref<32x128xi32, #tpu.memory_space<hbm>>
      %dma_start3A_23 = arith.constant 0 : i32
      %dma_start3A_24 = arith.constant 0 : i32
      %dma_start3A_25 = tpu.memref_slice %arg9[%run_scoped3A_3, %dma_start3A_23, %dma_start3A_24] : memref<2x32x128xi32, #tpu.memory_space<vmem>> -> memref<1x32x128xi32, #tpu.memory_space<vmem>>
      %dma_start3A_26 = tpu.memref_squeeze %dma_start3A_25 : memref<1x32x128xi32, #tpu.memory_space<vmem>> -> memref<32x128xi32, #tpu.memory_space<vmem>>
      %dma_start3A_27 = arith.constant 0 : i32
      %dma_start3A_28 = tpu.memref_slice %arg5[%mul3A_2, %dma_start3A_27] : memref<2560x128xi32, #tpu.memory_space<hbm>> -> memref<32x128xi32, #tpu.memory_space<hbm>>
      tpu.enqueue_dma source(%dma_start3A_28 : memref<32x128xi32, #tpu.memory_space<hbm>>) target(%dma_start3A_26 : memref<32x128xi32, #tpu.memory_space<vmem>>) target_semaphore(%run_scoped3A_17 : memref<!tpu.dma_semaphore, #tpu.memory_space<semaphore_mem>>)
      %dma_wait3A = arith.constant 0 : i32
      %dma_wait3A_29 = arith.constant 0 : i32
      %dma_wait3A_30 = tpu.memref_slice %arg9[%run_scoped3A_3, %dma_wait3A, %dma_wait3A_29] : memref<2x32x128xi32, #tpu.memory_space<vmem>> -> memref<1x32x128xi32, #tpu.memory_space<vmem>>
      %dma_wait3A_31 = tpu.memref_squeeze %dma_wait3A_30 : memref<1x32x128xi32, #tpu.memory_space<vmem>> -> memref<32x128xi32, #tpu.memory_space<vmem>>
      %dma_wait3A_32 = arith.constant 0 : i32
      %dma_wait3A_33 = tpu.memref_slice %arg5[%mul3A_2, %dma_wait3A_32] : memref<2560x128xi32, #tpu.memory_space<hbm>> -> memref<32x128xi32, #tpu.memory_space<hbm>>
      %dma_wait3A_34 = arith.constant 0 : i32
      %dma_wait3A_35 = arith.constant 0 : i32
      %dma_wait3A_36 = tpu.memref_slice %arg9[%run_scoped3A_3, %dma_wait3A_34, %dma_wait3A_35] : memref<2x32x128xi32, #tpu.memory_space<vmem>> -> memref<1x32x128xi32, #tpu.memory_space<vmem>>
      %dma_wait3A_37 = tpu.memref_squeeze %dma_wait3A_36 : memref<1x32x128xi32, #tpu.memory_space<vmem>> -> memref<32x128xi32, #tpu.memory_space<vmem>>
      %dma_wait3A_38 = arith.constant 0 : i32
      %dma_wait3A_39 = tpu.memref_slice %arg5[%mul3A_2, %dma_wait3A_38] : memref<2560x128xi32, #tpu.memory_space<hbm>> -> memref<32x128xi32, #tpu.memory_space<hbm>>
      tpu.wait_dma2 semaphore(%run_scoped3A_17 : memref<!tpu.dma_semaphore, #tpu.memory_space<semaphore_mem>>) src(%dma_wait3A_39 : memref<32x128xi32, #tpu.memory_space<hbm>>) dst(%dma_wait3A_37 : memref<32x128xi32, #tpu.memory_space<vmem>>)
      tpu.yield
    }) : () -> ()
    %scan3A = arith.constant 0 : i32
    %scan3A_4 = arith.constant 0 : i32
    %scan3A_5 = arith.constant 5 : i32
    %scan3A_6 = arith.addi %scan3A_4, %scan3A_5 : i32
    %scan3A_7 = arith.constant 1 : i32
    scf.for %scan3A_17 = %scan3A_4 to %scan3A_6 step %scan3A_7  : i32 {
      %rem3A = arith.constant 2 : i32
      %rem3A_18 = arith.remsi %scan3A_17, %rem3A : i32
      %add3A = arith.constant 1 : i32
      %add3A_19 = arith.addi %scan3A_17, %add3A : i32
      %rem3A_20 = arith.constant 2 : i32
      %rem3A_21 = arith.remsi %add3A_19, %rem3A_20 : i32
      %add3A_22 = arith.constant 1 : i32
      %add3A_23 = arith.addi %scan3A_17, %add3A_22 : i32
      %lt3A = arith.constant 5 : i32
      %lt3A_24 = arith.cmpi slt, %add3A_23, %lt3A : i32
      %convert_element_type3A_25 = arith.extui %lt3A_24 : i1 to i32
      %cond3A_26 = arith.constant 0 : i32
      %cond3A_27 = arith.cmpi ne, %convert_element_type3A_25, %cond3A_26 : i32
      scf.if %cond3A_27 {
        %add3A_62 = arith.constant 1 : i32
        %add3A_63 = arith.addi %scan3A_17, %add3A_62 : i32
        %mul3A_64 = arith.constant 32 : i32
        %mul3A_65 = arith.muli %add3A_63, %mul3A_64 : i32
        %add3A_66 = arith.addi %mul3A_2, %mul3A_65 : i32
        %dma_start3A = arith.constant 0 : i32
        %dma_start3A_67 = arith.constant 0 : i32
        %dma_start3A_68 = tpu.memref_slice %arg8[%rem3A_21, %dma_start3A, %dma_start3A_67] : memref<2x32x128xi32, #tpu.memory_space<vmem>> -> memref<1x32x128xi32, #tpu.memory_space<vmem>>
        %dma_start3A_69 = tpu.memref_squeeze %dma_start3A_68 : memref<1x32x128xi32, #tpu.memory_space<vmem>> -> memref<32x128xi32, #tpu.memory_space<vmem>>
        %dma_start3A_70 = arith.constant 0 : i32
        %dma_start3A_71 = tpu.memref_slice %arg4[%add3A_66, %dma_start3A_70] : memref<2560x128xi32, #tpu.memory_space<hbm>> -> memref<32x128xi32, #tpu.memory_space<hbm>>
        %dma_start3A_72 = arith.constant 0 : i32
        %dma_start3A_73 = arith.constant 0 : i32
        %dma_start3A_74 = tpu.memref_slice %arg8[%rem3A_21, %dma_start3A_72, %dma_start3A_73] : memref<2x32x128xi32, #tpu.memory_space<vmem>> -> memref<1x32x128xi32, #tpu.memory_space<vmem>>
        %dma_start3A_75 = tpu.memref_squeeze %dma_start3A_74 : memref<1x32x128xi32, #tpu.memory_space<vmem>> -> memref<32x128xi32, #tpu.memory_space<vmem>>
        %dma_start3A_76 = arith.constant 0 : i32
        %dma_start3A_77 = tpu.memref_slice %arg4[%add3A_66, %dma_start3A_76] : memref<2560x128xi32, #tpu.memory_space<hbm>> -> memref<32x128xi32, #tpu.memory_space<hbm>>
        tpu.enqueue_dma source(%dma_start3A_77 : memref<32x128xi32, #tpu.memory_space<hbm>>) target(%dma_start3A_75 : memref<32x128xi32, #tpu.memory_space<vmem>>) target_semaphore(%arg14 : memref<!tpu.dma_semaphore, #tpu.memory_space<semaphore_mem>>)
        %dma_start3A_78 = arith.constant 0 : i32
        %dma_start3A_79 = arith.constant 0 : i32
        %dma_start3A_80 = tpu.memref_slice %arg9[%rem3A_21, %dma_start3A_78, %dma_start3A_79] : memref<2x32x128xi32, #tpu.memory_space<vmem>> -> memref<1x32x128xi32, #tpu.memory_space<vmem>>
        %dma_start3A_81 = tpu.memref_squeeze %dma_start3A_80 : memref<1x32x128xi32, #tpu.memory_space<vmem>> -> memref<32x128xi32, #tpu.memory_space<vmem>>
        %dma_start3A_82 = arith.constant 0 : i32
        %dma_start3A_83 = tpu.memref_slice %arg5[%add3A_66, %dma_start3A_82] : memref<2560x128xi32, #tpu.memory_space<hbm>> -> memref<32x128xi32, #tpu.memory_space<hbm>>
        %dma_start3A_84 = arith.constant 0 : i32
        %dma_start3A_85 = arith.constant 0 : i32
        %dma_start3A_86 = tpu.memref_slice %arg9[%rem3A_21, %dma_start3A_84, %dma_start3A_85] : memref<2x32x128xi32, #tpu.memory_space<vmem>> -> memref<1x32x128xi32, #tpu.memory_space<vmem>>
        %dma_start3A_87 = tpu.memref_squeeze %dma_start3A_86 : memref<1x32x128xi32, #tpu.memory_space<vmem>> -> memref<32x128xi32, #tpu.memory_space<vmem>>
        %dma_start3A_88 = arith.constant 0 : i32
        %dma_start3A_89 = tpu.memref_slice %arg5[%add3A_66, %dma_start3A_88] : memref<2560x128xi32, #tpu.memory_space<hbm>> -> memref<32x128xi32, #tpu.memory_space<hbm>>
        tpu.enqueue_dma source(%dma_start3A_89 : memref<32x128xi32, #tpu.memory_space<hbm>>) target(%dma_start3A_87 : memref<32x128xi32, #tpu.memory_space<vmem>>) target_semaphore(%arg14 : memref<!tpu.dma_semaphore, #tpu.memory_space<semaphore_mem>>)
      } else {
      }
      %eq3A_28 = arith.constant 0 : i32
      %eq3A_29 = arith.cmpi eq, %arg0, %eq3A_28 : i32
      %convert_element_type3A_30 = arith.extui %eq3A_29 : i1 to i32
      %cond3A_31 = arith.constant 0 : i32
      %cond3A_32 = arith.cmpi ne, %convert_element_type3A_30, %cond3A_31 : i32
      scf.if %cond3A_32 {
        %dma_start3A = arith.constant 0 : i32
        %dma_start3A_62 = arith.constant 0 : i32
        %dma_start3A_63 = arith.constant 0 : i32
        %dma_start3A_64 = arith.constant 0 : i32
        %dma_start3A_65 = tpu.memref_slice %arg10[%dma_start3A_62, %dma_start3A_63, %dma_start3A_64] : memref<2x128x128xf32, #tpu.memory_space<vmem>> -> memref<1x128x128xf32, #tpu.memory_space<vmem>>
        %dma_start3A_66 = tpu.memref_squeeze %dma_start3A_65 : memref<1x128x128xf32, #tpu.memory_space<vmem>> -> memref<128x128xf32, #tpu.memory_space<vmem>>
        %dma_start3A_67 = arith.constant 0 : i32
        %dma_start3A_68 = tpu.memref_slice %arg8[%rem3A_18, %dma_start3A, %dma_start3A_67] : memref<2x32x128xi32, #tpu.memory_space<vmem>> -> memref<1x1x128xi32, #tpu.memory_space<vmem>>
        %dma_start3A_69 = tpu.memref_squeeze %dma_start3A_68 : memref<1x1x128xi32, #tpu.memory_space<vmem>> -> memref<128xi32, #tpu.memory_space<vmem>>
        %dma_start3A_70 = arith.constant 0 : i32
        %dma_start3A_71 = arith.constant 0 : i32
        %dma_start3A_72 = tpu.memref_slice %arg2[%dma_start3A_70, %dma_start3A_71] : memref<10000x128xf32, #tpu.memory_space<hbm>> -> memref<10000x128xf32, #tpu.memory_space<hbm>>
        tpu.enqueue_indirect_dma source(%dma_start3A_72 : memref<10000x128xf32, #tpu.memory_space<hbm>>) target(%dma_start3A_66 : memref<128x128xf32, #tpu.memory_space<vmem>>) offsets(%dma_start3A_69 : memref<128xi32, #tpu.memory_space<vmem>>) semaphore(%arg12 : memref<!tpu.dma_semaphore, #tpu.memory_space<semaphore_mem>>)
      } else {
      }
      %eq3A_33 = arith.constant 1 : i32
      %eq3A_34 = arith.cmpi eq, %arg0, %eq3A_33 : i32
      %convert_element_type3A_35 = arith.extui %eq3A_34 : i1 to i32
      %cond3A_36 = arith.constant 0 : i32
      %cond3A_37 = arith.cmpi ne, %convert_element_type3A_35, %cond3A_36 : i32
      scf.if %cond3A_37 {
        %dma_start3A = arith.constant 0 : i32
        %dma_start3A_62 = arith.constant 0 : i32
        %dma_start3A_63 = arith.constant 0 : i32
        %dma_start3A_64 = arith.constant 0 : i32
        %dma_start3A_65 = tpu.memref_slice %arg10[%dma_start3A_62, %dma_start3A_63, %dma_start3A_64] : memref<2x128x128xf32, #tpu.memory_space<vmem>> -> memref<1x128x128xf32, #tpu.memory_space<vmem>>
        %dma_start3A_66 = tpu.memref_squeeze %dma_start3A_65 : memref<1x128x128xf32, #tpu.memory_space<vmem>> -> memref<128x128xf32, #tpu.memory_space<vmem>>
        %dma_start3A_67 = arith.constant 0 : i32
        %dma_start3A_68 = tpu.memref_slice %arg8[%rem3A_18, %dma_start3A, %dma_start3A_67] : memref<2x32x128xi32, #tpu.memory_space<vmem>> -> memref<1x1x128xi32, #tpu.memory_space<vmem>>
        %dma_start3A_69 = tpu.memref_squeeze %dma_start3A_68 : memref<1x1x128xi32, #tpu.memory_space<vmem>> -> memref<128xi32, #tpu.memory_space<vmem>>
        %dma_start3A_70 = arith.constant 0 : i32
        %dma_start3A_71 = arith.constant 0 : i32
        %dma_start3A_72 = tpu.memref_slice %arg3[%dma_start3A_70, %dma_start3A_71] : memref<10000x128xf32, #tpu.memory_space<hbm>> -> memref<10000x128xf32, #tpu.memory_space<hbm>>
        tpu.enqueue_indirect_dma source(%dma_start3A_72 : memref<10000x128xf32, #tpu.memory_space<hbm>>) target(%dma_start3A_66 : memref<128x128xf32, #tpu.memory_space<vmem>>) offsets(%dma_start3A_69 : memref<128xi32, #tpu.memory_space<vmem>>) semaphore(%arg12 : memref<!tpu.dma_semaphore, #tpu.memory_space<semaphore_mem>>)
      } else {
      }
      %scan3A_38 = arith.constant 0 : i32
      %scan3A_39 = arith.constant 0 : i32
      %scan3A_40 = arith.constant 32 : i32
      %scan3A_41 = arith.addi %scan3A_39, %scan3A_40 : i32
      %scan3A_42 = arith.constant 1 : i32
      scf.for %scan3A_62 = %scan3A_39 to %scan3A_41 step %scan3A_42  : i32 {
        %rem3A_63 = arith.constant 2 : i32
        %rem3A_64 = arith.remsi %scan3A_62, %rem3A_63 : i32
        %add3A_65 = arith.constant 1 : i32
        %add3A_66 = arith.addi %scan3A_62, %add3A_65 : i32
        %rem3A_67 = arith.constant 2 : i32
        %rem3A_68 = arith.remsi %add3A_66, %rem3A_67 : i32
        %gt3A = arith.constant 0 : i32
        %gt3A_69 = arith.cmpi sgt, %scan3A_62, %gt3A : i32
        %convert_element_type3A_70 = arith.extui %gt3A_69 : i1 to i32
        %cond3A_71 = arith.constant 0 : i32
        %cond3A_72 = arith.cmpi ne, %convert_element_type3A_70, %cond3A_71 : i32
        scf.if %cond3A_72 {
          %sub3A = arith.constant 1 : i32
          %sub3A_99 = arith.subi %scan3A_62, %sub3A : i32
          %dma_wait3A_100 = arith.constant 0 : i32
          %dma_wait3A_101 = arith.constant 0 : i32
          %dma_wait3A_102 = tpu.memref_slice %arg10[%rem3A_68, %dma_wait3A_100, %dma_wait3A_101] : memref<2x128x128xf32, #tpu.memory_space<vmem>> -> memref<1x128x128xf32, #tpu.memory_space<vmem>>
          %dma_wait3A_103 = tpu.memref_squeeze %dma_wait3A_102 : memref<1x128x128xf32, #tpu.memory_space<vmem>> -> memref<128x128xf32, #tpu.memory_space<vmem>>
          %dma_wait3A_104 = arith.constant 0 : i32
          %dma_wait3A_105 = tpu.memref_slice %arg9[%rem3A_18, %sub3A_99, %dma_wait3A_104] : memref<2x32x128xi32, #tpu.memory_space<vmem>> -> memref<1x1x128xi32, #tpu.memory_space<vmem>>
          %dma_wait3A_106 = tpu.memref_squeeze %dma_wait3A_105 : memref<1x1x128xi32, #tpu.memory_space<vmem>> -> memref<128xi32, #tpu.memory_space<vmem>>
          %dma_wait3A_107 = arith.constant 0 : i32
          %dma_wait3A_108 = arith.constant 0 : i32
          %dma_wait3A_109 = tpu.memref_slice %arg11[%dma_wait3A_107, %dma_wait3A_108] : memref<10112x128xf32, #tpu.memory_space<vmem_shared>> -> memref<10112x128xf32, #tpu.memory_space<vmem_shared>>
          tpu.wait_indirect_dma semaphore(%arg13 : memref<!tpu.dma_semaphore, #tpu.memory_space<semaphore_mem>>) src(%dma_wait3A_103 : memref<128x128xf32, #tpu.memory_space<vmem>>) dst(%dma_wait3A_109 : memref<10112x128xf32, #tpu.memory_space<vmem_shared>>)
        } else {
        }
        %add3A_73 = arith.constant 1 : i32
        %add3A_74 = arith.addi %scan3A_62, %add3A_73 : i32
        %lt3A_75 = arith.constant 32 : i32
        %lt3A_76 = arith.cmpi slt, %add3A_74, %lt3A_75 : i32
        %convert_element_type3A_77 = arith.extui %lt3A_76 : i1 to i32
        %cond3A_78 = arith.constant 0 : i32
        %cond3A_79 = arith.cmpi ne, %convert_element_type3A_77, %cond3A_78 : i32
        scf.if %cond3A_79 {
          %add3A_99 = arith.constant 1 : i32
          %add3A_100 = arith.addi %scan3A_62, %add3A_99 : i32
          %eq3A_101 = arith.constant 0 : i32
          %eq3A_102 = arith.cmpi eq, %arg0, %eq3A_101 : i32
          %convert_element_type3A_103 = arith.extui %eq3A_102 : i1 to i32
          %cond3A_104 = arith.constant 0 : i32
          %cond3A_105 = arith.cmpi ne, %convert_element_type3A_103, %cond3A_104 : i32
          scf.if %cond3A_105 {
            %dma_start3A_111 = arith.constant 0 : i32
            %dma_start3A_112 = arith.constant 0 : i32
            %dma_start3A_113 = tpu.memref_slice %arg10[%rem3A_68, %dma_start3A_111, %dma_start3A_112] : memref<2x128x128xf32, #tpu.memory_space<vmem>> -> memref<1x128x128xf32, #tpu.memory_space<vmem>>
            %dma_start3A_114 = tpu.memref_squeeze %dma_start3A_113 : memref<1x128x128xf32, #tpu.memory_space<vmem>> -> memref<128x128xf32, #tpu.memory_space<vmem>>
            %dma_start3A_115 = arith.constant 0 : i32
            %dma_start3A_116 = tpu.memref_slice %arg8[%rem3A_18, %add3A_100, %dma_start3A_115] : memref<2x32x128xi32, #tpu.memory_space<vmem>> -> memref<1x1x128xi32, #tpu.memory_space<vmem>>
            %dma_start3A_117 = tpu.memref_squeeze %dma_start3A_116 : memref<1x1x128xi32, #tpu.memory_space<vmem>> -> memref<128xi32, #tpu.memory_space<vmem>>
            %dma_start3A_118 = arith.constant 0 : i32
            %dma_start3A_119 = arith.constant 0 : i32
            %dma_start3A_120 = tpu.memref_slice %arg2[%dma_start3A_118, %dma_start3A_119] : memref<10000x128xf32, #tpu.memory_space<hbm>> -> memref<10000x128xf32, #tpu.memory_space<hbm>>
            tpu.enqueue_indirect_dma source(%dma_start3A_120 : memref<10000x128xf32, #tpu.memory_space<hbm>>) target(%dma_start3A_114 : memref<128x128xf32, #tpu.memory_space<vmem>>) offsets(%dma_start3A_117 : memref<128xi32, #tpu.memory_space<vmem>>) semaphore(%arg12 : memref<!tpu.dma_semaphore, #tpu.memory_space<semaphore_mem>>)
          } else {
          }
          %eq3A_106 = arith.constant 1 : i32
          %eq3A_107 = arith.cmpi eq, %arg0, %eq3A_106 : i32
          %convert_element_type3A_108 = arith.extui %eq3A_107 : i1 to i32
          %cond3A_109 = arith.constant 0 : i32
          %cond3A_110 = arith.cmpi ne, %convert_element_type3A_108, %cond3A_109 : i32
          scf.if %cond3A_110 {
            %dma_start3A_111 = arith.constant 0 : i32
            %dma_start3A_112 = arith.constant 0 : i32
            %dma_start3A_113 = tpu.memref_slice %arg10[%rem3A_68, %dma_start3A_111, %dma_start3A_112] : memref<2x128x128xf32, #tpu.memory_space<vmem>> -> memref<1x128x128xf32, #tpu.memory_space<vmem>>
            %dma_start3A_114 = tpu.memref_squeeze %dma_start3A_113 : memref<1x128x128xf32, #tpu.memory_space<vmem>> -> memref<128x128xf32, #tpu.memory_space<vmem>>
            %dma_start3A_115 = arith.constant 0 : i32
            %dma_start3A_116 = tpu.memref_slice %arg8[%rem3A_18, %add3A_100, %dma_start3A_115] : memref<2x32x128xi32, #tpu.memory_space<vmem>> -> memref<1x1x128xi32, #tpu.memory_space<vmem>>
            %dma_start3A_117 = tpu.memref_squeeze %dma_start3A_116 : memref<1x1x128xi32, #tpu.memory_space<vmem>> -> memref<128xi32, #tpu.memory_space<vmem>>
            %dma_start3A_118 = arith.constant 0 : i32
            %dma_start3A_119 = arith.constant 0 : i32
            %dma_start3A_120 = tpu.memref_slice %arg3[%dma_start3A_118, %dma_start3A_119] : memref<10000x128xf32, #tpu.memory_space<hbm>> -> memref<10000x128xf32, #tpu.memory_space<hbm>>
            tpu.enqueue_indirect_dma source(%dma_start3A_120 : memref<10000x128xf32, #tpu.memory_space<hbm>>) target(%dma_start3A_114 : memref<128x128xf32, #tpu.memory_space<vmem>>) offsets(%dma_start3A_117 : memref<128xi32, #tpu.memory_space<vmem>>) semaphore(%arg12 : memref<!tpu.dma_semaphore, #tpu.memory_space<semaphore_mem>>)
          } else {
          }
        } else {
        }
        %dma_wait3A_80 = arith.constant 0 : i32
        %dma_wait3A_81 = arith.constant 0 : i32
        %dma_wait3A_82 = tpu.memref_slice %arg10[%rem3A_64, %dma_wait3A_80, %dma_wait3A_81] : memref<2x128x128xf32, #tpu.memory_space<vmem>> -> memref<1x128x128xf32, #tpu.memory_space<vmem>>
        %dma_wait3A_83 = tpu.memref_squeeze %dma_wait3A_82 : memref<1x128x128xf32, #tpu.memory_space<vmem>> -> memref<128x128xf32, #tpu.memory_space<vmem>>
        %dma_wait3A_84 = arith.constant 0 : i32
        %dma_wait3A_85 = tpu.memref_slice %arg8[%rem3A_18, %scan3A_62, %dma_wait3A_84] : memref<2x32x128xi32, #tpu.memory_space<vmem>> -> memref<1x1x128xi32, #tpu.memory_space<vmem>>
        %dma_wait3A_86 = tpu.memref_squeeze %dma_wait3A_85 : memref<1x1x128xi32, #tpu.memory_space<vmem>> -> memref<128xi32, #tpu.memory_space<vmem>>
        %dma_wait3A_87 = arith.constant 0 : i32
        %dma_wait3A_88 = arith.constant 0 : i32
        %dma_wait3A_89 = tpu.memref_slice %arg2[%dma_wait3A_87, %dma_wait3A_88] : memref<10000x128xf32, #tpu.memory_space<hbm>> -> memref<10000x128xf32, #tpu.memory_space<hbm>>
        tpu.wait_indirect_dma semaphore(%arg12 : memref<!tpu.dma_semaphore, #tpu.memory_space<semaphore_mem>>) src(%dma_wait3A_89 : memref<10000x128xf32, #tpu.memory_space<hbm>>) dst(%dma_wait3A_83 : memref<128x128xf32, #tpu.memory_space<vmem>>)
        %dma_start3A = arith.constant 0 : i32
        %dma_start3A_90 = arith.constant 0 : i32
        %dma_start3A_91 = tpu.memref_slice %arg10[%rem3A_64, %dma_start3A, %dma_start3A_90] : memref<2x128x128xf32, #tpu.memory_space<vmem>> -> memref<1x128x128xf32, #tpu.memory_space<vmem>>
        %dma_start3A_92 = tpu.memref_squeeze %dma_start3A_91 : memref<1x128x128xf32, #tpu.memory_space<vmem>> -> memref<128x128xf32, #tpu.memory_space<vmem>>
        %dma_start3A_93 = arith.constant 0 : i32
        %dma_start3A_94 = tpu.memref_slice %arg9[%rem3A_18, %scan3A_62, %dma_start3A_93] : memref<2x32x128xi32, #tpu.memory_space<vmem>> -> memref<1x1x128xi32, #tpu.memory_space<vmem>>
        %dma_start3A_95 = tpu.memref_squeeze %dma_start3A_94 : memref<1x1x128xi32, #tpu.memory_space<vmem>> -> memref<128xi32, #tpu.memory_space<vmem>>
        %dma_start3A_96 = arith.constant 0 : i32
        %dma_start3A_97 = arith.constant 0 : i32
        %dma_start3A_98 = tpu.memref_slice %arg11[%dma_start3A_96, %dma_start3A_97] : memref<10112x128xf32, #tpu.memory_space<vmem_shared>> -> memref<10112x128xf32, #tpu.memory_space<vmem_shared>>
        tpu.enqueue_indirect_dma source(%dma_start3A_92 : memref<128x128xf32, #tpu.memory_space<vmem>>) target(%dma_start3A_98 : memref<10112x128xf32, #tpu.memory_space<vmem_shared>>) offsets(%dma_start3A_95 : memref<128xi32, #tpu.memory_space<vmem>>) semaphore(%arg13 : memref<!tpu.dma_semaphore, #tpu.memory_space<semaphore_mem>>) {add = true}
      }
      %scan3A_43 = arith.constant 32 : i32
      %dma_wait3A = arith.constant 1 : i32
      %dma_wait3A_44 = arith.constant 31 : i32
      %dma_wait3A_45 = arith.constant 0 : i32
      %dma_wait3A_46 = arith.constant 0 : i32
      %dma_wait3A_47 = tpu.memref_slice %arg10[%dma_wait3A, %dma_wait3A_45, %dma_wait3A_46] : memref<2x128x128xf32, #tpu.memory_space<vmem>> -> memref<1x128x128xf32, #tpu.memory_space<vmem>>
      %dma_wait3A_48 = tpu.memref_squeeze %dma_wait3A_47 : memref<1x128x128xf32, #tpu.memory_space<vmem>> -> memref<128x128xf32, #tpu.memory_space<vmem>>
      %dma_wait3A_49 = arith.constant 0 : i32
      %dma_wait3A_50 = tpu.memref_slice %arg9[%rem3A_18, %dma_wait3A_44, %dma_wait3A_49] : memref<2x32x128xi32, #tpu.memory_space<vmem>> -> memref<1x1x128xi32, #tpu.memory_space<vmem>>
      %dma_wait3A_51 = tpu.memref_squeeze %dma_wait3A_50 : memref<1x1x128xi32, #tpu.memory_space<vmem>> -> memref<128xi32, #tpu.memory_space<vmem>>
      %dma_wait3A_52 = arith.constant 0 : i32
      %dma_wait3A_53 = arith.constant 0 : i32
      %dma_wait3A_54 = tpu.memref_slice %arg11[%dma_wait3A_52, %dma_wait3A_53] : memref<10112x128xf32, #tpu.memory_space<vmem_shared>> -> memref<10112x128xf32, #tpu.memory_space<vmem_shared>>
      tpu.wait_indirect_dma semaphore(%arg13 : memref<!tpu.dma_semaphore, #tpu.memory_space<semaphore_mem>>) src(%dma_wait3A_48 : memref<128x128xf32, #tpu.memory_space<vmem>>) dst(%dma_wait3A_54 : memref<10112x128xf32, #tpu.memory_space<vmem_shared>>)
      %add3A_55 = arith.constant 1 : i32
      %add3A_56 = arith.addi %scan3A_17, %add3A_55 : i32
      %lt3A_57 = arith.constant 5 : i32
      %lt3A_58 = arith.cmpi slt, %add3A_56, %lt3A_57 : i32
      %convert_element_type3A_59 = arith.extui %lt3A_58 : i1 to i32
      %cond3A_60 = arith.constant 0 : i32
      %cond3A_61 = arith.cmpi ne, %convert_element_type3A_59, %cond3A_60 : i32
      scf.if %cond3A_61 {
        %dma_wait3A_62 = arith.constant 0 : i32
        %dma_wait3A_63 = arith.constant 0 : i32
        %dma_wait3A_64 = tpu.memref_slice %arg8[%rem3A_21, %dma_wait3A_62, %dma_wait3A_63] : memref<2x32x128xi32, #tpu.memory_space<vmem>> -> memref<1x32x128xi32, #tpu.memory_space<vmem>>
        %dma_wait3A_65 = tpu.memref_squeeze %dma_wait3A_64 : memref<1x32x128xi32, #tpu.memory_space<vmem>> -> memref<32x128xi32, #tpu.memory_space<vmem>>
        %dma_wait3A_66 = arith.constant 0 : i32
        %dma_wait3A_67 = tpu.memref_slice %arg4[%mul3A_2, %dma_wait3A_66] : memref<2560x128xi32, #tpu.memory_space<hbm>> -> memref<32x128xi32, #tpu.memory_space<hbm>>
        %dma_wait3A_68 = arith.constant 0 : i32
        %dma_wait3A_69 = arith.constant 0 : i32
        %dma_wait3A_70 = tpu.memref_slice %arg8[%rem3A_21, %dma_wait3A_68, %dma_wait3A_69] : memref<2x32x128xi32, #tpu.memory_space<vmem>> -> memref<1x32x128xi32, #tpu.memory_space<vmem>>
        %dma_wait3A_71 = tpu.memref_squeeze %dma_wait3A_70 : memref<1x32x128xi32, #tpu.memory_space<vmem>> -> memref<32x128xi32, #tpu.memory_space<vmem>>
        %dma_wait3A_72 = arith.constant 0 : i32
        %dma_wait3A_73 = tpu.memref_slice %arg4[%mul3A_2, %dma_wait3A_72] : memref<2560x128xi32, #tpu.memory_space<hbm>> -> memref<32x128xi32, #tpu.memory_space<hbm>>
        tpu.wait_dma2 semaphore(%arg14 : memref<!tpu.dma_semaphore, #tpu.memory_space<semaphore_mem>>) src(%dma_wait3A_73 : memref<32x128xi32, #tpu.memory_space<hbm>>) dst(%dma_wait3A_71 : memref<32x128xi32, #tpu.memory_space<vmem>>)
        %dma_wait3A_74 = arith.constant 0 : i32
        %dma_wait3A_75 = arith.constant 0 : i32
        %dma_wait3A_76 = tpu.memref_slice %arg9[%rem3A_21, %dma_wait3A_74, %dma_wait3A_75] : memref<2x32x128xi32, #tpu.memory_space<vmem>> -> memref<1x32x128xi32, #tpu.memory_space<vmem>>
        %dma_wait3A_77 = tpu.memref_squeeze %dma_wait3A_76 : memref<1x32x128xi32, #tpu.memory_space<vmem>> -> memref<32x128xi32, #tpu.memory_space<vmem>>
        %dma_wait3A_78 = arith.constant 0 : i32
        %dma_wait3A_79 = tpu.memref_slice %arg5[%mul3A_2, %dma_wait3A_78] : memref<2560x128xi32, #tpu.memory_space<hbm>> -> memref<32x128xi32, #tpu.memory_space<hbm>>
        %dma_wait3A_80 = arith.constant 0 : i32
        %dma_wait3A_81 = arith.constant 0 : i32
        %dma_wait3A_82 = tpu.memref_slice %arg9[%rem3A_21, %dma_wait3A_80, %dma_wait3A_81] : memref<2x32x128xi32, #tpu.memory_space<vmem>> -> memref<1x32x128xi32, #tpu.memory_space<vmem>>
        %dma_wait3A_83 = tpu.memref_squeeze %dma_wait3A_82 : memref<1x32x128xi32, #tpu.memory_space<vmem>> -> memref<32x128xi32, #tpu.memory_space<vmem>>
        %dma_wait3A_84 = arith.constant 0 : i32
        %dma_wait3A_85 = tpu.memref_slice %arg5[%mul3A_2, %dma_wait3A_84] : memref<2560x128xi32, #tpu.memory_space<hbm>> -> memref<32x128xi32, #tpu.memory_space<hbm>>
        tpu.wait_dma2 semaphore(%arg14 : memref<!tpu.dma_semaphore, #tpu.memory_space<semaphore_mem>>) src(%dma_wait3A_85 : memref<32x128xi32, #tpu.memory_space<hbm>>) dst(%dma_wait3A_83 : memref<32x128xi32, #tpu.memory_space<vmem>>)
      } else {
      }
    }
    %scan3A_8 = arith.constant 5 : i32
    %barrier3A_9 = arith.constant 0 : index
    tpu.barrier barrier_id(%barrier3A_9)
    %eq3A = arith.constant 0 : i32
    %eq3A_10 = arith.cmpi eq, %arg0, %eq3A : i32
    %convert_element_type3A = arith.extui %eq3A_10 : i1 to i32
    %cond3A = arith.constant 0 : i32
    %cond3A_11 = arith.cmpi ne, %convert_element_type3A, %cond3A : i32
    scf.if %cond3A_11 {
      %run_scoped3A_17 = arith.constant 0 : i32
      "tpu.region"() ({
        %run_scoped3A_18 = tpu.sem_alloc : memref<!tpu.dma_semaphore, #tpu.memory_space<semaphore_mem>>
        %dma_start3A = arith.constant 0 : i32
        %dma_start3A_19 = tpu.memref_slice %arg7[%run_scoped3A_17, %mul3A_0, %dma_start3A] : memref<2x10112x128xf32, #tpu.memory_space<hbm>> -> memref<1x632x128xf32, #tpu.memory_space<hbm>>
        %dma_start3A_20 = tpu.memref_squeeze %dma_start3A_19 : memref<1x632x128xf32, #tpu.memory_space<hbm>> -> memref<632x128xf32, #tpu.memory_space<hbm>>
        %dma_start3A_21 = arith.constant 0 : i32
        %dma_start3A_22 = tpu.memref_slice %arg11[%mul3A_0, %dma_start3A_21] : memref<10112x128xf32, #tpu.memory_space<vmem_shared>> -> memref<632x128xf32, #tpu.memory_space<vmem_shared>>
        tpu.enqueue_dma source(%dma_start3A_22 : memref<632x128xf32, #tpu.memory_space<vmem_shared>>) target(%dma_start3A_20 : memref<632x128xf32, #tpu.memory_space<hbm>>) target_semaphore(%run_scoped3A_18 : memref<!tpu.dma_semaphore, #tpu.memory_space<semaphore_mem>>)
        %dma_wait3A = arith.constant 0 : i32
        %dma_wait3A_23 = tpu.memref_slice %arg7[%run_scoped3A_17, %mul3A_0, %dma_wait3A] : memref<2x10112x128xf32, #tpu.memory_space<hbm>> -> memref<1x632x128xf32, #tpu.memory_space<hbm>>
        %dma_wait3A_24 = tpu.memref_squeeze %dma_wait3A_23 : memref<1x632x128xf32, #tpu.memory_space<hbm>> -> memref<632x128xf32, #tpu.memory_space<hbm>>
        %dma_wait3A_25 = arith.constant 0 : i32
        %dma_wait3A_26 = tpu.memref_slice %arg11[%mul3A_0, %dma_wait3A_25] : memref<10112x128xf32, #tpu.memory_space<vmem_shared>> -> memref<632x128xf32, #tpu.memory_space<vmem_shared>>
        tpu.wait_dma2 semaphore(%run_scoped3A_18 : memref<!tpu.dma_semaphore, #tpu.memory_space<semaphore_mem>>) src(%dma_wait3A_26 : memref<632x128xf32, #tpu.memory_space<vmem_shared>>) dst(%dma_wait3A_24 : memref<632x128xf32, #tpu.memory_space<hbm>>)
        tpu.yield
      }) : () -> ()
    } else {
    }
    %eq3A_12 = arith.constant 1 : i32
    %eq3A_13 = arith.cmpi eq, %arg0, %eq3A_12 : i32
    %convert_element_type3A_14 = arith.extui %eq3A_13 : i1 to i32
    %cond3A_15 = arith.constant 0 : i32
    %cond3A_16 = arith.cmpi ne, %convert_element_type3A_14, %cond3A_15 : i32
    scf.if %cond3A_16 {
      %run_scoped3A_17 = arith.constant 1 : i32
      "tpu.region"() ({
        %run_scoped3A_18 = tpu.sem_alloc : memref<!tpu.dma_semaphore, #tpu.memory_space<semaphore_mem>>
        %dma_start3A = arith.constant 0 : i32
        %dma_start3A_19 = tpu.memref_slice %arg7[%run_scoped3A_17, %mul3A_0, %dma_start3A] : memref<2x10112x128xf32, #tpu.memory_space<hbm>> -> memref<1x632x128xf32, #tpu.memory_space<hbm>>
        %dma_start3A_20 = tpu.memref_squeeze %dma_start3A_19 : memref<1x632x128xf32, #tpu.memory_space<hbm>> -> memref<632x128xf32, #tpu.memory_space<hbm>>
        %dma_start3A_21 = arith.constant 0 : i32
        %dma_start3A_22 = tpu.memref_slice %arg11[%mul3A_0, %dma_start3A_21] : memref<10112x128xf32, #tpu.memory_space<vmem_shared>> -> memref<632x128xf32, #tpu.memory_space<vmem_shared>>
        tpu.enqueue_dma source(%dma_start3A_22 : memref<632x128xf32, #tpu.memory_space<vmem_shared>>) target(%dma_start3A_20 : memref<632x128xf32, #tpu.memory_space<hbm>>) target_semaphore(%run_scoped3A_18 : memref<!tpu.dma_semaphore, #tpu.memory_space<semaphore_mem>>)
        %dma_wait3A = arith.constant 0 : i32
        %dma_wait3A_23 = tpu.memref_slice %arg7[%run_scoped3A_17, %mul3A_0, %dma_wait3A] : memref<2x10112x128xf32, #tpu.memory_space<hbm>> -> memref<1x632x128xf32, #tpu.memory_space<hbm>>
        %dma_wait3A_24 = tpu.memref_squeeze %dma_wait3A_23 : memref<1x632x128xf32, #tpu.memory_space<hbm>> -> memref<632x128xf32, #tpu.memory_space<hbm>>
        %dma_wait3A_25 = arith.constant 0 : i32
        %dma_wait3A_26 = tpu.memref_slice %arg11[%mul3A_0, %dma_wait3A_25] : memref<10112x128xf32, #tpu.memory_space<vmem_shared>> -> memref<632x128xf32, #tpu.memory_space<vmem_shared>>
        tpu.wait_dma2 semaphore(%run_scoped3A_18 : memref<!tpu.dma_semaphore, #tpu.memory_space<semaphore_mem>>) src(%dma_wait3A_26 : memref<632x128xf32, #tpu.memory_space<vmem_shared>>) dst(%dma_wait3A_24 : memref<632x128xf32, #tpu.memory_space<hbm>>)
        tpu.yield
      }) : () -> ()
    } else {
    }
    return
  }
}

#map = affine_map<(d0, d1) -> (0, 0)>
#map1 = affine_map<(d0, d1) -> (0)>
module attributes {stable_mosaic.version = 14 : i64} {
  func.func @_sc_op_lookup(%arg0: i32, %arg1: i32, %arg2: memref<120x128xf32, #tpu.memory_space<hbm>>, %arg3: memref<10240xi32, #tpu.memory_space<hbm>>, %arg4: memref<10240x128xf32, #tpu.memory_space<hbm>>, %arg5: memref<320xi32, #tpu.memory_space<vmem>>, %arg6: memref<128x128xf32, #tpu.memory_space<vmem>>, %arg7: memref<!tpu.dma_semaphore, #tpu.memory_space<semaphore_mem>>) attributes {dimension_semantics = [#tpu.dimension_semantics<core_parallel>, #tpu.dimension_semantics<subcore_parallel>], iteration_bounds = array<i64: 2, 16>, scalar_prefetch = 0 : i64, scratch_operands = 3 : i64, tpu.core_type = #tpu.core_type<sc_vector_subcore>, window_params = [{transform_indices = #map}, {transform_indices = #map1}, {transform_indices = #map}]} {
    %mul3A = arith.constant 16 : i32
    %mul3A_0 = arith.muli %arg0, %mul3A : i32
    %add3A = arith.addi %mul3A_0, %arg1 : i32
    %mul3A_1 = arith.constant 320 : i32
    %mul3A_2 = arith.muli %add3A, %mul3A_1 : i32
    "tpu.region"() ({
      %run_scoped3A = tpu.sem_alloc : memref<!tpu.dma_semaphore, #tpu.memory_space<semaphore_mem>>
      %dma_start3A_55 = tpu.memref_slice %arg3[%mul3A_2] : memref<10240xi32, #tpu.memory_space<hbm>> -> memref<320xi32, #tpu.memory_space<hbm>>
      %dma_start3A_56 = tpu.memref_slice %arg3[%mul3A_2] : memref<10240xi32, #tpu.memory_space<hbm>> -> memref<320xi32, #tpu.memory_space<hbm>>
      tpu.enqueue_dma source(%dma_start3A_56 : memref<320xi32, #tpu.memory_space<hbm>>) target(%arg5 : memref<320xi32, #tpu.memory_space<vmem>>) target_semaphore(%run_scoped3A : memref<!tpu.dma_semaphore, #tpu.memory_space<semaphore_mem>>)
      %dma_wait3A_57 = tpu.memref_slice %arg3[%mul3A_2] : memref<10240xi32, #tpu.memory_space<hbm>> -> memref<320xi32, #tpu.memory_space<hbm>>
      %dma_wait3A_58 = tpu.memref_slice %arg3[%mul3A_2] : memref<10240xi32, #tpu.memory_space<hbm>> -> memref<320xi32, #tpu.memory_space<hbm>>
      tpu.wait_dma2 semaphore(%run_scoped3A : memref<!tpu.dma_semaphore, #tpu.memory_space<semaphore_mem>>) src(%dma_wait3A_58 : memref<320xi32, #tpu.memory_space<hbm>>) dst(%arg5 : memref<320xi32, #tpu.memory_space<vmem>>)
      tpu.yield
    }) : () -> ()
    %dma_start3A = arith.constant 0 : i32
    %dma_start3A_3 = arith.constant 0 : i32
    %dma_start3A_4 = tpu.memref_slice %arg6[%dma_start3A, %dma_start3A_3] : memref<128x128xf32, #tpu.memory_space<vmem>> -> memref<128x128xf32, #tpu.memory_space<vmem>>
    %dma_start3A_5 = arith.constant 0 : i32
    %dma_start3A_6 = tpu.memref_slice %arg5[%dma_start3A_5] : memref<320xi32, #tpu.memory_space<vmem>> -> memref<128xi32, #tpu.memory_space<vmem>>
    %dma_start3A_7 = arith.constant 0 : i32
    %dma_start3A_8 = arith.constant 0 : i32
    %dma_start3A_9 = tpu.memref_slice %arg2[%dma_start3A_7, %dma_start3A_8] : memref<120x128xf32, #tpu.memory_space<hbm>> -> memref<120x128xf32, #tpu.memory_space<hbm>>
    tpu.enqueue_indirect_dma source(%dma_start3A_9 : memref<120x128xf32, #tpu.memory_space<hbm>>) target(%dma_start3A_4 : memref<128x128xf32, #tpu.memory_space<vmem>>) offsets(%dma_start3A_6 : memref<128xi32, #tpu.memory_space<vmem>>) semaphore(%arg7 : memref<!tpu.dma_semaphore, #tpu.memory_space<semaphore_mem>>)
    %dma_wait3A = arith.constant 0 : i32
    %dma_wait3A_10 = arith.constant 0 : i32
    %dma_wait3A_11 = tpu.memref_slice %arg6[%dma_wait3A, %dma_wait3A_10] : memref<128x128xf32, #tpu.memory_space<vmem>> -> memref<128x128xf32, #tpu.memory_space<vmem>>
    %dma_wait3A_12 = arith.constant 0 : i32
    %dma_wait3A_13 = tpu.memref_slice %arg5[%dma_wait3A_12] : memref<320xi32, #tpu.memory_space<vmem>> -> memref<128xi32, #tpu.memory_space<vmem>>
    %dma_wait3A_14 = arith.constant 0 : i32
    %dma_wait3A_15 = arith.constant 0 : i32
    %dma_wait3A_16 = tpu.memref_slice %arg2[%dma_wait3A_14, %dma_wait3A_15] : memref<120x128xf32, #tpu.memory_space<hbm>> -> memref<120x128xf32, #tpu.memory_space<hbm>>
    tpu.wait_indirect_dma semaphore(%arg7 : memref<!tpu.dma_semaphore, #tpu.memory_space<semaphore_mem>>) src(%dma_wait3A_16 : memref<120x128xf32, #tpu.memory_space<hbm>>) dst(%dma_wait3A_11 : memref<128x128xf32, #tpu.memory_space<vmem>>)
    %add3A_17 = arith.constant 0 : i32
    %add3A_18 = arith.addi %mul3A_2, %add3A_17 : i32
    "tpu.region"() ({
      %run_scoped3A = tpu.sem_alloc : memref<!tpu.dma_semaphore, #tpu.memory_space<semaphore_mem>>
      %dma_start3A_55 = arith.constant 0 : i32
      %dma_start3A_56 = arith.constant 0 : i32
      %dma_start3A_57 = tpu.memref_slice %arg6[%dma_start3A_55, %dma_start3A_56] : memref<128x128xf32, #tpu.memory_space<vmem>> -> memref<128x128xf32, #tpu.memory_space<vmem>>
      %dma_start3A_58 = arith.constant 0 : i32
      %dma_start3A_59 = tpu.memref_slice %arg4[%add3A_18, %dma_start3A_58] : memref<10240x128xf32, #tpu.memory_space<hbm>> -> memref<128x128xf32, #tpu.memory_space<hbm>>
      %dma_start3A_60 = arith.constant 0 : i32
      %dma_start3A_61 = tpu.memref_slice %arg4[%add3A_18, %dma_start3A_60] : memref<10240x128xf32, #tpu.memory_space<hbm>> -> memref<128x128xf32, #tpu.memory_space<hbm>>
      %dma_start3A_62 = arith.constant 0 : i32
      %dma_start3A_63 = arith.constant 0 : i32
      %dma_start3A_64 = tpu.memref_slice %arg6[%dma_start3A_62, %dma_start3A_63] : memref<128x128xf32, #tpu.memory_space<vmem>> -> memref<128x128xf32, #tpu.memory_space<vmem>>
      tpu.enqueue_dma source(%dma_start3A_64 : memref<128x128xf32, #tpu.memory_space<vmem>>) target(%dma_start3A_61 : memref<128x128xf32, #tpu.memory_space<hbm>>) target_semaphore(%run_scoped3A : memref<!tpu.dma_semaphore, #tpu.memory_space<semaphore_mem>>)
      %dma_wait3A_65 = arith.constant 0 : i32
      %dma_wait3A_66 = arith.constant 0 : i32
      %dma_wait3A_67 = tpu.memref_slice %arg6[%dma_wait3A_65, %dma_wait3A_66] : memref<128x128xf32, #tpu.memory_space<vmem>> -> memref<128x128xf32, #tpu.memory_space<vmem>>
      %dma_wait3A_68 = arith.constant 0 : i32
      %dma_wait3A_69 = tpu.memref_slice %arg4[%add3A_18, %dma_wait3A_68] : memref<10240x128xf32, #tpu.memory_space<hbm>> -> memref<128x128xf32, #tpu.memory_space<hbm>>
      %dma_wait3A_70 = arith.constant 0 : i32
      %dma_wait3A_71 = tpu.memref_slice %arg4[%add3A_18, %dma_wait3A_70] : memref<10240x128xf32, #tpu.memory_space<hbm>> -> memref<128x128xf32, #tpu.memory_space<hbm>>
      %dma_wait3A_72 = arith.constant 0 : i32
      %dma_wait3A_73 = arith.constant 0 : i32
      %dma_wait3A_74 = tpu.memref_slice %arg6[%dma_wait3A_72, %dma_wait3A_73] : memref<128x128xf32, #tpu.memory_space<vmem>> -> memref<128x128xf32, #tpu.memory_space<vmem>>
      tpu.wait_dma2 semaphore(%run_scoped3A : memref<!tpu.dma_semaphore, #tpu.memory_space<semaphore_mem>>) src(%dma_wait3A_74 : memref<128x128xf32, #tpu.memory_space<vmem>>) dst(%dma_wait3A_71 : memref<128x128xf32, #tpu.memory_space<hbm>>)
      tpu.yield
    }) : () -> ()
    %dma_start3A_19 = arith.constant 0 : i32
    %dma_start3A_20 = arith.constant 0 : i32
    %dma_start3A_21 = tpu.memref_slice %arg6[%dma_start3A_19, %dma_start3A_20] : memref<128x128xf32, #tpu.memory_space<vmem>> -> memref<128x128xf32, #tpu.memory_space<vmem>>
    %dma_start3A_22 = arith.constant 128 : i32
    %dma_start3A_23 = tpu.memref_slice %arg5[%dma_start3A_22] : memref<320xi32, #tpu.memory_space<vmem>> -> memref<128xi32, #tpu.memory_space<vmem>>
    %dma_start3A_24 = arith.constant 0 : i32
    %dma_start3A_25 = arith.constant 0 : i32
    %dma_start3A_26 = tpu.memref_slice %arg2[%dma_start3A_24, %dma_start3A_25] : memref<120x128xf32, #tpu.memory_space<hbm>> -> memref<120x128xf32, #tpu.memory_space<hbm>>
    tpu.enqueue_indirect_dma source(%dma_start3A_26 : memref<120x128xf32, #tpu.memory_space<hbm>>) target(%dma_start3A_21 : memref<128x128xf32, #tpu.memory_space<vmem>>) offsets(%dma_start3A_23 : memref<128xi32, #tpu.memory_space<vmem>>) semaphore(%arg7 : memref<!tpu.dma_semaphore, #tpu.memory_space<semaphore_mem>>)
    %dma_wait3A_27 = arith.constant 0 : i32
    %dma_wait3A_28 = arith.constant 0 : i32
    %dma_wait3A_29 = tpu.memref_slice %arg6[%dma_wait3A_27, %dma_wait3A_28] : memref<128x128xf32, #tpu.memory_space<vmem>> -> memref<128x128xf32, #tpu.memory_space<vmem>>
    %dma_wait3A_30 = arith.constant 128 : i32
    %dma_wait3A_31 = tpu.memref_slice %arg5[%dma_wait3A_30] : memref<320xi32, #tpu.memory_space<vmem>> -> memref<128xi32, #tpu.memory_space<vmem>>
    %dma_wait3A_32 = arith.constant 0 : i32
    %dma_wait3A_33 = arith.constant 0 : i32
    %dma_wait3A_34 = tpu.memref_slice %arg2[%dma_wait3A_32, %dma_wait3A_33] : memref<120x128xf32, #tpu.memory_space<hbm>> -> memref<120x128xf32, #tpu.memory_space<hbm>>
    tpu.wait_indirect_dma semaphore(%arg7 : memref<!tpu.dma_semaphore, #tpu.memory_space<semaphore_mem>>) src(%dma_wait3A_34 : memref<120x128xf32, #tpu.memory_space<hbm>>) dst(%dma_wait3A_29 : memref<128x128xf32, #tpu.memory_space<vmem>>)
    %add3A_35 = arith.constant 128 : i32
    %add3A_36 = arith.addi %mul3A_2, %add3A_35 : i32
    "tpu.region"() ({
      %run_scoped3A = tpu.sem_alloc : memref<!tpu.dma_semaphore, #tpu.memory_space<semaphore_mem>>
      %dma_start3A_55 = arith.constant 0 : i32
      %dma_start3A_56 = arith.constant 0 : i32
      %dma_start3A_57 = tpu.memref_slice %arg6[%dma_start3A_55, %dma_start3A_56] : memref<128x128xf32, #tpu.memory_space<vmem>> -> memref<128x128xf32, #tpu.memory_space<vmem>>
      %dma_start3A_58 = arith.constant 0 : i32
      %dma_start3A_59 = tpu.memref_slice %arg4[%add3A_36, %dma_start3A_58] : memref<10240x128xf32, #tpu.memory_space<hbm>> -> memref<128x128xf32, #tpu.memory_space<hbm>>
      %dma_start3A_60 = arith.constant 0 : i32
      %dma_start3A_61 = tpu.memref_slice %arg4[%add3A_36, %dma_start3A_60] : memref<10240x128xf32, #tpu.memory_space<hbm>> -> memref<128x128xf32, #tpu.memory_space<hbm>>
      %dma_start3A_62 = arith.constant 0 : i32
      %dma_start3A_63 = arith.constant 0 : i32
      %dma_start3A_64 = tpu.memref_slice %arg6[%dma_start3A_62, %dma_start3A_63] : memref<128x128xf32, #tpu.memory_space<vmem>> -> memref<128x128xf32, #tpu.memory_space<vmem>>
      tpu.enqueue_dma source(%dma_start3A_64 : memref<128x128xf32, #tpu.memory_space<vmem>>) target(%dma_start3A_61 : memref<128x128xf32, #tpu.memory_space<hbm>>) target_semaphore(%run_scoped3A : memref<!tpu.dma_semaphore, #tpu.memory_space<semaphore_mem>>)
      %dma_wait3A_65 = arith.constant 0 : i32
      %dma_wait3A_66 = arith.constant 0 : i32
      %dma_wait3A_67 = tpu.memref_slice %arg6[%dma_wait3A_65, %dma_wait3A_66] : memref<128x128xf32, #tpu.memory_space<vmem>> -> memref<128x128xf32, #tpu.memory_space<vmem>>
      %dma_wait3A_68 = arith.constant 0 : i32
      %dma_wait3A_69 = tpu.memref_slice %arg4[%add3A_36, %dma_wait3A_68] : memref<10240x128xf32, #tpu.memory_space<hbm>> -> memref<128x128xf32, #tpu.memory_space<hbm>>
      %dma_wait3A_70 = arith.constant 0 : i32
      %dma_wait3A_71 = tpu.memref_slice %arg4[%add3A_36, %dma_wait3A_70] : memref<10240x128xf32, #tpu.memory_space<hbm>> -> memref<128x128xf32, #tpu.memory_space<hbm>>
      %dma_wait3A_72 = arith.constant 0 : i32
      %dma_wait3A_73 = arith.constant 0 : i32
      %dma_wait3A_74 = tpu.memref_slice %arg6[%dma_wait3A_72, %dma_wait3A_73] : memref<128x128xf32, #tpu.memory_space<vmem>> -> memref<128x128xf32, #tpu.memory_space<vmem>>
      tpu.wait_dma2 semaphore(%run_scoped3A : memref<!tpu.dma_semaphore, #tpu.memory_space<semaphore_mem>>) src(%dma_wait3A_74 : memref<128x128xf32, #tpu.memory_space<vmem>>) dst(%dma_wait3A_71 : memref<128x128xf32, #tpu.memory_space<hbm>>)
      tpu.yield
    }) : () -> ()
    %dma_start3A_37 = arith.constant 0 : i32
    %dma_start3A_38 = arith.constant 0 : i32
    %dma_start3A_39 = tpu.memref_slice %arg6[%dma_start3A_37, %dma_start3A_38] : memref<128x128xf32, #tpu.memory_space<vmem>> -> memref<64x128xf32, #tpu.memory_space<vmem>>
    %dma_start3A_40 = arith.constant 256 : i32
    %dma_start3A_41 = tpu.memref_slice %arg5[%dma_start3A_40] : memref<320xi32, #tpu.memory_space<vmem>> -> memref<64xi32, #tpu.memory_space<vmem>>
    %dma_start3A_42 = arith.constant 0 : i32
    %dma_start3A_43 = arith.constant 0 : i32
    %dma_start3A_44 = tpu.memref_slice %arg2[%dma_start3A_42, %dma_start3A_43] : memref<120x128xf32, #tpu.memory_space<hbm>> -> memref<120x128xf32, #tpu.memory_space<hbm>>
    tpu.enqueue_indirect_dma source(%dma_start3A_44 : memref<120x128xf32, #tpu.memory_space<hbm>>) target(%dma_start3A_39 : memref<64x128xf32, #tpu.memory_space<vmem>>) offsets(%dma_start3A_41 : memref<64xi32, #tpu.memory_space<vmem>>) semaphore(%arg7 : memref<!tpu.dma_semaphore, #tpu.memory_space<semaphore_mem>>)
    %dma_wait3A_45 = arith.constant 0 : i32
    %dma_wait3A_46 = arith.constant 0 : i32
    %dma_wait3A_47 = tpu.memref_slice %arg6[%dma_wait3A_45, %dma_wait3A_46] : memref<128x128xf32, #tpu.memory_space<vmem>> -> memref<64x128xf32, #tpu.memory_space<vmem>>
    %dma_wait3A_48 = arith.constant 256 : i32
    %dma_wait3A_49 = tpu.memref_slice %arg5[%dma_wait3A_48] : memref<320xi32, #tpu.memory_space<vmem>> -> memref<64xi32, #tpu.memory_space<vmem>>
    %dma_wait3A_50 = arith.constant 0 : i32
    %dma_wait3A_51 = arith.constant 0 : i32
    %dma_wait3A_52 = tpu.memref_slice %arg2[%dma_wait3A_50, %dma_wait3A_51] : memref<120x128xf32, #tpu.memory_space<hbm>> -> memref<120x128xf32, #tpu.memory_space<hbm>>
    tpu.wait_indirect_dma semaphore(%arg7 : memref<!tpu.dma_semaphore, #tpu.memory_space<semaphore_mem>>) src(%dma_wait3A_52 : memref<120x128xf32, #tpu.memory_space<hbm>>) dst(%dma_wait3A_47 : memref<64x128xf32, #tpu.memory_space<vmem>>)
    %add3A_53 = arith.constant 256 : i32
    %add3A_54 = arith.addi %mul3A_2, %add3A_53 : i32
    "tpu.region"() ({
      %run_scoped3A = tpu.sem_alloc : memref<!tpu.dma_semaphore, #tpu.memory_space<semaphore_mem>>
      %dma_start3A_55 = arith.constant 0 : i32
      %dma_start3A_56 = arith.constant 0 : i32
      %dma_start3A_57 = tpu.memref_slice %arg6[%dma_start3A_55, %dma_start3A_56] : memref<128x128xf32, #tpu.memory_space<vmem>> -> memref<64x128xf32, #tpu.memory_space<vmem>>
      %dma_start3A_58 = arith.constant 0 : i32
      %dma_start3A_59 = tpu.memref_slice %arg4[%add3A_54, %dma_start3A_58] : memref<10240x128xf32, #tpu.memory_space<hbm>> -> memref<64x128xf32, #tpu.memory_space<hbm>>
      %dma_start3A_60 = arith.constant 0 : i32
      %dma_start3A_61 = tpu.memref_slice %arg4[%add3A_54, %dma_start3A_60] : memref<10240x128xf32, #tpu.memory_space<hbm>> -> memref<64x128xf32, #tpu.memory_space<hbm>>
      %dma_start3A_62 = arith.constant 0 : i32
      %dma_start3A_63 = arith.constant 0 : i32
      %dma_start3A_64 = tpu.memref_slice %arg6[%dma_start3A_62, %dma_start3A_63] : memref<128x128xf32, #tpu.memory_space<vmem>> -> memref<64x128xf32, #tpu.memory_space<vmem>>
      tpu.enqueue_dma source(%dma_start3A_64 : memref<64x128xf32, #tpu.memory_space<vmem>>) target(%dma_start3A_61 : memref<64x128xf32, #tpu.memory_space<hbm>>) target_semaphore(%run_scoped3A : memref<!tpu.dma_semaphore, #tpu.memory_space<semaphore_mem>>)
      %dma_wait3A_65 = arith.constant 0 : i32
      %dma_wait3A_66 = arith.constant 0 : i32
      %dma_wait3A_67 = tpu.memref_slice %arg6[%dma_wait3A_65, %dma_wait3A_66] : memref<128x128xf32, #tpu.memory_space<vmem>> -> memref<64x128xf32, #tpu.memory_space<vmem>>
      %dma_wait3A_68 = arith.constant 0 : i32
      %dma_wait3A_69 = tpu.memref_slice %arg4[%add3A_54, %dma_wait3A_68] : memref<10240x128xf32, #tpu.memory_space<hbm>> -> memref<64x128xf32, #tpu.memory_space<hbm>>
      %dma_wait3A_70 = arith.constant 0 : i32
      %dma_wait3A_71 = tpu.memref_slice %arg4[%add3A_54, %dma_wait3A_70] : memref<10240x128xf32, #tpu.memory_space<hbm>> -> memref<64x128xf32, #tpu.memory_space<hbm>>
      %dma_wait3A_72 = arith.constant 0 : i32
      %dma_wait3A_73 = arith.constant 0 : i32
      %dma_wait3A_74 = tpu.memref_slice %arg6[%dma_wait3A_72, %dma_wait3A_73] : memref<128x128xf32, #tpu.memory_space<vmem>> -> memref<64x128xf32, #tpu.memory_space<vmem>>
      tpu.wait_dma2 semaphore(%run_scoped3A : memref<!tpu.dma_semaphore, #tpu.memory_space<semaphore_mem>>) src(%dma_wait3A_74 : memref<64x128xf32, #tpu.memory_space<vmem>>) dst(%dma_wait3A_71 : memref<64x128xf32, #tpu.memory_space<hbm>>)
      tpu.yield
    }) : () -> ()
    return
  }
}

#map = affine_map<(d0, d1) -> (0, 0)>
#map1 = affine_map<(d0, d1) -> (0, 0, 0)>
module attributes {stable_mosaic.version = 14 : i64} {
  func.func @_sc_agg_h2(%arg0: i32, %arg1: i32, %arg2: memref<10000x128xf32, #tpu.memory_space<hbm>>, %arg3: memref<10000x128xf32, #tpu.memory_space<hbm>>, %arg4: memref<2560x128xi32, #tpu.memory_space<hbm>>, %arg5: memref<2560x128xi32, #tpu.memory_space<hbm>>, %arg6: memref<10112x128xf32, #tpu.memory_space<hbm>>, %arg7: memref<2x10112x128xf32, #tpu.memory_space<hbm>>, %arg8: memref<2x32x128xi32, #tpu.memory_space<vmem>>, %arg9: memref<2x32x128xi32, #tpu.memory_space<vmem>>, %arg10: memref<2x128x128xf32, #tpu.memory_space<vmem>>, %arg11: memref<10112x128xf32, #tpu.memory_space<vmem_shared>>, %arg12: memref<!tpu.dma_semaphore, #tpu.memory_space<semaphore_mem>>, %arg13: memref<!tpu.dma_semaphore, #tpu.memory_space<semaphore_mem>>, %arg14: memref<!tpu.dma_semaphore, #tpu.memory_space<semaphore_mem>>) attributes {dimension_semantics = [#tpu.dimension_semantics<core_parallel>, #tpu.dimension_semantics<subcore_parallel>], iteration_bounds = array<i64: 2, 16>, scalar_prefetch = 0 : i64, scratch_operands = 7 : i64, tpu.core_type = #tpu.core_type<sc_vector_subcore>, window_params = [{transform_indices = #map}, {transform_indices = #map}, {transform_indices = #map}, {transform_indices = #map}, {transform_indices = #map}, {transform_indices = #map1}]} {
    %mul3A = arith.constant 632 : i32
    %mul3A_0 = arith.muli %arg1, %mul3A : i32
    "tpu.region"() ({
      %run_scoped3A_17 = tpu.sem_alloc : memref<!tpu.dma_semaphore, #tpu.memory_space<semaphore_mem>>
      %dma_start3A = arith.constant 0 : i32
      %dma_start3A_18 = tpu.memref_slice %arg11[%mul3A_0, %dma_start3A] : memref<10112x128xf32, #tpu.memory_space<vmem_shared>> -> memref<632x128xf32, #tpu.memory_space<vmem_shared>>
      %dma_start3A_19 = arith.constant 0 : i32
      %dma_start3A_20 = tpu.memref_slice %arg6[%mul3A_0, %dma_start3A_19] : memref<10112x128xf32, #tpu.memory_space<hbm>> -> memref<632x128xf32, #tpu.memory_space<hbm>>
      tpu.enqueue_dma source(%dma_start3A_20 : memref<632x128xf32, #tpu.memory_space<hbm>>) target(%dma_start3A_18 : memref<632x128xf32, #tpu.memory_space<vmem_shared>>) target_semaphore(%run_scoped3A_17 : memref<!tpu.dma_semaphore, #tpu.memory_space<semaphore_mem>>)
      %dma_wait3A = arith.constant 0 : i32
      %dma_wait3A_21 = tpu.memref_slice %arg11[%mul3A_0, %dma_wait3A] : memref<10112x128xf32, #tpu.memory_space<vmem_shared>> -> memref<632x128xf32, #tpu.memory_space<vmem_shared>>
      %dma_wait3A_22 = arith.constant 0 : i32
      %dma_wait3A_23 = tpu.memref_slice %arg6[%mul3A_0, %dma_wait3A_22] : memref<10112x128xf32, #tpu.memory_space<hbm>> -> memref<632x128xf32, #tpu.memory_space<hbm>>
      tpu.wait_dma2 semaphore(%run_scoped3A_17 : memref<!tpu.dma_semaphore, #tpu.memory_space<semaphore_mem>>) src(%dma_wait3A_23 : memref<632x128xf32, #tpu.memory_space<hbm>>) dst(%dma_wait3A_21 : memref<632x128xf32, #tpu.memory_space<vmem_shared>>)
      tpu.yield
    }) : () -> ()
    %barrier3A = arith.constant 0 : index
    tpu.barrier barrier_id(%barrier3A)
    %mul3A_1 = arith.constant 160 : i32
    %mul3A_2 = arith.muli %arg1, %mul3A_1 : i32
    %run_scoped3A = arith.constant 0 : i32
    "tpu.region"() ({
      %run_scoped3A_17 = tpu.sem_alloc : memref<!tpu.dma_semaphore, #tpu.memory_space<semaphore_mem>>
      %dma_start3A = arith.constant 0 : i32
      %dma_start3A_18 = arith.constant 0 : i32
      %dma_start3A_19 = tpu.memref_slice %arg8[%run_scoped3A, %dma_start3A, %dma_start3A_18] : memref<2x32x128xi32, #tpu.memory_space<vmem>> -> memref<1x32x128xi32, #tpu.memory_space<vmem>>
      %dma_start3A_20 = tpu.memref_squeeze %dma_start3A_19 : memref<1x32x128xi32, #tpu.memory_space<vmem>> -> memref<32x128xi32, #tpu.memory_space<vmem>>
      %dma_start3A_21 = arith.constant 0 : i32
      %dma_start3A_22 = tpu.memref_slice %arg4[%mul3A_2, %dma_start3A_21] : memref<2560x128xi32, #tpu.memory_space<hbm>> -> memref<32x128xi32, #tpu.memory_space<hbm>>
      %dma_start3A_23 = arith.constant 0 : i32
      %dma_start3A_24 = arith.constant 0 : i32
      %dma_start3A_25 = tpu.memref_slice %arg8[%run_scoped3A, %dma_start3A_23, %dma_start3A_24] : memref<2x32x128xi32, #tpu.memory_space<vmem>> -> memref<1x32x128xi32, #tpu.memory_space<vmem>>
      %dma_start3A_26 = tpu.memref_squeeze %dma_start3A_25 : memref<1x32x128xi32, #tpu.memory_space<vmem>> -> memref<32x128xi32, #tpu.memory_space<vmem>>
      %dma_start3A_27 = arith.constant 0 : i32
      %dma_start3A_28 = tpu.memref_slice %arg4[%mul3A_2, %dma_start3A_27] : memref<2560x128xi32, #tpu.memory_space<hbm>> -> memref<32x128xi32, #tpu.memory_space<hbm>>
      tpu.enqueue_dma source(%dma_start3A_28 : memref<32x128xi32, #tpu.memory_space<hbm>>) target(%dma_start3A_26 : memref<32x128xi32, #tpu.memory_space<vmem>>) target_semaphore(%run_scoped3A_17 : memref<!tpu.dma_semaphore, #tpu.memory_space<semaphore_mem>>)
      %dma_wait3A = arith.constant 0 : i32
      %dma_wait3A_29 = arith.constant 0 : i32
      %dma_wait3A_30 = tpu.memref_slice %arg8[%run_scoped3A, %dma_wait3A, %dma_wait3A_29] : memref<2x32x128xi32, #tpu.memory_space<vmem>> -> memref<1x32x128xi32, #tpu.memory_space<vmem>>
      %dma_wait3A_31 = tpu.memref_squeeze %dma_wait3A_30 : memref<1x32x128xi32, #tpu.memory_space<vmem>> -> memref<32x128xi32, #tpu.memory_space<vmem>>
      %dma_wait3A_32 = arith.constant 0 : i32
      %dma_wait3A_33 = tpu.memref_slice %arg4[%mul3A_2, %dma_wait3A_32] : memref<2560x128xi32, #tpu.memory_space<hbm>> -> memref<32x128xi32, #tpu.memory_space<hbm>>
      %dma_wait3A_34 = arith.constant 0 : i32
      %dma_wait3A_35 = arith.constant 0 : i32
      %dma_wait3A_36 = tpu.memref_slice %arg8[%run_scoped3A, %dma_wait3A_34, %dma_wait3A_35] : memref<2x32x128xi32, #tpu.memory_space<vmem>> -> memref<1x32x128xi32, #tpu.memory_space<vmem>>
      %dma_wait3A_37 = tpu.memref_squeeze %dma_wait3A_36 : memref<1x32x128xi32, #tpu.memory_space<vmem>> -> memref<32x128xi32, #tpu.memory_space<vmem>>
      %dma_wait3A_38 = arith.constant 0 : i32
      %dma_wait3A_39 = tpu.memref_slice %arg4[%mul3A_2, %dma_wait3A_38] : memref<2560x128xi32, #tpu.memory_space<hbm>> -> memref<32x128xi32, #tpu.memory_space<hbm>>
      tpu.wait_dma2 semaphore(%run_scoped3A_17 : memref<!tpu.dma_semaphore, #tpu.memory_space<semaphore_mem>>) src(%dma_wait3A_39 : memref<32x128xi32, #tpu.memory_space<hbm>>) dst(%dma_wait3A_37 : memref<32x128xi32, #tpu.memory_space<vmem>>)
      tpu.yield
    }) : () -> ()
    %run_scoped3A_3 = arith.constant 0 : i32
    "tpu.region"() ({
      %run_scoped3A_17 = tpu.sem_alloc : memref<!tpu.dma_semaphore, #tpu.memory_space<semaphore_mem>>
      %dma_start3A = arith.constant 0 : i32
      %dma_start3A_18 = arith.constant 0 : i32
      %dma_start3A_19 = tpu.memref_slice %arg9[%run_scoped3A_3, %dma_start3A, %dma_start3A_18] : memref<2x32x128xi32, #tpu.memory_space<vmem>> -> memref<1x32x128xi32, #tpu.memory_space<vmem>>
      %dma_start3A_20 = tpu.memref_squeeze %dma_start3A_19 : memref<1x32x128xi32, #tpu.memory_space<vmem>> -> memref<32x128xi32, #tpu.memory_space<vmem>>
      %dma_start3A_21 = arith.constant 0 : i32
      %dma_start3A_22 = tpu.memref_slice %arg5[%mul3A_2, %dma_start3A_21] : memref<2560x128xi32, #tpu.memory_space<hbm>> -> memref<32x128xi32, #tpu.memory_space<hbm>>
      %dma_start3A_23 = arith.constant 0 : i32
      %dma_start3A_24 = arith.constant 0 : i32
      %dma_start3A_25 = tpu.memref_slice %arg9[%run_scoped3A_3, %dma_start3A_23, %dma_start3A_24] : memref<2x32x128xi32, #tpu.memory_space<vmem>> -> memref<1x32x128xi32, #tpu.memory_space<vmem>>
      %dma_start3A_26 = tpu.memref_squeeze %dma_start3A_25 : memref<1x32x128xi32, #tpu.memory_space<vmem>> -> memref<32x128xi32, #tpu.memory_space<vmem>>
      %dma_start3A_27 = arith.constant 0 : i32
      %dma_start3A_28 = tpu.memref_slice %arg5[%mul3A_2, %dma_start3A_27] : memref<2560x128xi32, #tpu.memory_space<hbm>> -> memref<32x128xi32, #tpu.memory_space<hbm>>
      tpu.enqueue_dma source(%dma_start3A_28 : memref<32x128xi32, #tpu.memory_space<hbm>>) target(%dma_start3A_26 : memref<32x128xi32, #tpu.memory_space<vmem>>) target_semaphore(%run_scoped3A_17 : memref<!tpu.dma_semaphore, #tpu.memory_space<semaphore_mem>>)
      %dma_wait3A = arith.constant 0 : i32
      %dma_wait3A_29 = arith.constant 0 : i32
      %dma_wait3A_30 = tpu.memref_slice %arg9[%run_scoped3A_3, %dma_wait3A, %dma_wait3A_29] : memref<2x32x128xi32, #tpu.memory_space<vmem>> -> memref<1x32x128xi32, #tpu.memory_space<vmem>>
      %dma_wait3A_31 = tpu.memref_squeeze %dma_wait3A_30 : memref<1x32x128xi32, #tpu.memory_space<vmem>> -> memref<32x128xi32, #tpu.memory_space<vmem>>
      %dma_wait3A_32 = arith.constant 0 : i32
      %dma_wait3A_33 = tpu.memref_slice %arg5[%mul3A_2, %dma_wait3A_32] : memref<2560x128xi32, #tpu.memory_space<hbm>> -> memref<32x128xi32, #tpu.memory_space<hbm>>
      %dma_wait3A_34 = arith.constant 0 : i32
      %dma_wait3A_35 = arith.constant 0 : i32
      %dma_wait3A_36 = tpu.memref_slice %arg9[%run_scoped3A_3, %dma_wait3A_34, %dma_wait3A_35] : memref<2x32x128xi32, #tpu.memory_space<vmem>> -> memref<1x32x128xi32, #tpu.memory_space<vmem>>
      %dma_wait3A_37 = tpu.memref_squeeze %dma_wait3A_36 : memref<1x32x128xi32, #tpu.memory_space<vmem>> -> memref<32x128xi32, #tpu.memory_space<vmem>>
      %dma_wait3A_38 = arith.constant 0 : i32
      %dma_wait3A_39 = tpu.memref_slice %arg5[%mul3A_2, %dma_wait3A_38] : memref<2560x128xi32, #tpu.memory_space<hbm>> -> memref<32x128xi32, #tpu.memory_space<hbm>>
      tpu.wait_dma2 semaphore(%run_scoped3A_17 : memref<!tpu.dma_semaphore, #tpu.memory_space<semaphore_mem>>) src(%dma_wait3A_39 : memref<32x128xi32, #tpu.memory_space<hbm>>) dst(%dma_wait3A_37 : memref<32x128xi32, #tpu.memory_space<vmem>>)
      tpu.yield
    }) : () -> ()
    %scan3A = arith.constant 0 : i32
    %scan3A_4 = arith.constant 0 : i32
    %scan3A_5 = arith.constant 5 : i32
    %scan3A_6 = arith.addi %scan3A_4, %scan3A_5 : i32
    %scan3A_7 = arith.constant 1 : i32
    scf.for %scan3A_17 = %scan3A_4 to %scan3A_6 step %scan3A_7  : i32 {
      %rem3A = arith.constant 2 : i32
      %rem3A_18 = arith.remsi %scan3A_17, %rem3A : i32
      %add3A = arith.constant 1 : i32
      %add3A_19 = arith.addi %scan3A_17, %add3A : i32
      %rem3A_20 = arith.constant 2 : i32
      %rem3A_21 = arith.remsi %add3A_19, %rem3A_20 : i32
      %add3A_22 = arith.constant 1 : i32
      %add3A_23 = arith.addi %scan3A_17, %add3A_22 : i32
      %lt3A = arith.constant 5 : i32
      %lt3A_24 = arith.cmpi slt, %add3A_23, %lt3A : i32
      %convert_element_type3A_25 = arith.extui %lt3A_24 : i1 to i32
      %cond3A_26 = arith.constant 0 : i32
      %cond3A_27 = arith.cmpi ne, %convert_element_type3A_25, %cond3A_26 : i32
      scf.if %cond3A_27 {
        %add3A_62 = arith.constant 1 : i32
        %add3A_63 = arith.addi %scan3A_17, %add3A_62 : i32
        %mul3A_64 = arith.constant 32 : i32
        %mul3A_65 = arith.muli %add3A_63, %mul3A_64 : i32
        %add3A_66 = arith.addi %mul3A_2, %mul3A_65 : i32
        %dma_start3A = arith.constant 0 : i32
        %dma_start3A_67 = arith.constant 0 : i32
        %dma_start3A_68 = tpu.memref_slice %arg8[%rem3A_21, %dma_start3A, %dma_start3A_67] : memref<2x32x128xi32, #tpu.memory_space<vmem>> -> memref<1x32x128xi32, #tpu.memory_space<vmem>>
        %dma_start3A_69 = tpu.memref_squeeze %dma_start3A_68 : memref<1x32x128xi32, #tpu.memory_space<vmem>> -> memref<32x128xi32, #tpu.memory_space<vmem>>
        %dma_start3A_70 = arith.constant 0 : i32
        %dma_start3A_71 = tpu.memref_slice %arg4[%add3A_66, %dma_start3A_70] : memref<2560x128xi32, #tpu.memory_space<hbm>> -> memref<32x128xi32, #tpu.memory_space<hbm>>
        %dma_start3A_72 = arith.constant 0 : i32
        %dma_start3A_73 = arith.constant 0 : i32
        %dma_start3A_74 = tpu.memref_slice %arg8[%rem3A_21, %dma_start3A_72, %dma_start3A_73] : memref<2x32x128xi32, #tpu.memory_space<vmem>> -> memref<1x32x128xi32, #tpu.memory_space<vmem>>
        %dma_start3A_75 = tpu.memref_squeeze %dma_start3A_74 : memref<1x32x128xi32, #tpu.memory_space<vmem>> -> memref<32x128xi32, #tpu.memory_space<vmem>>
        %dma_start3A_76 = arith.constant 0 : i32
        %dma_start3A_77 = tpu.memref_slice %arg4[%add3A_66, %dma_start3A_76] : memref<2560x128xi32, #tpu.memory_space<hbm>> -> memref<32x128xi32, #tpu.memory_space<hbm>>
        tpu.enqueue_dma source(%dma_start3A_77 : memref<32x128xi32, #tpu.memory_space<hbm>>) target(%dma_start3A_75 : memref<32x128xi32, #tpu.memory_space<vmem>>) target_semaphore(%arg14 : memref<!tpu.dma_semaphore, #tpu.memory_space<semaphore_mem>>)
        %dma_start3A_78 = arith.constant 0 : i32
        %dma_start3A_79 = arith.constant 0 : i32
        %dma_start3A_80 = tpu.memref_slice %arg9[%rem3A_21, %dma_start3A_78, %dma_start3A_79] : memref<2x32x128xi32, #tpu.memory_space<vmem>> -> memref<1x32x128xi32, #tpu.memory_space<vmem>>
        %dma_start3A_81 = tpu.memref_squeeze %dma_start3A_80 : memref<1x32x128xi32, #tpu.memory_space<vmem>> -> memref<32x128xi32, #tpu.memory_space<vmem>>
        %dma_start3A_82 = arith.constant 0 : i32
        %dma_start3A_83 = tpu.memref_slice %arg5[%add3A_66, %dma_start3A_82] : memref<2560x128xi32, #tpu.memory_space<hbm>> -> memref<32x128xi32, #tpu.memory_space<hbm>>
        %dma_start3A_84 = arith.constant 0 : i32
        %dma_start3A_85 = arith.constant 0 : i32
        %dma_start3A_86 = tpu.memref_slice %arg9[%rem3A_21, %dma_start3A_84, %dma_start3A_85] : memref<2x32x128xi32, #tpu.memory_space<vmem>> -> memref<1x32x128xi32, #tpu.memory_space<vmem>>
        %dma_start3A_87 = tpu.memref_squeeze %dma_start3A_86 : memref<1x32x128xi32, #tpu.memory_space<vmem>> -> memref<32x128xi32, #tpu.memory_space<vmem>>
        %dma_start3A_88 = arith.constant 0 : i32
        %dma_start3A_89 = tpu.memref_slice %arg5[%add3A_66, %dma_start3A_88] : memref<2560x128xi32, #tpu.memory_space<hbm>> -> memref<32x128xi32, #tpu.memory_space<hbm>>
        tpu.enqueue_dma source(%dma_start3A_89 : memref<32x128xi32, #tpu.memory_space<hbm>>) target(%dma_start3A_87 : memref<32x128xi32, #tpu.memory_space<vmem>>) target_semaphore(%arg14 : memref<!tpu.dma_semaphore, #tpu.memory_space<semaphore_mem>>)
      } else {
      }
      %eq3A_28 = arith.constant 0 : i32
      %eq3A_29 = arith.cmpi eq, %arg0, %eq3A_28 : i32
      %convert_element_type3A_30 = arith.extui %eq3A_29 : i1 to i32
      %cond3A_31 = arith.constant 0 : i32
      %cond3A_32 = arith.cmpi ne, %convert_element_type3A_30, %cond3A_31 : i32
      scf.if %cond3A_32 {
        %dma_start3A = arith.constant 0 : i32
        %dma_start3A_62 = arith.constant 0 : i32
        %dma_start3A_63 = arith.constant 0 : i32
        %dma_start3A_64 = arith.constant 0 : i32
        %dma_start3A_65 = tpu.memref_slice %arg10[%dma_start3A_62, %dma_start3A_63, %dma_start3A_64] : memref<2x128x128xf32, #tpu.memory_space<vmem>> -> memref<1x128x128xf32, #tpu.memory_space<vmem>>
        %dma_start3A_66 = tpu.memref_squeeze %dma_start3A_65 : memref<1x128x128xf32, #tpu.memory_space<vmem>> -> memref<128x128xf32, #tpu.memory_space<vmem>>
        %dma_start3A_67 = arith.constant 0 : i32
        %dma_start3A_68 = tpu.memref_slice %arg8[%rem3A_18, %dma_start3A, %dma_start3A_67] : memref<2x32x128xi32, #tpu.memory_space<vmem>> -> memref<1x1x128xi32, #tpu.memory_space<vmem>>
        %dma_start3A_69 = tpu.memref_squeeze %dma_start3A_68 : memref<1x1x128xi32, #tpu.memory_space<vmem>> -> memref<128xi32, #tpu.memory_space<vmem>>
        %dma_start3A_70 = arith.constant 0 : i32
        %dma_start3A_71 = arith.constant 0 : i32
        %dma_start3A_72 = tpu.memref_slice %arg2[%dma_start3A_70, %dma_start3A_71] : memref<10000x128xf32, #tpu.memory_space<hbm>> -> memref<10000x128xf32, #tpu.memory_space<hbm>>
        tpu.enqueue_indirect_dma source(%dma_start3A_72 : memref<10000x128xf32, #tpu.memory_space<hbm>>) target(%dma_start3A_66 : memref<128x128xf32, #tpu.memory_space<vmem>>) offsets(%dma_start3A_69 : memref<128xi32, #tpu.memory_space<vmem>>) semaphore(%arg12 : memref<!tpu.dma_semaphore, #tpu.memory_space<semaphore_mem>>)
      } else {
      }
      %eq3A_33 = arith.constant 1 : i32
      %eq3A_34 = arith.cmpi eq, %arg0, %eq3A_33 : i32
      %convert_element_type3A_35 = arith.extui %eq3A_34 : i1 to i32
      %cond3A_36 = arith.constant 0 : i32
      %cond3A_37 = arith.cmpi ne, %convert_element_type3A_35, %cond3A_36 : i32
      scf.if %cond3A_37 {
        %dma_start3A = arith.constant 0 : i32
        %dma_start3A_62 = arith.constant 0 : i32
        %dma_start3A_63 = arith.constant 0 : i32
        %dma_start3A_64 = arith.constant 0 : i32
        %dma_start3A_65 = tpu.memref_slice %arg10[%dma_start3A_62, %dma_start3A_63, %dma_start3A_64] : memref<2x128x128xf32, #tpu.memory_space<vmem>> -> memref<1x128x128xf32, #tpu.memory_space<vmem>>
        %dma_start3A_66 = tpu.memref_squeeze %dma_start3A_65 : memref<1x128x128xf32, #tpu.memory_space<vmem>> -> memref<128x128xf32, #tpu.memory_space<vmem>>
        %dma_start3A_67 = arith.constant 0 : i32
        %dma_start3A_68 = tpu.memref_slice %arg8[%rem3A_18, %dma_start3A, %dma_start3A_67] : memref<2x32x128xi32, #tpu.memory_space<vmem>> -> memref<1x1x128xi32, #tpu.memory_space<vmem>>
        %dma_start3A_69 = tpu.memref_squeeze %dma_start3A_68 : memref<1x1x128xi32, #tpu.memory_space<vmem>> -> memref<128xi32, #tpu.memory_space<vmem>>
        %dma_start3A_70 = arith.constant 0 : i32
        %dma_start3A_71 = arith.constant 0 : i32
        %dma_start3A_72 = tpu.memref_slice %arg3[%dma_start3A_70, %dma_start3A_71] : memref<10000x128xf32, #tpu.memory_space<hbm>> -> memref<10000x128xf32, #tpu.memory_space<hbm>>
        tpu.enqueue_indirect_dma source(%dma_start3A_72 : memref<10000x128xf32, #tpu.memory_space<hbm>>) target(%dma_start3A_66 : memref<128x128xf32, #tpu.memory_space<vmem>>) offsets(%dma_start3A_69 : memref<128xi32, #tpu.memory_space<vmem>>) semaphore(%arg12 : memref<!tpu.dma_semaphore, #tpu.memory_space<semaphore_mem>>)
      } else {
      }
      %scan3A_38 = arith.constant 0 : i32
      %scan3A_39 = arith.constant 0 : i32
      %scan3A_40 = arith.constant 32 : i32
      %scan3A_41 = arith.addi %scan3A_39, %scan3A_40 : i32
      %scan3A_42 = arith.constant 1 : i32
      scf.for %scan3A_62 = %scan3A_39 to %scan3A_41 step %scan3A_42  : i32 {
        %rem3A_63 = arith.constant 2 : i32
        %rem3A_64 = arith.remsi %scan3A_62, %rem3A_63 : i32
        %add3A_65 = arith.constant 1 : i32
        %add3A_66 = arith.addi %scan3A_62, %add3A_65 : i32
        %rem3A_67 = arith.constant 2 : i32
        %rem3A_68 = arith.remsi %add3A_66, %rem3A_67 : i32
        %gt3A = arith.constant 0 : i32
        %gt3A_69 = arith.cmpi sgt, %scan3A_62, %gt3A : i32
        %convert_element_type3A_70 = arith.extui %gt3A_69 : i1 to i32
        %cond3A_71 = arith.constant 0 : i32
        %cond3A_72 = arith.cmpi ne, %convert_element_type3A_70, %cond3A_71 : i32
        scf.if %cond3A_72 {
          %sub3A = arith.constant 1 : i32
          %sub3A_99 = arith.subi %scan3A_62, %sub3A : i32
          %dma_wait3A_100 = arith.constant 0 : i32
          %dma_wait3A_101 = arith.constant 0 : i32
          %dma_wait3A_102 = tpu.memref_slice %arg10[%rem3A_68, %dma_wait3A_100, %dma_wait3A_101] : memref<2x128x128xf32, #tpu.memory_space<vmem>> -> memref<1x128x128xf32, #tpu.memory_space<vmem>>
          %dma_wait3A_103 = tpu.memref_squeeze %dma_wait3A_102 : memref<1x128x128xf32, #tpu.memory_space<vmem>> -> memref<128x128xf32, #tpu.memory_space<vmem>>
          %dma_wait3A_104 = arith.constant 0 : i32
          %dma_wait3A_105 = tpu.memref_slice %arg9[%rem3A_18, %sub3A_99, %dma_wait3A_104] : memref<2x32x128xi32, #tpu.memory_space<vmem>> -> memref<1x1x128xi32, #tpu.memory_space<vmem>>
          %dma_wait3A_106 = tpu.memref_squeeze %dma_wait3A_105 : memref<1x1x128xi32, #tpu.memory_space<vmem>> -> memref<128xi32, #tpu.memory_space<vmem>>
          %dma_wait3A_107 = arith.constant 0 : i32
          %dma_wait3A_108 = arith.constant 0 : i32
          %dma_wait3A_109 = tpu.memref_slice %arg11[%dma_wait3A_107, %dma_wait3A_108] : memref<10112x128xf32, #tpu.memory_space<vmem_shared>> -> memref<10112x128xf32, #tpu.memory_space<vmem_shared>>
          tpu.wait_indirect_dma semaphore(%arg13 : memref<!tpu.dma_semaphore, #tpu.memory_space<semaphore_mem>>) src(%dma_wait3A_103 : memref<128x128xf32, #tpu.memory_space<vmem>>) dst(%dma_wait3A_109 : memref<10112x128xf32, #tpu.memory_space<vmem_shared>>)
        } else {
        }
        %add3A_73 = arith.constant 1 : i32
        %add3A_74 = arith.addi %scan3A_62, %add3A_73 : i32
        %lt3A_75 = arith.constant 32 : i32
        %lt3A_76 = arith.cmpi slt, %add3A_74, %lt3A_75 : i32
        %convert_element_type3A_77 = arith.extui %lt3A_76 : i1 to i32
        %cond3A_78 = arith.constant 0 : i32
        %cond3A_79 = arith.cmpi ne, %convert_element_type3A_77, %cond3A_78 : i32
        scf.if %cond3A_79 {
          %add3A_99 = arith.constant 1 : i32
          %add3A_100 = arith.addi %scan3A_62, %add3A_99 : i32
          %eq3A_101 = arith.constant 0 : i32
          %eq3A_102 = arith.cmpi eq, %arg0, %eq3A_101 : i32
          %convert_element_type3A_103 = arith.extui %eq3A_102 : i1 to i32
          %cond3A_104 = arith.constant 0 : i32
          %cond3A_105 = arith.cmpi ne, %convert_element_type3A_103, %cond3A_104 : i32
          scf.if %cond3A_105 {
            %dma_start3A_111 = arith.constant 0 : i32
            %dma_start3A_112 = arith.constant 0 : i32
            %dma_start3A_113 = tpu.memref_slice %arg10[%rem3A_68, %dma_start3A_111, %dma_start3A_112] : memref<2x128x128xf32, #tpu.memory_space<vmem>> -> memref<1x128x128xf32, #tpu.memory_space<vmem>>
            %dma_start3A_114 = tpu.memref_squeeze %dma_start3A_113 : memref<1x128x128xf32, #tpu.memory_space<vmem>> -> memref<128x128xf32, #tpu.memory_space<vmem>>
            %dma_start3A_115 = arith.constant 0 : i32
            %dma_start3A_116 = tpu.memref_slice %arg8[%rem3A_18, %add3A_100, %dma_start3A_115] : memref<2x32x128xi32, #tpu.memory_space<vmem>> -> memref<1x1x128xi32, #tpu.memory_space<vmem>>
            %dma_start3A_117 = tpu.memref_squeeze %dma_start3A_116 : memref<1x1x128xi32, #tpu.memory_space<vmem>> -> memref<128xi32, #tpu.memory_space<vmem>>
            %dma_start3A_118 = arith.constant 0 : i32
            %dma_start3A_119 = arith.constant 0 : i32
            %dma_start3A_120 = tpu.memref_slice %arg2[%dma_start3A_118, %dma_start3A_119] : memref<10000x128xf32, #tpu.memory_space<hbm>> -> memref<10000x128xf32, #tpu.memory_space<hbm>>
            tpu.enqueue_indirect_dma source(%dma_start3A_120 : memref<10000x128xf32, #tpu.memory_space<hbm>>) target(%dma_start3A_114 : memref<128x128xf32, #tpu.memory_space<vmem>>) offsets(%dma_start3A_117 : memref<128xi32, #tpu.memory_space<vmem>>) semaphore(%arg12 : memref<!tpu.dma_semaphore, #tpu.memory_space<semaphore_mem>>)
          } else {
          }
          %eq3A_106 = arith.constant 1 : i32
          %eq3A_107 = arith.cmpi eq, %arg0, %eq3A_106 : i32
          %convert_element_type3A_108 = arith.extui %eq3A_107 : i1 to i32
          %cond3A_109 = arith.constant 0 : i32
          %cond3A_110 = arith.cmpi ne, %convert_element_type3A_108, %cond3A_109 : i32
          scf.if %cond3A_110 {
            %dma_start3A_111 = arith.constant 0 : i32
            %dma_start3A_112 = arith.constant 0 : i32
            %dma_start3A_113 = tpu.memref_slice %arg10[%rem3A_68, %dma_start3A_111, %dma_start3A_112] : memref<2x128x128xf32, #tpu.memory_space<vmem>> -> memref<1x128x128xf32, #tpu.memory_space<vmem>>
            %dma_start3A_114 = tpu.memref_squeeze %dma_start3A_113 : memref<1x128x128xf32, #tpu.memory_space<vmem>> -> memref<128x128xf32, #tpu.memory_space<vmem>>
            %dma_start3A_115 = arith.constant 0 : i32
            %dma_start3A_116 = tpu.memref_slice %arg8[%rem3A_18, %add3A_100, %dma_start3A_115] : memref<2x32x128xi32, #tpu.memory_space<vmem>> -> memref<1x1x128xi32, #tpu.memory_space<vmem>>
            %dma_start3A_117 = tpu.memref_squeeze %dma_start3A_116 : memref<1x1x128xi32, #tpu.memory_space<vmem>> -> memref<128xi32, #tpu.memory_space<vmem>>
            %dma_start3A_118 = arith.constant 0 : i32
            %dma_start3A_119 = arith.constant 0 : i32
            %dma_start3A_120 = tpu.memref_slice %arg3[%dma_start3A_118, %dma_start3A_119] : memref<10000x128xf32, #tpu.memory_space<hbm>> -> memref<10000x128xf32, #tpu.memory_space<hbm>>
            tpu.enqueue_indirect_dma source(%dma_start3A_120 : memref<10000x128xf32, #tpu.memory_space<hbm>>) target(%dma_start3A_114 : memref<128x128xf32, #tpu.memory_space<vmem>>) offsets(%dma_start3A_117 : memref<128xi32, #tpu.memory_space<vmem>>) semaphore(%arg12 : memref<!tpu.dma_semaphore, #tpu.memory_space<semaphore_mem>>)
          } else {
          }
        } else {
        }
        %dma_wait3A_80 = arith.constant 0 : i32
        %dma_wait3A_81 = arith.constant 0 : i32
        %dma_wait3A_82 = tpu.memref_slice %arg10[%rem3A_64, %dma_wait3A_80, %dma_wait3A_81] : memref<2x128x128xf32, #tpu.memory_space<vmem>> -> memref<1x128x128xf32, #tpu.memory_space<vmem>>
        %dma_wait3A_83 = tpu.memref_squeeze %dma_wait3A_82 : memref<1x128x128xf32, #tpu.memory_space<vmem>> -> memref<128x128xf32, #tpu.memory_space<vmem>>
        %dma_wait3A_84 = arith.constant 0 : i32
        %dma_wait3A_85 = tpu.memref_slice %arg8[%rem3A_18, %scan3A_62, %dma_wait3A_84] : memref<2x32x128xi32, #tpu.memory_space<vmem>> -> memref<1x1x128xi32, #tpu.memory_space<vmem>>
        %dma_wait3A_86 = tpu.memref_squeeze %dma_wait3A_85 : memref<1x1x128xi32, #tpu.memory_space<vmem>> -> memref<128xi32, #tpu.memory_space<vmem>>
        %dma_wait3A_87 = arith.constant 0 : i32
        %dma_wait3A_88 = arith.constant 0 : i32
        %dma_wait3A_89 = tpu.memref_slice %arg2[%dma_wait3A_87, %dma_wait3A_88] : memref<10000x128xf32, #tpu.memory_space<hbm>> -> memref<10000x128xf32, #tpu.memory_space<hbm>>
        tpu.wait_indirect_dma semaphore(%arg12 : memref<!tpu.dma_semaphore, #tpu.memory_space<semaphore_mem>>) src(%dma_wait3A_89 : memref<10000x128xf32, #tpu.memory_space<hbm>>) dst(%dma_wait3A_83 : memref<128x128xf32, #tpu.memory_space<vmem>>)
        %dma_start3A = arith.constant 0 : i32
        %dma_start3A_90 = arith.constant 0 : i32
        %dma_start3A_91 = tpu.memref_slice %arg10[%rem3A_64, %dma_start3A, %dma_start3A_90] : memref<2x128x128xf32, #tpu.memory_space<vmem>> -> memref<1x128x128xf32, #tpu.memory_space<vmem>>
        %dma_start3A_92 = tpu.memref_squeeze %dma_start3A_91 : memref<1x128x128xf32, #tpu.memory_space<vmem>> -> memref<128x128xf32, #tpu.memory_space<vmem>>
        %dma_start3A_93 = arith.constant 0 : i32
        %dma_start3A_94 = tpu.memref_slice %arg9[%rem3A_18, %scan3A_62, %dma_start3A_93] : memref<2x32x128xi32, #tpu.memory_space<vmem>> -> memref<1x1x128xi32, #tpu.memory_space<vmem>>
        %dma_start3A_95 = tpu.memref_squeeze %dma_start3A_94 : memref<1x1x128xi32, #tpu.memory_space<vmem>> -> memref<128xi32, #tpu.memory_space<vmem>>
        %dma_start3A_96 = arith.constant 0 : i32
        %dma_start3A_97 = arith.constant 0 : i32
        %dma_start3A_98 = tpu.memref_slice %arg11[%dma_start3A_96, %dma_start3A_97] : memref<10112x128xf32, #tpu.memory_space<vmem_shared>> -> memref<10112x128xf32, #tpu.memory_space<vmem_shared>>
        tpu.enqueue_indirect_dma source(%dma_start3A_92 : memref<128x128xf32, #tpu.memory_space<vmem>>) target(%dma_start3A_98 : memref<10112x128xf32, #tpu.memory_space<vmem_shared>>) offsets(%dma_start3A_95 : memref<128xi32, #tpu.memory_space<vmem>>) semaphore(%arg13 : memref<!tpu.dma_semaphore, #tpu.memory_space<semaphore_mem>>) {add = true}
      }
      %scan3A_43 = arith.constant 32 : i32
      %dma_wait3A = arith.constant 1 : i32
      %dma_wait3A_44 = arith.constant 31 : i32
      %dma_wait3A_45 = arith.constant 0 : i32
      %dma_wait3A_46 = arith.constant 0 : i32
      %dma_wait3A_47 = tpu.memref_slice %arg10[%dma_wait3A, %dma_wait3A_45, %dma_wait3A_46] : memref<2x128x128xf32, #tpu.memory_space<vmem>> -> memref<1x128x128xf32, #tpu.memory_space<vmem>>
      %dma_wait3A_48 = tpu.memref_squeeze %dma_wait3A_47 : memref<1x128x128xf32, #tpu.memory_space<vmem>> -> memref<128x128xf32, #tpu.memory_space<vmem>>
      %dma_wait3A_49 = arith.constant 0 : i32
      %dma_wait3A_50 = tpu.memref_slice %arg9[%rem3A_18, %dma_wait3A_44, %dma_wait3A_49] : memref<2x32x128xi32, #tpu.memory_space<vmem>> -> memref<1x1x128xi32, #tpu.memory_space<vmem>>
      %dma_wait3A_51 = tpu.memref_squeeze %dma_wait3A_50 : memref<1x1x128xi32, #tpu.memory_space<vmem>> -> memref<128xi32, #tpu.memory_space<vmem>>
      %dma_wait3A_52 = arith.constant 0 : i32
      %dma_wait3A_53 = arith.constant 0 : i32
      %dma_wait3A_54 = tpu.memref_slice %arg11[%dma_wait3A_52, %dma_wait3A_53] : memref<10112x128xf32, #tpu.memory_space<vmem_shared>> -> memref<10112x128xf32, #tpu.memory_space<vmem_shared>>
      tpu.wait_indirect_dma semaphore(%arg13 : memref<!tpu.dma_semaphore, #tpu.memory_space<semaphore_mem>>) src(%dma_wait3A_48 : memref<128x128xf32, #tpu.memory_space<vmem>>) dst(%dma_wait3A_54 : memref<10112x128xf32, #tpu.memory_space<vmem_shared>>)
      %add3A_55 = arith.constant 1 : i32
      %add3A_56 = arith.addi %scan3A_17, %add3A_55 : i32
      %lt3A_57 = arith.constant 5 : i32
      %lt3A_58 = arith.cmpi slt, %add3A_56, %lt3A_57 : i32
      %convert_element_type3A_59 = arith.extui %lt3A_58 : i1 to i32
      %cond3A_60 = arith.constant 0 : i32
      %cond3A_61 = arith.cmpi ne, %convert_element_type3A_59, %cond3A_60 : i32
      scf.if %cond3A_61 {
        %dma_wait3A_62 = arith.constant 0 : i32
        %dma_wait3A_63 = arith.constant 0 : i32
        %dma_wait3A_64 = tpu.memref_slice %arg8[%rem3A_21, %dma_wait3A_62, %dma_wait3A_63] : memref<2x32x128xi32, #tpu.memory_space<vmem>> -> memref<1x32x128xi32, #tpu.memory_space<vmem>>
        %dma_wait3A_65 = tpu.memref_squeeze %dma_wait3A_64 : memref<1x32x128xi32, #tpu.memory_space<vmem>> -> memref<32x128xi32, #tpu.memory_space<vmem>>
        %dma_wait3A_66 = arith.constant 0 : i32
        %dma_wait3A_67 = tpu.memref_slice %arg4[%mul3A_2, %dma_wait3A_66] : memref<2560x128xi32, #tpu.memory_space<hbm>> -> memref<32x128xi32, #tpu.memory_space<hbm>>
        %dma_wait3A_68 = arith.constant 0 : i32
        %dma_wait3A_69 = arith.constant 0 : i32
        %dma_wait3A_70 = tpu.memref_slice %arg8[%rem3A_21, %dma_wait3A_68, %dma_wait3A_69] : memref<2x32x128xi32, #tpu.memory_space<vmem>> -> memref<1x32x128xi32, #tpu.memory_space<vmem>>
        %dma_wait3A_71 = tpu.memref_squeeze %dma_wait3A_70 : memref<1x32x128xi32, #tpu.memory_space<vmem>> -> memref<32x128xi32, #tpu.memory_space<vmem>>
        %dma_wait3A_72 = arith.constant 0 : i32
        %dma_wait3A_73 = tpu.memref_slice %arg4[%mul3A_2, %dma_wait3A_72] : memref<2560x128xi32, #tpu.memory_space<hbm>> -> memref<32x128xi32, #tpu.memory_space<hbm>>
        tpu.wait_dma2 semaphore(%arg14 : memref<!tpu.dma_semaphore, #tpu.memory_space<semaphore_mem>>) src(%dma_wait3A_73 : memref<32x128xi32, #tpu.memory_space<hbm>>) dst(%dma_wait3A_71 : memref<32x128xi32, #tpu.memory_space<vmem>>)
        %dma_wait3A_74 = arith.constant 0 : i32
        %dma_wait3A_75 = arith.constant 0 : i32
        %dma_wait3A_76 = tpu.memref_slice %arg9[%rem3A_21, %dma_wait3A_74, %dma_wait3A_75] : memref<2x32x128xi32, #tpu.memory_space<vmem>> -> memref<1x32x128xi32, #tpu.memory_space<vmem>>
        %dma_wait3A_77 = tpu.memref_squeeze %dma_wait3A_76 : memref<1x32x128xi32, #tpu.memory_space<vmem>> -> memref<32x128xi32, #tpu.memory_space<vmem>>
        %dma_wait3A_78 = arith.constant 0 : i32
        %dma_wait3A_79 = tpu.memref_slice %arg5[%mul3A_2, %dma_wait3A_78] : memref<2560x128xi32, #tpu.memory_space<hbm>> -> memref<32x128xi32, #tpu.memory_space<hbm>>
        %dma_wait3A_80 = arith.constant 0 : i32
        %dma_wait3A_81 = arith.constant 0 : i32
        %dma_wait3A_82 = tpu.memref_slice %arg9[%rem3A_21, %dma_wait3A_80, %dma_wait3A_81] : memref<2x32x128xi32, #tpu.memory_space<vmem>> -> memref<1x32x128xi32, #tpu.memory_space<vmem>>
        %dma_wait3A_83 = tpu.memref_squeeze %dma_wait3A_82 : memref<1x32x128xi32, #tpu.memory_space<vmem>> -> memref<32x128xi32, #tpu.memory_space<vmem>>
        %dma_wait3A_84 = arith.constant 0 : i32
        %dma_wait3A_85 = tpu.memref_slice %arg5[%mul3A_2, %dma_wait3A_84] : memref<2560x128xi32, #tpu.memory_space<hbm>> -> memref<32x128xi32, #tpu.memory_space<hbm>>
        tpu.wait_dma2 semaphore(%arg14 : memref<!tpu.dma_semaphore, #tpu.memory_space<semaphore_mem>>) src(%dma_wait3A_85 : memref<32x128xi32, #tpu.memory_space<hbm>>) dst(%dma_wait3A_83 : memref<32x128xi32, #tpu.memory_space<vmem>>)
      } else {
      }
    }
    %scan3A_8 = arith.constant 5 : i32
    %barrier3A_9 = arith.constant 0 : index
    tpu.barrier barrier_id(%barrier3A_9)
    %eq3A = arith.constant 0 : i32
    %eq3A_10 = arith.cmpi eq, %arg0, %eq3A : i32
    %convert_element_type3A = arith.extui %eq3A_10 : i1 to i32
    %cond3A = arith.constant 0 : i32
    %cond3A_11 = arith.cmpi ne, %convert_element_type3A, %cond3A : i32
    scf.if %cond3A_11 {
      %run_scoped3A_17 = arith.constant 0 : i32
      "tpu.region"() ({
        %run_scoped3A_18 = tpu.sem_alloc : memref<!tpu.dma_semaphore, #tpu.memory_space<semaphore_mem>>
        %dma_start3A = arith.constant 0 : i32
        %dma_start3A_19 = tpu.memref_slice %arg7[%run_scoped3A_17, %mul3A_0, %dma_start3A] : memref<2x10112x128xf32, #tpu.memory_space<hbm>> -> memref<1x632x128xf32, #tpu.memory_space<hbm>>
        %dma_start3A_20 = tpu.memref_squeeze %dma_start3A_19 : memref<1x632x128xf32, #tpu.memory_space<hbm>> -> memref<632x128xf32, #tpu.memory_space<hbm>>
        %dma_start3A_21 = arith.constant 0 : i32
        %dma_start3A_22 = tpu.memref_slice %arg11[%mul3A_0, %dma_start3A_21] : memref<10112x128xf32, #tpu.memory_space<vmem_shared>> -> memref<632x128xf32, #tpu.memory_space<vmem_shared>>
        tpu.enqueue_dma source(%dma_start3A_22 : memref<632x128xf32, #tpu.memory_space<vmem_shared>>) target(%dma_start3A_20 : memref<632x128xf32, #tpu.memory_space<hbm>>) target_semaphore(%run_scoped3A_18 : memref<!tpu.dma_semaphore, #tpu.memory_space<semaphore_mem>>)
        %dma_wait3A = arith.constant 0 : i32
        %dma_wait3A_23 = tpu.memref_slice %arg7[%run_scoped3A_17, %mul3A_0, %dma_wait3A] : memref<2x10112x128xf32, #tpu.memory_space<hbm>> -> memref<1x632x128xf32, #tpu.memory_space<hbm>>
        %dma_wait3A_24 = tpu.memref_squeeze %dma_wait3A_23 : memref<1x632x128xf32, #tpu.memory_space<hbm>> -> memref<632x128xf32, #tpu.memory_space<hbm>>
        %dma_wait3A_25 = arith.constant 0 : i32
        %dma_wait3A_26 = tpu.memref_slice %arg11[%mul3A_0, %dma_wait3A_25] : memref<10112x128xf32, #tpu.memory_space<vmem_shared>> -> memref<632x128xf32, #tpu.memory_space<vmem_shared>>
        tpu.wait_dma2 semaphore(%run_scoped3A_18 : memref<!tpu.dma_semaphore, #tpu.memory_space<semaphore_mem>>) src(%dma_wait3A_26 : memref<632x128xf32, #tpu.memory_space<vmem_shared>>) dst(%dma_wait3A_24 : memref<632x128xf32, #tpu.memory_space<hbm>>)
        tpu.yield
      }) : () -> ()
    } else {
    }
    %eq3A_12 = arith.constant 1 : i32
    %eq3A_13 = arith.cmpi eq, %arg0, %eq3A_12 : i32
    %convert_element_type3A_14 = arith.extui %eq3A_13 : i1 to i32
    %cond3A_15 = arith.constant 0 : i32
    %cond3A_16 = arith.cmpi ne, %convert_element_type3A_14, %cond3A_15 : i32
    scf.if %cond3A_16 {
      %run_scoped3A_17 = arith.constant 1 : i32
      "tpu.region"() ({
        %run_scoped3A_18 = tpu.sem_alloc : memref<!tpu.dma_semaphore, #tpu.memory_space<semaphore_mem>>
        %dma_start3A = arith.constant 0 : i32
        %dma_start3A_19 = tpu.memref_slice %arg7[%run_scoped3A_17, %mul3A_0, %dma_start3A] : memref<2x10112x128xf32, #tpu.memory_space<hbm>> -> memref<1x632x128xf32, #tpu.memory_space<hbm>>
        %dma_start3A_20 = tpu.memref_squeeze %dma_start3A_19 : memref<1x632x128xf32, #tpu.memory_space<hbm>> -> memref<632x128xf32, #tpu.memory_space<hbm>>
        %dma_start3A_21 = arith.constant 0 : i32
        %dma_start3A_22 = tpu.memref_slice %arg11[%mul3A_0, %dma_start3A_21] : memref<10112x128xf32, #tpu.memory_space<vmem_shared>> -> memref<632x128xf32, #tpu.memory_space<vmem_shared>>
        tpu.enqueue_dma source(%dma_start3A_22 : memref<632x128xf32, #tpu.memory_space<vmem_shared>>) target(%dma_start3A_20 : memref<632x128xf32, #tpu.memory_space<hbm>>) target_semaphore(%run_scoped3A_18 : memref<!tpu.dma_semaphore, #tpu.memory_space<semaphore_mem>>)
        %dma_wait3A = arith.constant 0 : i32
        %dma_wait3A_23 = tpu.memref_slice %arg7[%run_scoped3A_17, %mul3A_0, %dma_wait3A] : memref<2x10112x128xf32, #tpu.memory_space<hbm>> -> memref<1x632x128xf32, #tpu.memory_space<hbm>>
        %dma_wait3A_24 = tpu.memref_squeeze %dma_wait3A_23 : memref<1x632x128xf32, #tpu.memory_space<hbm>> -> memref<632x128xf32, #tpu.memory_space<hbm>>
        %dma_wait3A_25 = arith.constant 0 : i32
        %dma_wait3A_26 = tpu.memref_slice %arg11[%mul3A_0, %dma_wait3A_25] : memref<10112x128xf32, #tpu.memory_space<vmem_shared>> -> memref<632x128xf32, #tpu.memory_space<vmem_shared>>
        tpu.wait_dma2 semaphore(%run_scoped3A_18 : memref<!tpu.dma_semaphore, #tpu.memory_space<semaphore_mem>>) src(%dma_wait3A_26 : memref<632x128xf32, #tpu.memory_space<vmem_shared>>) dst(%dma_wait3A_24 : memref<632x128xf32, #tpu.memory_space<hbm>>)
        tpu.yield
      }) : () -> ()
    } else {
    }
    return
  }
}

module attributes {stable_mosaic.version = 14 : i64} {
  func.func @_tc_deg_body(%arg0: i32, %arg1: memref<1x1x8192xi32, #tpu.memory_space<vmem>>, %arg2: memref<80x128xf32, #tpu.memory_space<vmem>>) attributes {dimension_semantics = [#tpu.dimension_semantics<arbitrary>], iteration_bounds = array<i64: 40>, scalar_prefetch = 0 : i64, scratch_operands = 0 : i64, tpu.core_type = #tpu.core_type<tc>, window_params = [{transform_indices = @transform_0, window_bounds = array<i64: 1, 1, 8192>}, {pipeline_mode = #tpu.pipeline_mode<synchronous>, transform_indices = @transform_1, window_bounds = array<i64: 80, 128>}]} {
    %get3A = arith.constant 0 : index
    %get3A_0 = arith.constant 0 : index
    %get3A_1 = arith.constant 0 : index
    %get3A_2 = vector.load %arg1[%get3A, %get3A_0, %get3A_1] : memref<1x1x8192xi32, #tpu.memory_space<vmem>>, vector<1x1x8192xi32>
    %get3A_3 = vector.shape_cast %get3A_2 : vector<1x1x8192xi32> to vector<1x8192xi32>
    %jit3A = arith.constant 128 : i32
    %div3A = vector.broadcast %jit3A : i32 to vector<1x8192xi32>
    %div3A_4 = arith.divsi %get3A_3, %div3A : vector<1x8192xi32>
    %sign3A = arith.constant 0 : i32
    %sign3A_5 = vector.broadcast %sign3A : i32 to vector<1x8192xi32>
    %sign3A_6 = arith.cmpi sgt, %get3A_3, %sign3A_5 : vector<1x8192xi32>
    %sign3A_7 = arith.extui %sign3A_6 : vector<1x8192xi1> to vector<1x8192xi32>
    %sign3A_8 = arith.constant 0 : i32
    %sign3A_9 = vector.broadcast %sign3A_8 : i32 to vector<1x8192xi32>
    %sign3A_10 = arith.cmpi slt, %get3A_3, %sign3A_9 : vector<1x8192xi32>
    %sign3A_11 = arith.extui %sign3A_10 : vector<1x8192xi1> to vector<1x8192xi32>
    %sign3A_12 = arith.subi %sign3A_7, %sign3A_11 : vector<1x8192xi32>
    %sign3A_13 = arith.constant 0 : i32
    %sign3A_14 = arith.cmpi sgt, %jit3A, %sign3A_13 : i32
    %sign3A_15 = arith.extui %sign3A_14 : i1 to i32
    %sign3A_16 = arith.constant 0 : i32
    %sign3A_17 = arith.cmpi slt, %jit3A, %sign3A_16 : i32
    %sign3A_18 = arith.extui %sign3A_17 : i1 to i32
    %sign3A_19 = arith.subi %sign3A_15, %sign3A_18 : i32
    %ne3A = vector.broadcast %sign3A_19 : i32 to vector<1x8192xi32>
    %ne3A_20 = arith.cmpi ne, %sign3A_12, %ne3A : vector<1x8192xi32>
    %rem3A = vector.broadcast %jit3A : i32 to vector<1x8192xi32>
    %rem3A_21 = arith.remsi %get3A_3, %rem3A : vector<1x8192xi32>
    %ne3A_22 = arith.constant 0 : i32
    %ne3A_23 = vector.broadcast %ne3A_22 : i32 to vector<1x8192xi32>
    %ne3A_24 = arith.cmpi ne, %rem3A_21, %ne3A_23 : vector<1x8192xi32>
    %and3A = arith.andi %ne3A_20, %ne3A_24 : vector<1x8192xi1>
    %sub3A = arith.constant 1 : i32
    %sub3A_25 = vector.broadcast %sub3A : i32 to vector<1x8192xi32>
    %sub3A_26 = arith.subi %div3A_4, %sub3A_25 : vector<1x8192xi32>
    %select_n3A = arith.select %and3A, %sub3A_26, %div3A_4 : vector<1x8192xi1>, vector<1x8192xi32>
    %jit3A_27 = arith.constant 128 : i32
    %eq3A = arith.constant 0 : i32
    %eq3A_28 = arith.cmpi eq, %jit3A_27, %eq3A : i32
    %jit3A_29 = arith.constant 1 : i32
    %select_n3A_30 = arith.select %eq3A_28, %jit3A_29, %jit3A_27 : i32
    %rem3A_31 = vector.broadcast %select_n3A_30 : i32 to vector<1x8192xi32>
    %rem3A_32 = arith.remsi %get3A_3, %rem3A_31 : vector<1x8192xi32>
    %ne3A_33 = arith.constant 0 : i32
    %ne3A_34 = vector.broadcast %ne3A_33 : i32 to vector<1x8192xi32>
    %ne3A_35 = arith.cmpi ne, %rem3A_32, %ne3A_34 : vector<1x8192xi32>
    %lt3A = arith.constant 0 : i32
    %lt3A_36 = vector.broadcast %lt3A : i32 to vector<1x8192xi32>
    %lt3A_37 = arith.cmpi slt, %rem3A_32, %lt3A_36 : vector<1x8192xi32>
    %lt3A_38 = arith.constant 0 : i32
    %lt3A_39 = arith.cmpi slt, %select_n3A_30, %lt3A_38 : i32
    %ne3A_40 = vector.broadcast %lt3A_39 : i1 to vector<1x8192xi1>
    %ne3A_41 = vector.broadcast %ne3A_40 : vector<1x8192xi1> to vector<1x8192xi1>
    %ne3A_42 = arith.xori %lt3A_37, %ne3A_41 : vector<1x8192xi1>
    %and3A_43 = arith.andi %ne3A_42, %ne3A_35 : vector<1x8192xi1>
    %add3A = vector.broadcast %select_n3A_30 : i32 to vector<1x8192xi32>
    %add3A_44 = arith.addi %rem3A_32, %add3A : vector<1x8192xi32>
    %select_n3A_45 = arith.select %and3A_43, %add3A_44, %rem3A_32 : vector<1x8192xi1>, vector<1x8192xi32>
    %iota3A = tpu.iota {dimensions = array<i32: 0>} : vector<80x8192xi32>
    %eq3A_46 = vector.broadcast %select_n3A : vector<1x8192xi32> to vector<80x8192xi32>
    %eq3A_47 = arith.cmpi eq, %iota3A, %eq3A_46 : vector<80x8192xi32>
    %convert_element_type3A = arith.extui %eq3A_47 : vector<80x8192xi1> to vector<80x8192xi32>
    %convert_element_type3A_48 = arith.sitofp %convert_element_type3A : vector<80x8192xi32> to vector<80x8192xf32>
    %convert_element_type3A_49 = arith.truncf %convert_element_type3A_48 : vector<80x8192xf32> to vector<80x8192xbf16>
    %iota3A_50 = tpu.iota {dimensions = array<i32: 0>} : vector<128x8192xi32>
    %eq3A_51 = vector.broadcast %select_n3A_45 : vector<1x8192xi32> to vector<128x8192xi32>
    %eq3A_52 = arith.cmpi eq, %iota3A_50, %eq3A_51 : vector<128x8192xi32>
    %convert_element_type3A_53 = arith.extui %eq3A_52 : vector<128x8192xi1> to vector<128x8192xi32>
    %convert_element_type3A_54 = arith.sitofp %convert_element_type3A_53 : vector<128x8192xi32> to vector<128x8192xf32>
    %convert_element_type3A_55 = arith.truncf %convert_element_type3A_54 : vector<128x8192xf32> to vector<128x8192xbf16>
    %dot_general3A = arith.constant dense<0.000000e+00> : vector<80x128xf32>
    %dot_general3A_56 = tpu.matmul %convert_element_type3A_49, %convert_element_type3A_55, %dot_general3A {dimension_numbers = #tpu.dot_dimension_numbers<[1], [1], [0], [0], [0, 0, 1, 0], [], []>, transpose_lhs_hint = false} : vector<80x8192xbf16>, vector<128x8192xbf16>, vector<80x128xf32> -> vector<80x128xf32>
    %eq3A_57 = arith.constant 0 : i32
    %eq3A_58 = arith.cmpi eq, %arg0, %eq3A_57 : i32
    %convert_element_type3A_59 = arith.extui %eq3A_58 : i1 to i32
    %cond3A = arith.constant 0 : i32
    %cond3A_60 = arith.cmpi ne, %convert_element_type3A_59, %cond3A : i32
    scf.if %cond3A_60 {
      %swap3A = arith.constant 0 : index
      %swap3A_65 = arith.constant 0 : index
      %swap3A_66 = vector.load %arg2[%swap3A, %swap3A_65] : memref<80x128xf32, #tpu.memory_space<vmem>>, vector<80x128xf32>
      tpu.vector_store %arg2[%swap3A, %swap3A_65], %dot_general3A_56 {strides = array<i32>} : memref<80x128xf32, #tpu.memory_space<vmem>>, vector<80x128xf32>,
    } else {
    }
    %gt3A = arith.constant 0 : i32
    %gt3A_61 = arith.cmpi sgt, %arg0, %gt3A : i32
    %convert_element_type3A_62 = arith.extui %gt3A_61 : i1 to i32
    %cond3A_63 = arith.constant 0 : i32
    %cond3A_64 = arith.cmpi ne, %convert_element_type3A_62, %cond3A_63 : i32
    scf.if %cond3A_64 {
      %get3A_65 = arith.constant 0 : index
      %get3A_66 = arith.constant 0 : index
      %get3A_67 = vector.load %arg2[%get3A_65, %get3A_66] : memref<80x128xf32, #tpu.memory_space<vmem>>, vector<80x128xf32>
      %add3A_68 = arith.addf %get3A_67, %dot_general3A_56 : vector<80x128xf32>
      %swap3A = arith.constant 0 : index
      %swap3A_69 = arith.constant 0 : index
      %swap3A_70 = vector.load %arg2[%swap3A, %swap3A_69] : memref<80x128xf32, #tpu.memory_space<vmem>>, vector<80x128xf32>
      tpu.vector_store %arg2[%swap3A, %swap3A_69], %add3A_68 {strides = array<i32>} : memref<80x128xf32, #tpu.memory_space<vmem>>, vector<80x128xf32>,
    } else {
    }
    return
  }
  func.func @transform_0(%arg0: i32) -> (i32, i32, i32) {
    %c0_i32 = arith.constant 0 : i32
    %c0_i32_0 = arith.constant 0 : i32
    %c0_i32_1 = arith.constant 0 : i32
    return %arg0, %c0_i32, %c0_i32_0 : i32, i32, i32
  }
  func.func @transform_1(%arg0: i32) -> (i32, i32) {
    %c0_i32 = arith.constant 0 : i32
    %c0_i32_0 = arith.constant 0 : i32
    %c0_i32_1 = arith.constant 0 : i32
    return %c0_i32, %c0_i32_0 : i32, i32
  }
}

module attributes {stable_mosaic.version = 14 : i64} {
  func.func @_tc1_body(%arg0: i32, %arg1: memref<1000x128xf32, #tpu.memory_space<vmem>>, %arg2: memref<2x1000x128xf32, #tpu.memory_space<vmem>>, %arg3: memref<1x1x1000xf32, #tpu.memory_space<vmem>>, %arg4: memref<256x128xf32, #tpu.memory_space<vmem>>, %arg5: memref<256x128xf32, #tpu.memory_space<vmem>>, %arg6: memref<1x256xf32, #tpu.memory_space<vmem>>, %arg7: memref<1000x128xf32, #tpu.memory_space<vmem>>, %arg8: memref<1000x128xf32, #tpu.memory_space<vmem>>) attributes {dimension_semantics = [#tpu.dimension_semantics<arbitrary>], iteration_bounds = array<i64: 10>, scalar_prefetch = 0 : i64, scratch_operands = 0 : i64, tpu.core_type = #tpu.core_type<tc>, window_params = [{transform_indices = @transform_0, window_bounds = array<i64: 1000, 128>}, {transform_indices = @transform_1, window_bounds = array<i64: 2, 1000, 128>}, {transform_indices = @transform_2, window_bounds = array<i64: 1, 1, 1000>}, {pipeline_mode = #tpu.pipeline_mode<synchronous>, transform_indices = @transform_3, window_bounds = array<i64: 256, 128>}, {pipeline_mode = #tpu.pipeline_mode<synchronous>, transform_indices = @transform_4, window_bounds = array<i64: 256, 128>}, {pipeline_mode = #tpu.pipeline_mode<synchronous>, transform_indices = @transform_5, window_bounds = array<i64: 1, 256>}, {transform_indices = @transform_6, window_bounds = array<i64: 1000, 128>}, {transform_indices = @transform_7, window_bounds = array<i64: 1000, 128>}]} {
    %get3A = arith.constant 0 : index
    %get3A_0 = arith.constant 0 : index
    %get3A_1 = arith.constant 0 : index
    %get3A_2 = vector.load %arg3[%get3A, %get3A_0, %get3A_1] : memref<1x1x1000xf32, #tpu.memory_space<vmem>>, vector<1x1x1000xf32>
    %get3A_3 = vector.shape_cast %get3A_2 : vector<1x1x1000xf32> to vector<1000xf32>
    %max3A = arith.constant 1.000000e+00 : f32
    %max3A_4 = vector.broadcast %max3A : f32 to vector<1000xf32>
    %max3A_5 = arith.maximumf %get3A_3, %max3A_4 : vector<1000xf32>
    %div3A = arith.constant 1.000000e+00 : f32
    %div3A_6 = vector.broadcast %div3A : f32 to vector<1000xf32>
    %div3A_7 = arith.divf %div3A_6, %max3A_5 : vector<1000xf32>
    %get3A_8 = arith.constant 0 : index
    %get3A_9 = arith.constant 0 : index
    %get3A_10 = arith.constant 0 : index
    %get3A_11 = vector.load %arg2[%get3A_8, %get3A_9, %get3A_10] : memref<2x1000x128xf32, #tpu.memory_space<vmem>>, vector<1x1000x128xf32>
    %get3A_12 = vector.shape_cast %get3A_11 : vector<1x1000x128xf32> to vector<1000x128xf32>
    %get3A_13 = arith.constant 1 : index
    %get3A_14 = arith.constant 0 : index
    %get3A_15 = arith.constant 0 : index
    %get3A_16 = vector.load %arg2[%get3A_13, %get3A_14, %get3A_15] : memref<2x1000x128xf32, #tpu.memory_space<vmem>>, vector<1x1000x128xf32>
    %get3A_17 = vector.shape_cast %get3A_16 : vector<1x1000x128xf32> to vector<1000x128xf32>
    %add3A = arith.addf %get3A_12, %get3A_17 : vector<1000x128xf32>
    %broadcast_in_dim3A = vector.shape_cast %div3A_7 : vector<1000xf32> to vector<1000x1xf32>
    %mul3A = vector.broadcast %broadcast_in_dim3A : vector<1000x1xf32> to vector<1000x128xf32>
    %mul3A_18 = arith.mulf %add3A, %mul3A : vector<1000x128xf32>
    %get3A_19 = arith.constant 0 : index
    %get3A_20 = arith.constant 0 : index
    %get3A_21 = vector.load %arg4[%get3A_19, %get3A_20] : memref<256x128xf32, #tpu.memory_space<vmem>>, vector<256x128xf32>
    %dot_general3A = arith.constant dense<0.000000e+00> : vector<1000x256xf32>
    %dot_general3A_22 = tpu.matmul %mul3A_18, %get3A_21, %dot_general3A {dimension_numbers = #tpu.dot_dimension_numbers<[1], [1], [0], [0], [0, 0, 1, 0], [], []>, transpose_lhs_hint = false} : vector<1000x128xf32>, vector<256x128xf32>, vector<1000x256xf32> -> vector<1000x256xf32>
    %get3A_23 = arith.constant 0 : index
    %get3A_24 = arith.constant 0 : index
    %get3A_25 = vector.load %arg1[%get3A_23, %get3A_24] : memref<1000x128xf32, #tpu.memory_space<vmem>>, vector<1000x128xf32>
    %get3A_26 = arith.constant 0 : index
    %get3A_27 = arith.constant 0 : index
    %get3A_28 = vector.load %arg5[%get3A_26, %get3A_27] : memref<256x128xf32, #tpu.memory_space<vmem>>, vector<256x128xf32>
    %dot_general3A_29 = arith.constant dense<0.000000e+00> : vector<1000x256xf32>
    %dot_general3A_30 = tpu.matmul %get3A_25, %get3A_28, %dot_general3A_29 {dimension_numbers = #tpu.dot_dimension_numbers<[1], [1], [0], [0], [0, 0, 1, 0], [], []>, transpose_lhs_hint = false} : vector<1000x128xf32>, vector<256x128xf32>, vector<1000x256xf32> -> vector<1000x256xf32>
    %add3A_31 = arith.addf %dot_general3A_22, %dot_general3A_30 : vector<1000x256xf32>
    %get3A_32 = arith.constant 0 : index
    %get3A_33 = arith.constant 0 : index
    %get3A_34 = vector.load %arg6[%get3A_32, %get3A_33] : memref<1x256xf32, #tpu.memory_space<vmem>>, vector<1x256xf32>
    %add3A_35 = vector.broadcast %get3A_34 : vector<1x256xf32> to vector<1000x256xf32>
    %add3A_36 = arith.addf %add3A_31, %add3A_35 : vector<1000x256xf32>
    %mul3A_37 = arith.mulf %add3A_36, %add3A_36 : vector<1000x256xf32>
    %reduce_sum3A = arith.constant dense<0.000000e+00> : vector<1000xf32>
    %reduce_sum3A_38 = vector.multi_reduction <add>, %mul3A_37, %reduce_sum3A [1] : vector<1000x256xf32> to vector<1000xf32>
    %broadcast_in_dim3A_39 = vector.shape_cast %reduce_sum3A_38 : vector<1000xf32> to vector<1000x1xf32>
    %sqrt3A = math.sqrt %broadcast_in_dim3A_39 : vector<1000x1xf32>
    %max3A_40 = arith.constant 9.99999996E-13 : f32
    %max3A_41 = vector.broadcast %max3A_40 : f32 to vector<1000x1xf32>
    %max3A_42 = arith.maximumf %sqrt3A, %max3A_41 : vector<1000x1xf32>
    %div3A_43 = vector.broadcast %max3A_42 : vector<1000x1xf32> to vector<1000x256xf32>
    %div3A_44 = arith.divf %add3A_36, %div3A_43 : vector<1000x256xf32>
    %gt3A = arith.constant 0.000000e+00 : f32
    %gt3A_45 = vector.broadcast %gt3A : f32 to vector<1000x256xf32>
    %gt3A_46 = arith.cmpf ogt, %div3A_44, %gt3A_45 : vector<1000x256xf32>
    %mul3A_47 = arith.constant 0.00999999977 : f32
    %mul3A_48 = vector.broadcast %mul3A_47 : f32 to vector<1000x256xf32>
    %mul3A_49 = arith.mulf %mul3A_48, %div3A_44 : vector<1000x256xf32>
    %select_n3A = arith.select %gt3A_46, %div3A_44, %mul3A_49 : vector<1000x256xi1>, vector<1000x256xf32>
    %slice3A = vector.extract_strided_slice %select_n3A {offsets = [0, 0], sizes = [1000, 128], strides = [1, 1]} : vector<1000x256xf32> to vector<1000x128xf32>
    %swap3A = arith.constant 0 : index
    %swap3A_50 = arith.constant 0 : index
    %swap3A_51 = vector.load %arg7[%swap3A, %swap3A_50] : memref<1000x128xf32, #tpu.memory_space<vmem>>, vector<1000x128xf32>
    tpu.vector_store %arg7[%swap3A, %swap3A_50], %slice3A {strides = array<i32>} : memref<1000x128xf32, #tpu.memory_space<vmem>>, vector<1000x128xf32>,
    %slice3A_52 = vector.extract_strided_slice %select_n3A {offsets = [0, 128], sizes = [1000, 128], strides = [1, 1]} : vector<1000x256xf32> to vector<1000x128xf32>
    %swap3A_53 = arith.constant 0 : index
    %swap3A_54 = arith.constant 0 : index
    %swap3A_55 = vector.load %arg8[%swap3A_53, %swap3A_54] : memref<1000x128xf32, #tpu.memory_space<vmem>>, vector<1000x128xf32>
    tpu.vector_store %arg8[%swap3A_53, %swap3A_54], %slice3A_52 {strides = array<i32>} : memref<1000x128xf32, #tpu.memory_space<vmem>>, vector<1000x128xf32>,
    return
  }
  func.func @transform_0(%arg0: i32) -> (i32, i32) {
    %c0_i32 = arith.constant 0 : i32
    %c0_i32_0 = arith.constant 0 : i32
    return %arg0, %c0_i32 : i32, i32
  }
  func.func @transform_1(%arg0: i32) -> (i32, i32, i32) {
    %c0_i32 = arith.constant 0 : i32
    %c0_i32_0 = arith.constant 0 : i32
    %c0_i32_1 = arith.constant 0 : i32
    return %c0_i32, %arg0, %c0_i32_0 : i32, i32, i32
  }
  func.func @transform_2(%arg0: i32) -> (i32, i32, i32) {
    %c0_i32 = arith.constant 0 : i32
    %c0_i32_0 = arith.constant 0 : i32
    %c0_i32_1 = arith.constant 0 : i32
    return %arg0, %c0_i32, %c0_i32_0 : i32, i32, i32
  }
  func.func @transform_3(%arg0: i32) -> (i32, i32) {
    %c0_i32 = arith.constant 0 : i32
    %c0_i32_0 = arith.constant 0 : i32
    %c0_i32_1 = arith.constant 0 : i32
    return %c0_i32, %c0_i32_0 : i32, i32
  }
  func.func @transform_4(%arg0: i32) -> (i32, i32) {
    %c0_i32 = arith.constant 0 : i32
    %c0_i32_0 = arith.constant 0 : i32
    %c0_i32_1 = arith.constant 0 : i32
    return %c0_i32, %c0_i32_0 : i32, i32
  }
  func.func @transform_5(%arg0: i32) -> (i32, i32) {
    %c0_i32 = arith.constant 0 : i32
    %c0_i32_0 = arith.constant 0 : i32
    %c0_i32_1 = arith.constant 0 : i32
    return %c0_i32, %c0_i32_0 : i32, i32
  }
  func.func @transform_6(%arg0: i32) -> (i32, i32) {
    %c0_i32 = arith.constant 0 : i32
    %c0_i32_0 = arith.constant 0 : i32
    return %arg0, %c0_i32 : i32, i32
  }
  func.func @transform_7(%arg0: i32) -> (i32, i32) {
    %c0_i32 = arith.constant 0 : i32
    %c0_i32_0 = arith.constant 0 : i32
    return %arg0, %c0_i32 : i32, i32
  }
}

module attributes {stable_mosaic.version = 14 : i64} {
  func.func @body(%arg0: i32, %arg1: memref<1000x128xf32, #tpu.memory_space<vmem>>, %arg2: memref<1000x128xf32, #tpu.memory_space<vmem>>, %arg3: memref<2x1000x128xf32, #tpu.memory_space<vmem>>, %arg4: memref<1x1x1000xf32, #tpu.memory_space<vmem>>, %arg5: memref<256x256xf32, #tpu.memory_space<vmem>>, %arg6: memref<256x256xf32, #tpu.memory_space<vmem>>, %arg7: memref<1x256xf32, #tpu.memory_space<vmem>>, %arg8: memref<1000x128xf32, #tpu.memory_space<vmem>>, %arg9: memref<1000x128xf32, #tpu.memory_space<vmem>>) attributes {dimension_semantics = [#tpu.dimension_semantics<arbitrary>], iteration_bounds = array<i64: 10>, scalar_prefetch = 0 : i64, scratch_operands = 0 : i64, tpu.core_type = #tpu.core_type<tc>, window_params = [{transform_indices = @transform_0, window_bounds = array<i64: 1000, 128>}, {transform_indices = @transform_1, window_bounds = array<i64: 1000, 128>}, {transform_indices = @transform_2, window_bounds = array<i64: 2, 1000, 128>}, {transform_indices = @transform_3, window_bounds = array<i64: 1, 1, 1000>}, {pipeline_mode = #tpu.pipeline_mode<synchronous>, transform_indices = @transform_4, window_bounds = array<i64: 256, 256>}, {pipeline_mode = #tpu.pipeline_mode<synchronous>, transform_indices = @transform_5, window_bounds = array<i64: 256, 256>}, {pipeline_mode = #tpu.pipeline_mode<synchronous>, transform_indices = @transform_6, window_bounds = array<i64: 1, 256>}, {transform_indices = @transform_7, window_bounds = array<i64: 1000, 128>}, {transform_indices = @transform_8, window_bounds = array<i64: 1000, 128>}]} {
    %get3A = arith.constant 0 : index
    %get3A_0 = arith.constant 0 : index
    %get3A_1 = arith.constant 0 : index
    %get3A_2 = vector.load %arg4[%get3A, %get3A_0, %get3A_1] : memref<1x1x1000xf32, #tpu.memory_space<vmem>>, vector<1x1x1000xf32>
    %get3A_3 = vector.shape_cast %get3A_2 : vector<1x1x1000xf32> to vector<1000xf32>
    %max3A = arith.constant 1.000000e+00 : f32
    %max3A_4 = vector.broadcast %max3A : f32 to vector<1000xf32>
    %max3A_5 = arith.maximumf %get3A_3, %max3A_4 : vector<1000xf32>
    %div3A = arith.constant 1.000000e+00 : f32
    %div3A_6 = vector.broadcast %div3A : f32 to vector<1000xf32>
    %div3A_7 = arith.divf %div3A_6, %max3A_5 : vector<1000xf32>
    %get3A_8 = arith.constant 0 : index
    %get3A_9 = arith.constant 0 : index
    %get3A_10 = arith.constant 0 : index
    %get3A_11 = vector.load %arg3[%get3A_8, %get3A_9, %get3A_10] : memref<2x1000x128xf32, #tpu.memory_space<vmem>>, vector<1x1000x128xf32>
    %get3A_12 = vector.shape_cast %get3A_11 : vector<1x1000x128xf32> to vector<1000x128xf32>
    %get3A_13 = arith.constant 1 : index
    %get3A_14 = arith.constant 0 : index
    %get3A_15 = arith.constant 0 : index
    %get3A_16 = vector.load %arg3[%get3A_13, %get3A_14, %get3A_15] : memref<2x1000x128xf32, #tpu.memory_space<vmem>>, vector<1x1000x128xf32>
    %get3A_17 = vector.shape_cast %get3A_16 : vector<1x1000x128xf32> to vector<1000x128xf32>
    %concatenate3A = tpu.concatenate %get3A_12, %get3A_17 in 1 : vector<1000x128xf32>, vector<1000x128xf32> -> vector<1000x256xf32>
    %broadcast_in_dim3A = vector.shape_cast %div3A_7 : vector<1000xf32> to vector<1000x1xf32>
    %mul3A = vector.broadcast %broadcast_in_dim3A : vector<1000x1xf32> to vector<1000x256xf32>
    %mul3A_18 = arith.mulf %concatenate3A, %mul3A : vector<1000x256xf32>
    %get3A_19 = arith.constant 0 : index
    %get3A_20 = arith.constant 0 : index
    %get3A_21 = vector.load %arg1[%get3A_19, %get3A_20] : memref<1000x128xf32, #tpu.memory_space<vmem>>, vector<1000x128xf32>
    %get3A_22 = arith.constant 0 : index
    %get3A_23 = arith.constant 0 : index
    %get3A_24 = vector.load %arg2[%get3A_22, %get3A_23] : memref<1000x128xf32, #tpu.memory_space<vmem>>, vector<1000x128xf32>
    %concatenate3A_25 = tpu.concatenate %get3A_21, %get3A_24 in 1 : vector<1000x128xf32>, vector<1000x128xf32> -> vector<1000x256xf32>
    %get3A_26 = arith.constant 0 : index
    %get3A_27 = arith.constant 0 : index
    %get3A_28 = vector.load %arg5[%get3A_26, %get3A_27] : memref<256x256xf32, #tpu.memory_space<vmem>>, vector<256x256xf32>
    %dot_general3A = arith.constant dense<0.000000e+00> : vector<1000x256xf32>
    %dot_general3A_29 = tpu.matmul %mul3A_18, %get3A_28, %dot_general3A {dimension_numbers = #tpu.dot_dimension_numbers<[1], [1], [0], [0], [0, 0, 1, 0], [], []>, transpose_lhs_hint = false} : vector<1000x256xf32>, vector<256x256xf32>, vector<1000x256xf32> -> vector<1000x256xf32>
    %get3A_30 = arith.constant 0 : index
    %get3A_31 = arith.constant 0 : index
    %get3A_32 = vector.load %arg6[%get3A_30, %get3A_31] : memref<256x256xf32, #tpu.memory_space<vmem>>, vector<256x256xf32>
    %dot_general3A_33 = arith.constant dense<0.000000e+00> : vector<1000x256xf32>
    %dot_general3A_34 = tpu.matmul %concatenate3A_25, %get3A_32, %dot_general3A_33 {dimension_numbers = #tpu.dot_dimension_numbers<[1], [1], [0], [0], [0, 0, 1, 0], [], []>, transpose_lhs_hint = false} : vector<1000x256xf32>, vector<256x256xf32>, vector<1000x256xf32> -> vector<1000x256xf32>
    %add3A = arith.addf %dot_general3A_29, %dot_general3A_34 : vector<1000x256xf32>
    %get3A_35 = arith.constant 0 : index
    %get3A_36 = arith.constant 0 : index
    %get3A_37 = vector.load %arg7[%get3A_35, %get3A_36] : memref<1x256xf32, #tpu.memory_space<vmem>>, vector<1x256xf32>
    %add3A_38 = vector.broadcast %get3A_37 : vector<1x256xf32> to vector<1000x256xf32>
    %add3A_39 = arith.addf %add3A, %add3A_38 : vector<1000x256xf32>
    %mul3A_40 = arith.mulf %add3A_39, %add3A_39 : vector<1000x256xf32>
    %reduce_sum3A = arith.constant dense<0.000000e+00> : vector<1000xf32>
    %reduce_sum3A_41 = vector.multi_reduction <add>, %mul3A_40, %reduce_sum3A [1] : vector<1000x256xf32> to vector<1000xf32>
    %broadcast_in_dim3A_42 = vector.shape_cast %reduce_sum3A_41 : vector<1000xf32> to vector<1000x1xf32>
    %sqrt3A = math.sqrt %broadcast_in_dim3A_42 : vector<1000x1xf32>
    %max3A_43 = arith.constant 9.99999996E-13 : f32
    %max3A_44 = vector.broadcast %max3A_43 : f32 to vector<1000x1xf32>
    %max3A_45 = arith.maximumf %sqrt3A, %max3A_44 : vector<1000x1xf32>
    %div3A_46 = vector.broadcast %max3A_45 : vector<1000x1xf32> to vector<1000x256xf32>
    %div3A_47 = arith.divf %add3A_39, %div3A_46 : vector<1000x256xf32>
    %gt3A = arith.constant 0.000000e+00 : f32
    %gt3A_48 = vector.broadcast %gt3A : f32 to vector<1000x256xf32>
    %gt3A_49 = arith.cmpf ogt, %div3A_47, %gt3A_48 : vector<1000x256xf32>
    %mul3A_50 = arith.constant 0.00999999977 : f32
    %mul3A_51 = vector.broadcast %mul3A_50 : f32 to vector<1000x256xf32>
    %mul3A_52 = arith.mulf %mul3A_51, %div3A_47 : vector<1000x256xf32>
    %select_n3A = arith.select %gt3A_49, %div3A_47, %mul3A_52 : vector<1000x256xi1>, vector<1000x256xf32>
    %slice3A = vector.extract_strided_slice %select_n3A {offsets = [0, 0], sizes = [1000, 128], strides = [1, 1]} : vector<1000x256xf32> to vector<1000x128xf32>
    %swap3A = arith.constant 0 : index
    %swap3A_53 = arith.constant 0 : index
    %swap3A_54 = vector.load %arg8[%swap3A, %swap3A_53] : memref<1000x128xf32, #tpu.memory_space<vmem>>, vector<1000x128xf32>
    tpu.vector_store %arg8[%swap3A, %swap3A_53], %slice3A {strides = array<i32>} : memref<1000x128xf32, #tpu.memory_space<vmem>>, vector<1000x128xf32>,
    %slice3A_55 = vector.extract_strided_slice %select_n3A {offsets = [0, 128], sizes = [1000, 128], strides = [1, 1]} : vector<1000x256xf32> to vector<1000x128xf32>
    %swap3A_56 = arith.constant 0 : index
    %swap3A_57 = arith.constant 0 : index
    %swap3A_58 = vector.load %arg9[%swap3A_56, %swap3A_57] : memref<1000x128xf32, #tpu.memory_space<vmem>>, vector<1000x128xf32>
    tpu.vector_store %arg9[%swap3A_56, %swap3A_57], %slice3A_55 {strides = array<i32>} : memref<1000x128xf32, #tpu.memory_space<vmem>>, vector<1000x128xf32>,
    return
  }
  func.func @transform_0(%arg0: i32) -> (i32, i32) {
    %c0_i32 = arith.constant 0 : i32
    %c0_i32_0 = arith.constant 0 : i32
    return %arg0, %c0_i32 : i32, i32
  }
  func.func @transform_1(%arg0: i32) -> (i32, i32) {
    %c0_i32 = arith.constant 0 : i32
    %c0_i32_0 = arith.constant 0 : i32
    return %arg0, %c0_i32 : i32, i32
  }
  func.func @transform_2(%arg0: i32) -> (i32, i32, i32) {
    %c0_i32 = arith.constant 0 : i32
    %c0_i32_0 = arith.constant 0 : i32
    %c0_i32_1 = arith.constant 0 : i32
    return %c0_i32, %arg0, %c0_i32_0 : i32, i32, i32
  }
  func.func @transform_3(%arg0: i32) -> (i32, i32, i32) {
    %c0_i32 = arith.constant 0 : i32
    %c0_i32_0 = arith.constant 0 : i32
    %c0_i32_1 = arith.constant 0 : i32
    return %arg0, %c0_i32, %c0_i32_0 : i32, i32, i32
  }
  func.func @transform_4(%arg0: i32) -> (i32, i32) {
    %c0_i32 = arith.constant 0 : i32
    %c0_i32_0 = arith.constant 0 : i32
    %c0_i32_1 = arith.constant 0 : i32
    return %c0_i32, %c0_i32_0 : i32, i32
  }
  func.func @transform_5(%arg0: i32) -> (i32, i32) {
    %c0_i32 = arith.constant 0 : i32
    %c0_i32_0 = arith.constant 0 : i32
    %c0_i32_1 = arith.constant 0 : i32
    return %c0_i32, %c0_i32_0 : i32, i32
  }
  func.func @transform_6(%arg0: i32) -> (i32, i32) {
    %c0_i32 = arith.constant 0 : i32
    %c0_i32_0 = arith.constant 0 : i32
    %c0_i32_1 = arith.constant 0 : i32
    return %c0_i32, %c0_i32_0 : i32, i32
  }
  func.func @transform_7(%arg0: i32) -> (i32, i32) {
    %c0_i32 = arith.constant 0 : i32
    %c0_i32_0 = arith.constant 0 : i32
    return %arg0, %c0_i32 : i32, i32
  }
  func.func @transform_8(%arg0: i32) -> (i32, i32) {
    %c0_i32 = arith.constant 0 : i32
    %c0_i32_0 = arith.constant 0 : i32
    return %arg0, %c0_i32 : i32, i32
  }
}

module attributes {stable_mosaic.version = 14 : i64} {
  func.func @body(%arg0: i32, %arg1: memref<1000x128xf32, #tpu.memory_space<vmem>>, %arg2: memref<1000x128xf32, #tpu.memory_space<vmem>>, %arg3: memref<2x1000x128xf32, #tpu.memory_space<vmem>>, %arg4: memref<1x1x1000xf32, #tpu.memory_space<vmem>>, %arg5: memref<256x256xf32, #tpu.memory_space<vmem>>, %arg6: memref<256x256xf32, #tpu.memory_space<vmem>>, %arg7: memref<1x256xf32, #tpu.memory_space<vmem>>, %arg8: memref<1000x256xf32, #tpu.memory_space<vmem>>) attributes {dimension_semantics = [#tpu.dimension_semantics<arbitrary>], iteration_bounds = array<i64: 10>, scalar_prefetch = 0 : i64, scratch_operands = 0 : i64, tpu.core_type = #tpu.core_type<tc>, window_params = [{transform_indices = @transform_0, window_bounds = array<i64: 1000, 128>}, {transform_indices = @transform_1, window_bounds = array<i64: 1000, 128>}, {transform_indices = @transform_2, window_bounds = array<i64: 2, 1000, 128>}, {transform_indices = @transform_3, window_bounds = array<i64: 1, 1, 1000>}, {pipeline_mode = #tpu.pipeline_mode<synchronous>, transform_indices = @transform_4, window_bounds = array<i64: 256, 256>}, {pipeline_mode = #tpu.pipeline_mode<synchronous>, transform_indices = @transform_5, window_bounds = array<i64: 256, 256>}, {pipeline_mode = #tpu.pipeline_mode<synchronous>, transform_indices = @transform_6, window_bounds = array<i64: 1, 256>}, {transform_indices = @transform_7, window_bounds = array<i64: 1000, 256>}]} {
    %get3A = arith.constant 0 : index
    %get3A_0 = arith.constant 0 : index
    %get3A_1 = arith.constant 0 : index
    %get3A_2 = vector.load %arg4[%get3A, %get3A_0, %get3A_1] : memref<1x1x1000xf32, #tpu.memory_space<vmem>>, vector<1x1x1000xf32>
    %get3A_3 = vector.shape_cast %get3A_2 : vector<1x1x1000xf32> to vector<1000xf32>
    %max3A = arith.constant 1.000000e+00 : f32
    %max3A_4 = vector.broadcast %max3A : f32 to vector<1000xf32>
    %max3A_5 = arith.maximumf %get3A_3, %max3A_4 : vector<1000xf32>
    %div3A = arith.constant 1.000000e+00 : f32
    %div3A_6 = vector.broadcast %div3A : f32 to vector<1000xf32>
    %div3A_7 = arith.divf %div3A_6, %max3A_5 : vector<1000xf32>
    %get3A_8 = arith.constant 0 : index
    %get3A_9 = arith.constant 0 : index
    %get3A_10 = arith.constant 0 : index
    %get3A_11 = vector.load %arg3[%get3A_8, %get3A_9, %get3A_10] : memref<2x1000x128xf32, #tpu.memory_space<vmem>>, vector<1x1000x128xf32>
    %get3A_12 = vector.shape_cast %get3A_11 : vector<1x1000x128xf32> to vector<1000x128xf32>
    %get3A_13 = arith.constant 1 : index
    %get3A_14 = arith.constant 0 : index
    %get3A_15 = arith.constant 0 : index
    %get3A_16 = vector.load %arg3[%get3A_13, %get3A_14, %get3A_15] : memref<2x1000x128xf32, #tpu.memory_space<vmem>>, vector<1x1000x128xf32>
    %get3A_17 = vector.shape_cast %get3A_16 : vector<1x1000x128xf32> to vector<1000x128xf32>
    %concatenate3A = tpu.concatenate %get3A_12, %get3A_17 in 1 : vector<1000x128xf32>, vector<1000x128xf32> -> vector<1000x256xf32>
    %broadcast_in_dim3A = vector.shape_cast %div3A_7 : vector<1000xf32> to vector<1000x1xf32>
    %mul3A = vector.broadcast %broadcast_in_dim3A : vector<1000x1xf32> to vector<1000x256xf32>
    %mul3A_18 = arith.mulf %concatenate3A, %mul3A : vector<1000x256xf32>
    %get3A_19 = arith.constant 0 : index
    %get3A_20 = arith.constant 0 : index
    %get3A_21 = vector.load %arg1[%get3A_19, %get3A_20] : memref<1000x128xf32, #tpu.memory_space<vmem>>, vector<1000x128xf32>
    %get3A_22 = arith.constant 0 : index
    %get3A_23 = arith.constant 0 : index
    %get3A_24 = vector.load %arg2[%get3A_22, %get3A_23] : memref<1000x128xf32, #tpu.memory_space<vmem>>, vector<1000x128xf32>
    %concatenate3A_25 = tpu.concatenate %get3A_21, %get3A_24 in 1 : vector<1000x128xf32>, vector<1000x128xf32> -> vector<1000x256xf32>
    %get3A_26 = arith.constant 0 : index
    %get3A_27 = arith.constant 0 : index
    %get3A_28 = vector.load %arg5[%get3A_26, %get3A_27] : memref<256x256xf32, #tpu.memory_space<vmem>>, vector<256x256xf32>
    %dot_general3A = arith.constant dense<0.000000e+00> : vector<1000x256xf32>
    %dot_general3A_29 = tpu.matmul %mul3A_18, %get3A_28, %dot_general3A {dimension_numbers = #tpu.dot_dimension_numbers<[1], [1], [0], [0], [0, 0, 1, 0], [], []>, transpose_lhs_hint = false} : vector<1000x256xf32>, vector<256x256xf32>, vector<1000x256xf32> -> vector<1000x256xf32>
    %get3A_30 = arith.constant 0 : index
    %get3A_31 = arith.constant 0 : index
    %get3A_32 = vector.load %arg6[%get3A_30, %get3A_31] : memref<256x256xf32, #tpu.memory_space<vmem>>, vector<256x256xf32>
    %dot_general3A_33 = arith.constant dense<0.000000e+00> : vector<1000x256xf32>
    %dot_general3A_34 = tpu.matmul %concatenate3A_25, %get3A_32, %dot_general3A_33 {dimension_numbers = #tpu.dot_dimension_numbers<[1], [1], [0], [0], [0, 0, 1, 0], [], []>, transpose_lhs_hint = false} : vector<1000x256xf32>, vector<256x256xf32>, vector<1000x256xf32> -> vector<1000x256xf32>
    %add3A = arith.addf %dot_general3A_29, %dot_general3A_34 : vector<1000x256xf32>
    %get3A_35 = arith.constant 0 : index
    %get3A_36 = arith.constant 0 : index
    %get3A_37 = vector.load %arg7[%get3A_35, %get3A_36] : memref<1x256xf32, #tpu.memory_space<vmem>>, vector<1x256xf32>
    %add3A_38 = vector.broadcast %get3A_37 : vector<1x256xf32> to vector<1000x256xf32>
    %add3A_39 = arith.addf %add3A, %add3A_38 : vector<1000x256xf32>
    %swap3A = arith.constant 0 : index
    %swap3A_40 = arith.constant 0 : index
    %swap3A_41 = vector.load %arg8[%swap3A, %swap3A_40] : memref<1000x256xf32, #tpu.memory_space<vmem>>, vector<1000x256xf32>
    tpu.vector_store %arg8[%swap3A, %swap3A_40], %add3A_39 {strides = array<i32>} : memref<1000x256xf32, #tpu.memory_space<vmem>>, vector<1000x256xf32>,
    return
  }
  func.func @transform_0(%arg0: i32) -> (i32, i32) {
    %c0_i32 = arith.constant 0 : i32
    %c0_i32_0 = arith.constant 0 : i32
    return %arg0, %c0_i32 : i32, i32
  }
  func.func @transform_1(%arg0: i32) -> (i32, i32) {
    %c0_i32 = arith.constant 0 : i32
    %c0_i32_0 = arith.constant 0 : i32
    return %arg0, %c0_i32 : i32, i32
  }
  func.func @transform_2(%arg0: i32) -> (i32, i32, i32) {
    %c0_i32 = arith.constant 0 : i32
    %c0_i32_0 = arith.constant 0 : i32
    %c0_i32_1 = arith.constant 0 : i32
    return %c0_i32, %arg0, %c0_i32_0 : i32, i32, i32
  }
  func.func @transform_3(%arg0: i32) -> (i32, i32, i32) {
    %c0_i32 = arith.constant 0 : i32
    %c0_i32_0 = arith.constant 0 : i32
    %c0_i32_1 = arith.constant 0 : i32
    return %arg0, %c0_i32, %c0_i32_0 : i32, i32, i32
  }
  func.func @transform_4(%arg0: i32) -> (i32, i32) {
    %c0_i32 = arith.constant 0 : i32
    %c0_i32_0 = arith.constant 0 : i32
    %c0_i32_1 = arith.constant 0 : i32
    return %c0_i32, %c0_i32_0 : i32, i32
  }
  func.func @transform_5(%arg0: i32) -> (i32, i32) {
    %c0_i32 = arith.constant 0 : i32
    %c0_i32_0 = arith.constant 0 : i32
    %c0_i32_1 = arith.constant 0 : i32
    return %c0_i32, %c0_i32_0 : i32, i32
  }
  func.func @transform_6(%arg0: i32) -> (i32, i32) {
    %c0_i32 = arith.constant 0 : i32
    %c0_i32_0 = arith.constant 0 : i32
    %c0_i32_1 = arith.constant 0 : i32
    return %c0_i32, %c0_i32_0 : i32, i32
  }
  func.func @transform_7(%arg0: i32) -> (i32, i32) {
    %c0_i32 = arith.constant 0 : i32
    %c0_i32_0 = arith.constant 0 : i32
    return %arg0, %c0_i32 : i32, i32
  }
}

</mosaic_0001>

<sc_bundles>
// kernel: kernel.10.cloned.1.call-start
scs
__scs_entry_jumppad:
0x0: {  	(pc) =	sbr.rel $0x88, $3  }
0x1: {  	(tag) =	ssettag $0x0;
	lr =	simm.s32 $0x1  }
0x2: {  	[smem:$0x3F94] =	sst lr;
	_ =	strace $0xD0000000  }
0x3: {  	_ = 	snop  }
0x4: {  	_ = 	snop  }
0x5: {  	_ = 	snop  }
0x6: {  	_ = 	snop  }
0x7: {  	_ = 	snop  }
__scs_overlays_trampoline_lowered:
0x8: {  	[smem:$0x3FA3] =	sst s0  }
0x9: {  	[smem:$0x3FA4] =	sst s1  }
0xa: {  	[smem:$0x3FA5] =	sst s2  }
0xb: {  	[smem:$0x3FA6] =	sst s3  }
0xc: {  	[smem:$0x3FA7] =	sst s4  }
0xd: {  	[smem:$0x3FA8] =	sst s5  }
0xe: {  	[smem:$0x3FA9] =	sst s6  }
0xf: {  	[smem:$0x3FAA] =	sst s7  }
0x10: {  	[smem:$0x3FAB] =	sst s8  }
0x11: {  	[smem:$0x3FAC] =	sst s9;
	s0 =	simm.s32 @!p0 $0x0  }
0x12: {  	s1 =	sld [smem:$0x3F92];
	s0 =	simm.s32 @p0 $0x1  }
0x13: {  	[smem:$0x3FAD] =	sst s0;
	s0 =	simm.s32 @!p1 $0x0  }
0x14: {  	s2 =	sld [smem:$0x3F91];
	s0 =	simm.s32 @p1 $0x1  }
0x15: {  	[smem:$0x3FAE] =	sst s0;
	s0 =	simm.s32 @!p2 $0x0  }
0x16: {  	s3 =	sld [smem:$0x3FDB];
	s0 =	simm.s32 @p2 $0x1  }
0x17: {  	s4 =	simm.s32 $0x1BF5;
	[smem:$0x3FB0] =	sst s0  }
0x18: {  	s0 =	sld [smem:$0x3F93];
	_ =	swait.ge [sflag:s4], $0x0  }
0x19: {  	s7 =	sld [smem:$0x3F94]  }
0x1a: {  	s8 =	sadd.s32 $0xFFFFE003, lr  }
0x1b: {  	s9 =	sadd.s32 $0xFFFFFEF7, lr;
	s5 =	simm.s32 $0xFFFFFFFF;
	p2 =	slt.u32 s8, $0xFFFFF086  }
0x1c: {  	p1 =	slt.u32 s9, $0xF7A;
	s5 =	simm.s32 @!p2 $0x0  }
0x1d: {  	s5 =	simm.s32 @p1 $0x1;
	p0 =	seq.s32 s7, s2  }
0x1e: {  	s7 =	smul.u32 @!p0 $0xF7A, s2;
	p2 =	seq.s32 @!p0 s5, $0x0  }
0x1f: {  	s9 =	smul.u32 $0xF7A, s1;
	s8 =	simm.s32 @!p0 $0x1BF5;
	p2 =	por !p2, p0  }
0x20: {  	[sflag:s8] =	ssyncset.s32 @!p0 $0xFFFFF086;
	s6 =	sadd.s32 @!p0 s3, s7;
	s7 =	simm.s32 @!p0 $0x108  }
0x21: {  	s3 =	sadd.s32 s3, s9;
	s6 =	sadd.s32 @!p0 $0x88, s6;
	s7 =	simm.s32 @p2 $0x1082  }
0x22: {  	[simem:s7], [sflag:s8] =	dma.local @!p0 [hbm:s6], $0xF7A  }
0x23: {  	s9 =	sor.u32 $0xD0000000, s2;
	s6 =	simm.s32 $0x108;
	_ =	swait.ge @!p0 [sflag:s8], $0x0  }
0x24: {  	s3 =	sadd.s32 $0x88, s3;
	s6 =	simm.s32 @!p1 $0x1082;
	[sflag:s4] =	ssyncset.s32 $0xFFFFF086  }
0x25: {  	[simem:s6], [sflag:s4] =	dma.local [hbm:s3], $0xF7A  }
0x26: {  	[smem:$0x3F94] =	sst s1;
	(tag) =	ssettag s2;
	_ =	strace s9  }
0x27: {  	s1 =	sld [smem:$0x3FA4]  }
0x28: {  	s2 =	sld [smem:$0x3FA5]  }
0x29: {  	s4 =	sld [smem:$0x3FA7]  }
0x2a: {  	p0 =	seq.s32 s5, $0x0;
	s5 =	sld [smem:$0x3FA8]  }
0x2b: {  	s6 =	sld [smem:$0x3FA9]  }
0x2c: {  	s7 =	sld [smem:$0x3FAA]  }
0x2d: {  	s3 =	simm.s32 $0x108;
	s8 =	sld [smem:$0x3FAB]  }
0x2e: {  	s3 =	simm.s32 @!p0 $0x1082;
	s9 =	sld [smem:$0x3FAC]  }
0x2f: {  	lr =	sadd.s32 s0, s3;
	s0 =	sld [smem:$0x3FA3]  }
0x30: {  	s3 =	sld [smem:$0x3FA6]  }
0x31: {  	[smem:$0x3FAF] =	sst s10  }
0x32: {  	s10 =	sld [smem:$0x3FAD];
	_ =	sdelay $0x3  }
0x33: {  	p0 =	seq.s32 s10, $0x1;
	s10 =	sld [smem:$0x3FAF];
	_ =	sdelay $0x3  }
0x34: {  	[smem:$0x3FAF] =	sst s10  }
0x35: {  	s10 =	sld [smem:$0x3FAE];
	_ =	sdelay $0x3  }
0x36: {  	p1 =	seq.s32 s10, $0x1;
	s10 =	sld [smem:$0x3FAF];
	_ =	sdelay $0x3  }
0x37: {  	[smem:$0x3FAF] =	sst s10  }
0x38: {  	s10 =	sld [smem:$0x3FB0]  }
0x39: {  	_ = 	snop;
	(pc) =	sbr.ind lr, $3  }
0x3a: {  	_ = 	snop  }
0x3b: {  	_ = 	snop  }
0x3c: {  	p2 =	seq.s32 s10, $0x1;
	s10 =	sld [smem:$0x3FAF]  }
0x3d: {  	_ =	shalt  }
0x3e: {  	_ =	shalt  }
0x3f: {  	_ =	shalt  }
0x40: {  	_ =	shalt  }
0x41: {  	_ =	shalt  }
0x42: {  	_ =	shalt  }
0x43: {  	_ =	shalt  }
0x44: {  	_ =	shalt  }
0x45: {  	_ =	shalt  }
0x46: {  	_ =	shalt  }
0x47: {  	_ =	shalt  }
0x48: {  	_ =	shalt  }
0x49: {  	_ =	shalt  }
0x4a: {  	_ =	shalt  }
0x4b: {  	_ =	shalt  }
0x4c: {  	_ =	shalt  }
0x4d: {  	_ =	shalt  }
0x4e: {  	_ =	shalt  }
0x4f: {  	_ =	shalt  }
0x50: {  	_ =	shalt  }
0x51: {  	_ =	shalt  }
0x52: {  	_ =	shalt  }
0x53: {  	_ =	shalt  }
0x54: {  	_ =	shalt  }
0x55: {  	_ =	shalt  }
0x56: {  	_ =	shalt  }
0x57: {  	_ =	shalt  }
0x58: {  	_ =	shalt  }
0x59: {  	_ =	shalt  }
0x5a: {  	_ =	shalt  }
0x5b: {  	_ =	shalt  }
0x5c: {  	_ =	shalt  }
0x5d: {  	_ =	shalt  }
0x5e: {  	_ =	shalt  }
0x5f: {  	_ =	shalt  }
0x60: {  	_ =	shalt  }
0x61: {  	_ =	shalt  }
0x62: {  	_ =	shalt  }
0x63: {  	_ =	shalt  }
0x64: {  	_ =	shalt  }
0x65: {  	_ =	shalt  }
0x66: {  	_ =	shalt  }
0x67: {  	_ =	shalt  }
0x68: {  	_ =	shalt  }
0x69: {  	_ =	shalt  }
0x6a: {  	_ =	shalt  }
0x6b: {  	_ =	shalt  }
0x6c: {  	_ =	shalt  }
0x6d: {  	_ =	shalt  }
0x6e: {  	_ =	shalt  }
0x6f: {  	_ =	shalt  }
0x70: {  	_ =	shalt  }
0x71: {  	_ =	shalt  }
0x72: {  	_ =	shalt  }
0x73: {  	_ =	shalt  }
0x74: {  	_ =	shalt  }
0x75: {  	_ =	shalt  }
0x76: {  	_ =	shalt  }
0x77: {  	_ =	shalt  }
0x78: {  	_ =	shalt  }
0x79: {  	_ =	shalt  }
0x7a: {  	_ =	shalt  }
0x7b: {  	_ =	shalt  }
0x7c: {  	_ =	shalt  }
0x7d: {  	_ =	shalt  }
0x7e: {  	_ =	shalt  }
0x7f: {  	_ =	shalt  }
0x80: {  	_ =	shalt  }
0x81: {  	_ =	shalt  }
0x82: {  	_ =	shalt  }
0x83: {  	_ =	shalt  }
0x84: {  	_ =	shalt  }
0x85: {  	_ =	shalt  }
0x86: {  	_ =	shalt  }
0x87: {  	_ =	shalt  }
.Lfunc_end0:
.L_simem_size_0:
called_computation_lowered:
.L_overlay_start_0:
0x88: {  	s2 =	sld [smem:$0x3FD9]  }
0x89: {  	s3 =	sld [smem:$0x3FFE];
	_ =	sdelay $0x1  }
0x8a: {  	s1 =	srdreg.scid  }
0x8b: {  	s0 =	sand.u32 $0x1, s1  }
0x8c: {  	s17 =	sshll.u32 s0, $0xA;
	s2 =	sadd.s32 s3, s2  }
0x8d: {  	s2 =	sadd.s32 s2, s17  }
0x8e: {  	[smem:$0x3FBB] =	sst s2  }
0x8f: {  	_ = 	snop  }
0x90: {  	s2 =	sld [smem:$0x3FD0];
	(tm) =	ssettm $0x1  }
0x91: {  	s18 =	sld [smem:$0x3FFB];
	_ =	sdelay $0x3  }
0x92: {  	_ =	strace s18  }
0x93: {  	s3 =	sld [smem:$0x3FFC];
	_ =	sdelay $0x3  }
0x94: {  	_ =	strace s3  }
0x95: {  	s3 =	sld [smem:$0x3FFD];
	_ =	sdelay $0x3  }
0x96: {  	_ =	strace s3  }
0x97: {  	_ =	strace $0x8FFFFFFF  }
0x98: {  	s19 =	sld [smem:$0x3FDB];
	_ =	sdelay $0x1  }
0x99: {  	s4 =	simm.s32 $_scs_section_size  }
0x9a: {  	s5 =	simm.s32 $_size__tile_overlayer_lowered;
	s6 =	simm.s32 $_tile_overlayer_lowered  }
0x9b: {  	s22 =	simm.s32 $0x1BFF;
	s21 =	sshll.u32 s6, $0x1;
	s3 =	sadd.s32 s4, s19  }
0x9c: {  	s7 =	simm.s32 $0x0;
	s20 =	sshll.u32 s5, $0x1;
	s5 =	sadd.s32 s21, s3  }
0x9d: {  	[timem:s7], [sflag:s22] =	dma.local [hbm:s5], s20  }
0x9e: {  	_ =	swait.ge [sflag:s22], s20  }
0x9f: {  	s4 =	ssub.s32 $0x0, s20;
	[sflag:s22] =	ssyncset.done $0x0  }
0xa0: {  	[sflag:s22] =	ssyncadd.s32 s4;
	_ =	sdelay $0x1  }
0xa1: {  	s23 =	simm.s32 $0x1B8B  }
0xa2: {  	_ =	swait.ge [sflag:s23], $0x1  }
0xa3: {  	[sflag:s23] =	ssyncset.done $0x0  }
0xa4: {  	s25 =	simm.s32 $0x1B8E;
	s24 =	sld [smem:$0x3FFE];
	[sflag:s23] =	ssyncadd.s32 $0xFFFFFFFF  }
0xa5: {  	s26 =	simm.s32 $execute0_lowered;
	[smem:$0x3FD2] =	sst s25  }
0xa6: {  	s5 =	sshll.u32 s26, $0x1;
	_ =	strace $0x80000046;
	[dreg:$0x1] =	wrdreg $0xFFFFFFFF  }
0xa7: {  	s28 =	simm.s32 $_size_execute0_lowered;
	s3 =	sadd.s32 s3, s5;
	[dreg:$0x0] =	wrdreg $0x0  }
0xa8: {  	s5 =	sshll.u32 s28, $0x1;
	[dreg:$0x2] =	wrdreg s3  }
0xa9: {  	[dreg:$0x3] =	wrdreg s5  }
0xaa: {  	[dreg:$0x4] =	wrdreg $0xC0  }
0xab: {  	_ =	task [dreg:s7], $0x5FFFF  }
0xac: {  	[dreg:$0x1] =	wrdreg $0xFFFFFFFF  }
0xad: {  	[dreg:$0x0] =	wrdreg $0x60  }
0xae: {  	[dreg:$0x2] =	wrdreg s24  }
0xaf: {  	[dreg:$0x3] =	wrdreg s2  }
0xb0: {  	[dreg:$0x4] =	wrdreg $0x9  }
0xb1: {  	_ =	task.clear_ibuf [dreg:s7], $0x5FFFF;
	_ =	strace $0x90000046  }
0xb2: {  	s29 =	simm.s32 $0x9;
	_ =	strace $0x80000048  }
0xb3: {  	_ =	swait.ge [sflag:s29], $0x1  }
0xb4: {  	[sflag:s29] =	ssyncadd.s32 $0xFFFFFFFF  }
0xb5: {  	_ =	strace $0x90000048  }
0xb6: {  	_ =	sfence  }
0xb7: {  	s30 =	sld [smem:$0x0];
	_ =	sdelay $0x2  }
0xb8: {  	s31 =	sshll.u32 s1, $0xD;
	s1 =	sshrl.u32 s1, $0x2  }
0xb9: {  	s3 =	sand.u32 $0x4000, s31;
	s1 =	sadd.s32 s1, s30  }
0xba: {  	s0 =	sor.u32 s3, s0;
	s1 =	sshll.u32 s1, $0x11  }
0xbb: {  	s0 =	sor.u32 s1, s0  }
0xbc: {  	s0 =	sadd.s32 $0x8F2B, s0  }
0xbd: {  	[sflag:s0] =	ssyncadd.remote.s32 $0x1  }
0xbe: {  	_ =	sfence.sel $0xFFFF  }
0xbf: {  	[dreg:$0x0] =	wrdreg $0xFFFFFFFF;
	(pc) =	sbr.abs _section_cstart, $3  }
0xc0: {  	[dreg:$0x1] =	wrdreg $0xFFFFFFFF  }
0xc1: {  	_ =	task.clear_ibuf [dreg:s7], $0x2FFFF;
	_ =	strace $0x9FFFFFFF  }
0xc2: {  	(tm) =	ssettm $0x7FFFFFFF  }
0xc3: {  	_ =	shalt  }
tec
execute0_lowered:
.L_overlay_start_1:
0x0: {  	(tag) =	ssettag $0x1  }
0x1: {  	s0 =	srdreg.scid  }
0x2: {  	s11 =	sand.u32 $0x1, s0  }
0x3: {  	s0 =	stileid.u32;
	s1 =	sshll.u32 s11, $0x4  }
0x4: {  	s5 =	rddreg [dreg:$0x0];
	s10 =	sor.u32 s0, s1  }
0x5: {  	s12 =	rddreg [dreg:$0x1];
	s2 =	simm.s32 $0x0;
	s3 =	smul.u32 $0x28, s10  }
0x6: {  	[smem:$0x7FF] =	sst s2  }
0x7: {  	s1 =	rddreg [dreg:$0x2];
	s3 =	sadd.s32 s3, s5  }
0x8: {  	_ =	strace $0x80000047;
	s4 =	sadd.s32 $0x3E00, s3;
	s3 =	simm.s32 $0x2  }
0x9: {  	[tilespmem:s2], [sflag:$0x2] =	stream.linear.gather [hbm4b:s4+s2], $0x140, $0x38;
	[tilespmem:$0x4180] =	vst v63  }
0xa: {  	_ =	swait.ge [sflag:s3], $0x140  }
0xb: {  	s6 =	simm.s32 $0x80;
	s7 =	simm.s32 $0x180;
	[sflag:s3] =	ssyncset.done $0x0  }
0xc: {  	s8 =	simm.s32 $0x1;
	s5 =	sadd.s32 $0x4400, s5;
	[sflag:s3] =	ssyncadd.s32 $0xFFFFFEC0  }
0xd: {  	[tilespmem:s7], [sflag:$0x1] =	stream.indirect.gather [hbm4b:s5+s6], $0x80, s2, s6, $0xb8;
	[tilespmem:$0x4180] =	vst v63  }
0xe: {  	s9 =	smul.u32 $0x1400, s10;
	_ =	swait.ge [sflag:s8], $0x4000  }
0xf: {  	[sflag:s8] =	ssyncset.done $0x0  }
0x10: {  	s9 =	sadd.s32 s12, s9;
	[sflag:s8] =	ssyncadd.s32 $0xFFFFC000  }
0x11: {  	[hbm4b:s9+s2] =	stream.linear.scatter [tilespmem:s7], [sflag:$0x2], $0x4000, $0x38;
	[tilespmem:$0x4180] =	vst v63  }
0x12: {  	_ =	swait.ge [sflag:s3], $0x4000  }
0x13: {  	[sflag:s3] =	ssyncset.done $0x0  }
0x14: {  	s10 =	smul.u32 $0xA000, s10;
	[sflag:s3] =	ssyncadd.s32 $0xFFFFC000  }
0x15: {  	[tilespmem:s7], [sflag:$0x1] =	stream.indirect.gather [hbm4b:s5+s6], $0x80, s6, s6, $0xb8;
	[tilespmem:$0x4180] =	vst v63  }
0x16: {  	s10 =	sshrl.u32 s10, $0x3;
	_ =	swait.ge [sflag:s8], $0x4000  }
0x17: {  	s13 =	sadd.s32 s12, s10;
	[sflag:s8] =	ssyncset.done $0x0  }
0x18: {  	s14 =	ssub.s32 $0x2, s11;
	s10 =	sadd.s32 $0x800, s13;
	[sflag:s8] =	ssyncadd.s32 $0xFFFFC000  }
0x19: {  	[hbm4b:s10+s2] =	stream.linear.scatter [tilespmem:s7], [sflag:$0x2], $0x4000, $0x38;
	[tilespmem:$0x4180] =	vst v63  }
0x1a: {  	s15 =	sshrl.u32 s14, $0x1;
	_ =	swait.ge [sflag:s3], $0x4000  }
0x1b: {  	s11 =	simm.s32 $0x40;
	s14 =	ssub.s32 s14, s15;
	[sflag:s3] =	ssyncset.done $0x0  }
0x1c: {  	s14 =	smax.u32 s14, $0x1;
	s12 =	simm.s32 $0x100;
	[sflag:s3] =	ssyncadd.s32 $0xFFFFC000  }
0x1d: {  	[tilespmem:s7], [sflag:$0x1] =	stream.indirect.gather [hbm4b:s5+s11], $0x80, s12, s11, $0xb8;
	[tilespmem:$0x4180] =	vst v63  }
0x1e: {  	p0 =	sne.s32 s14, $0x1;
	_ =	swait.ge [sflag:s8], $0x2000  }
.Ltmp0:
0x1f: {  	[sflag:s8] =	ssyncset.done $0x0;
	(pc) =	sbr.rel @!p0 .LBB2_2-.Ltmp0, $4  }
0x20: {  	s13 =	sadd.s32 $0x1000, s13;
	[sflag:s8] =	ssyncadd.s32 $0xFFFFE000  }
0x21: {  	[hbm4b:s13+s2] =	stream.linear.scatter [tilespmem:s7], [sflag:$0x2], $0x2000, $0x38;
	[tilespmem:$0x4180] =	vst v63  }
0x22: {  	_ =	swait.ge [sflag:s3], $0x2000  }
0x23: {  	s14 =	sadd.s32 $0xFFFFFFFF, s14;
	[sflag:s3] =	ssyncset.done $0x0  }
.LBB2_1:
0x24: {  	p0 =	sne.s32 s14, $0x1;
	s14 =	sadd.s32 $0xFFFFFFFF, s14;
	[sflag:s3] =	ssyncadd.s32 $0xFFFFE000  }
0x25: {  	[tilespmem:s2], [sflag:$0x2] =	stream.linear.gather [hbm4b:s4+s2], $0x140, $0x38;
	[tilespmem:$0x4180] =	vst v63  }
0x26: {  	_ =	swait.ge [sflag:s3], $0x140  }
0x27: {  	[sflag:s3] =	ssyncset.done $0x0  }
0x28: {  	[sflag:s3] =	ssyncadd.s32 $0xFFFFFEC0  }
0x29: {  	[tilespmem:s7], [sflag:$0x1] =	stream.indirect.gather [hbm4b:s5+s6], $0x80, s2, s6, $0xb8;
	[tilespmem:$0x4180] =	vst v63  }
0x2a: {  	_ =	swait.ge [sflag:s8], $0x4000  }
0x2b: {  	[sflag:s8] =	ssyncset.done $0x0  }
0x2c: {  	[sflag:s8] =	ssyncadd.s32 $0xFFFFC000  }
0x2d: {  	[hbm4b:s9+s2] =	stream.linear.scatter [tilespmem:s7], [sflag:$0x2], $0x4000, $0x38;
	[tilespmem:$0x4180] =	vst v63  }
0x2e: {  	_ =	swait.ge [sflag:s3], $0x4000  }
0x2f: {  	[sflag:s3] =	ssyncset.done $0x0  }
0x30: {  	[sflag:s3] =	ssyncadd.s32 $0xFFFFC000  }
0x31: {  	[tilespmem:s7], [sflag:$0x1] =	stream.indirect.gather [hbm4b:s5+s6], $0x80, s6, s6, $0xb8;
	[tilespmem:$0x4180] =	vst v63  }
0x32: {  	_ =	swait.ge [sflag:s8], $0x4000  }
0x33: {  	[sflag:s8] =	ssyncset.done $0x0  }
0x34: {  	[sflag:s8] =	ssyncadd.s32 $0xFFFFC000  }
0x35: {  	[hbm4b:s10+s2] =	stream.linear.scatter [tilespmem:s7], [sflag:$0x2], $0x4000, $0x38;
	[tilespmem:$0x4180] =	vst v63  }
0x36: {  	_ =	swait.ge [sflag:s3], $0x4000  }
0x37: {  	[sflag:s3] =	ssyncset.done $0x0  }
0x38: {  	[sflag:s3] =	ssyncadd.s32 $0xFFFFC000  }
0x39: {  	[tilespmem:s7], [sflag:$0x1] =	stream.indirect.gather [hbm4b:s5+s11], $0x80, s12, s11, $0xb8;
	[tilespmem:$0x4180] =	vst v63  }
0x3a: {  	_ =	swait.ge [sflag:s8], $0x2000  }
.Ltmp1:
0x3b: {  	[sflag:s8] =	ssyncset.done $0x0;
	(pc) =	sbr.rel @p0 .LBB2_1-.Ltmp1, $4  }
0x3c: {  	[sflag:s8] =	ssyncadd.s32 $0xFFFFE000  }
0x3d: {  	[hbm4b:s13+s2] =	stream.linear.scatter [tilespmem:s7], [sflag:$0x2], $0x2000, $0x38;
	[tilespmem:$0x4180] =	vst v63  }
0x3e: {  	_ =	swait.ge [sflag:s3], $0x2000  }
0x3f: {  	[sflag:s3] =	ssyncset.done $0x0  }
.LBB2_2:
0x40: {  	[sflag:s3] =	ssyncadd.s32 $0xFFFFE000  }
0x41: {  	_ =	sfence.sel $0x180000  }
0x42: {  	[bflag:$0x0] =	sbarrier.arrive $0xFFFF  }
0x43: {  	p0 =	sne.s32 s0, $0x0;
	_ =	strace $0x90000047  }
0x44: {  	s0 =	sadd.s32 @!p0 $0x100000, s1;
	[bflag:$0x2] =	sbarrier.arrive $0xFFFF  }
0x45: {  	[sflag:s0] =	ssyncadd.tile.s32 @!p0 $0x1;
	_ =	shalt  }
.Lfunc_end2:
_tile_overlayer_lowered:
.L_overlay_start_2:
0x46: {  	(tag) =	ssettag $0x2  }
0x47: {  	s0 =	rddreg [dreg:$0x0];
	s2 =	stileid.u32  }
0x48: {  	s1 =	rddreg [dreg:$0x1];
	p0 =	sne.s32 s2, $0x0  }
0x49: {  	s3 =	rddreg [dreg:$0x2];
	[bflag:$0x3] =	sbarrier.arrive $0xFFFF;
	s2 =	simm.s32 @!p0 $0x1C02  }
0x4a: {  	[timem:s3], [sflag:s2] =	dma.local @!p0 [hbm:s0], s1  }
0x4b: {  	s0 =	simm.s32 @!p0 $0x2  }
0x4c: {  	_ =	swait.ge @!p0 [sflag:s0], s1  }
0x4d: {  	s1 =	ssub.s32 @!p0 $0x0, s1;
	[sflag:s0] =	ssyncset.done @!p0 $0x0  }
0x4e: {  	[sflag:s0] =	ssyncadd.s32 @!p0 s1  }
0x4f: {  	[bflag:$0x3] =	sbarrier.arrive $0xFFFF  }
0x50: {  	_ =	shalt  }

// kernel: kernel.13.cloned.1.call-start
scs
__scs_entry_jumppad:
0x0: {  	(pc) =	sbr.rel $0x88, $3  }
0x1: {  	(tag) =	ssettag $0x0;
	lr =	simm.s32 $0x1  }
0x2: {  	[smem:$0x3F94] =	sst lr;
	_ =	strace $0xD0000000  }
0x3: {  	_ = 	snop  }
0x4: {  	_ = 	snop  }
0x5: {  	_ = 	snop  }
0x6: {  	_ = 	snop  }
0x7: {  	_ = 	snop  }
__scs_overlays_trampoline_lowered:
0x8: {  	[smem:$0x3FA3] =	sst s0  }
0x9: {  	[smem:$0x3FA4] =	sst s1  }
0xa: {  	[smem:$0x3FA5] =	sst s2  }
0xb: {  	[smem:$0x3FA6] =	sst s3  }
0xc: {  	[smem:$0x3FA7] =	sst s4  }
0xd: {  	[smem:$0x3FA8] =	sst s5  }
0xe: {  	[smem:$0x3FA9] =	sst s6  }
0xf: {  	[smem:$0x3FAA] =	sst s7  }
0x10: {  	[smem:$0x3FAB] =	sst s8  }
0x11: {  	[smem:$0x3FAC] =	sst s9;
	s0 =	simm.s32 @!p0 $0x0  }
0x12: {  	s1 =	sld [smem:$0x3F92];
	s0 =	simm.s32 @p0 $0x1  }
0x13: {  	[smem:$0x3FAD] =	sst s0;
	s0 =	simm.s32 @!p1 $0x0  }
0x14: {  	s2 =	sld [smem:$0x3F91];
	s0 =	simm.s32 @p1 $0x1  }
0x15: {  	[smem:$0x3FAE] =	sst s0;
	s0 =	simm.s32 @!p2 $0x0  }
0x16: {  	s3 =	sld [smem:$0x3FDB];
	s0 =	simm.s32 @p2 $0x1  }
0x17: {  	s4 =	simm.s32 $0x1BF5;
	[smem:$0x3FB0] =	sst s0  }
0x18: {  	s0 =	sld [smem:$0x3F93];
	_ =	swait.ge [sflag:s4], $0x0  }
0x19: {  	s7 =	sld [smem:$0x3F94]  }
0x1a: {  	s8 =	sadd.s32 $0xFFFFE003, lr  }
0x1b: {  	s9 =	sadd.s32 $0xFFFFFEF7, lr;
	s5 =	simm.s32 $0xFFFFFFFF;
	p2 =	slt.u32 s8, $0xFFFFF086  }
0x1c: {  	p1 =	slt.u32 s9, $0xF7A;
	s5 =	simm.s32 @!p2 $0x0  }
0x1d: {  	s5 =	simm.s32 @p1 $0x1;
	p0 =	seq.s32 s7, s2  }
0x1e: {  	s7 =	smul.u32 @!p0 $0xF7A, s2;
	p2 =	seq.s32 @!p0 s5, $0x0  }
0x1f: {  	s9 =	smul.u32 $0xF7A, s1;
	s8 =	simm.s32 @!p0 $0x1BF5;
	p2 =	por !p2, p0  }
0x20: {  	[sflag:s8] =	ssyncset.s32 @!p0 $0xFFFFF086;
	s6 =	sadd.s32 @!p0 s3, s7;
	s7 =	simm.s32 @!p0 $0x108  }
0x21: {  	s3 =	sadd.s32 s3, s9;
	s6 =	sadd.s32 @!p0 $0x88, s6;
	s7 =	simm.s32 @p2 $0x1082  }
0x22: {  	[simem:s7], [sflag:s8] =	dma.local @!p0 [hbm:s6], $0xF7A  }
0x23: {  	s9 =	sor.u32 $0xD0000000, s2;
	s6 =	simm.s32 $0x108;
	_ =	swait.ge @!p0 [sflag:s8], $0x0  }
0x24: {  	s3 =	sadd.s32 $0x88, s3;
	s6 =	simm.s32 @!p1 $0x1082;
	[sflag:s4] =	ssyncset.s32 $0xFFFFF086  }
0x25: {  	[simem:s6], [sflag:s4] =	dma.local [hbm:s3], $0xF7A  }
0x26: {  	[smem:$0x3F94] =	sst s1;
	(tag) =	ssettag s2;
	_ =	strace s9  }
0x27: {  	s1 =	sld [smem:$0x3FA4]  }
0x28: {  	s2 =	sld [smem:$0x3FA5]  }
0x29: {  	s4 =	sld [smem:$0x3FA7]  }
0x2a: {  	p0 =	seq.s32 s5, $0x0;
	s5 =	sld [smem:$0x3FA8]  }
0x2b: {  	s6 =	sld [smem:$0x3FA9]  }
0x2c: {  	s7 =	sld [smem:$0x3FAA]  }
0x2d: {  	s3 =	simm.s32 $0x108;
	s8 =	sld [smem:$0x3FAB]  }
0x2e: {  	s3 =	simm.s32 @!p0 $0x1082;
	s9 =	sld [smem:$0x3FAC]  }
0x2f: {  	lr =	sadd.s32 s0, s3;
	s0 =	sld [smem:$0x3FA3]  }
0x30: {  	s3 =	sld [smem:$0x3FA6]  }
0x31: {  	[smem:$0x3FAF] =	sst s10  }
0x32: {  	s10 =	sld [smem:$0x3FAD];
	_ =	sdelay $0x3  }
0x33: {  	p0 =	seq.s32 s10, $0x1;
	s10 =	sld [smem:$0x3FAF];
	_ =	sdelay $0x3  }
0x34: {  	[smem:$0x3FAF] =	sst s10  }
0x35: {  	s10 =	sld [smem:$0x3FAE];
	_ =	sdelay $0x3  }
0x36: {  	p1 =	seq.s32 s10, $0x1;
	s10 =	sld [smem:$0x3FAF];
	_ =	sdelay $0x3  }
0x37: {  	[smem:$0x3FAF] =	sst s10  }
0x38: {  	s10 =	sld [smem:$0x3FB0]  }
0x39: {  	_ = 	snop;
	(pc) =	sbr.ind lr, $3  }
0x3a: {  	_ = 	snop  }
0x3b: {  	_ = 	snop  }
0x3c: {  	p2 =	seq.s32 s10, $0x1;
	s10 =	sld [smem:$0x3FAF]  }
0x3d: {  	_ =	shalt  }
0x3e: {  	_ =	shalt  }
0x3f: {  	_ =	shalt  }
0x40: {  	_ =	shalt  }
0x41: {  	_ =	shalt  }
0x42: {  	_ =	shalt  }
0x43: {  	_ =	shalt  }
0x44: {  	_ =	shalt  }
0x45: {  	_ =	shalt  }
0x46: {  	_ =	shalt  }
0x47: {  	_ =	shalt  }
0x48: {  	_ =	shalt  }
0x49: {  	_ =	shalt  }
0x4a: {  	_ =	shalt  }
0x4b: {  	_ =	shalt  }
0x4c: {  	_ =	shalt  }
0x4d: {  	_ =	shalt  }
0x4e: {  	_ =	shalt  }
0x4f: {  	_ =	shalt  }
0x50: {  	_ =	shalt  }
0x51: {  	_ =	shalt  }
0x52: {  	_ =	shalt  }
0x53: {  	_ =	shalt  }
0x54: {  	_ =	shalt  }
0x55: {  	_ =	shalt  }
0x56: {  	_ =	shalt  }
0x57: {  	_ =	shalt  }
0x58: {  	_ =	shalt  }
0x59: {  	_ =	shalt  }
0x5a: {  	_ =	shalt  }
0x5b: {  	_ =	shalt  }
0x5c: {  	_ =	shalt  }
0x5d: {  	_ =	shalt  }
0x5e: {  	_ =	shalt  }
0x5f: {  	_ =	shalt  }
0x60: {  	_ =	shalt  }
0x61: {  	_ =	shalt  }
0x62: {  	_ =	shalt  }
0x63: {  	_ =	shalt  }
0x64: {  	_ =	shalt  }
0x65: {  	_ =	shalt  }
0x66: {  	_ =	shalt  }
0x67: {  	_ =	shalt  }
0x68: {  	_ =	shalt  }
0x69: {  	_ =	shalt  }
0x6a: {  	_ =	shalt  }
0x6b: {  	_ =	shalt  }
0x6c: {  	_ =	shalt  }
0x6d: {  	_ =	shalt  }
0x6e: {  	_ =	shalt  }
0x6f: {  	_ =	shalt  }
0x70: {  	_ =	shalt  }
0x71: {  	_ =	shalt  }
0x72: {  	_ =	shalt  }
0x73: {  	_ =	shalt  }
0x74: {  	_ =	shalt  }
0x75: {  	_ =	shalt  }
0x76: {  	_ =	shalt  }
0x77: {  	_ =	shalt  }
0x78: {  	_ =	shalt  }
0x79: {  	_ =	shalt  }
0x7a: {  	_ =	shalt  }
0x7b: {  	_ =	shalt  }
0x7c: {  	_ =	shalt  }
0x7d: {  	_ =	shalt  }
0x7e: {  	_ =	shalt  }
0x7f: {  	_ =	shalt  }
0x80: {  	_ =	shalt  }
0x81: {  	_ =	shalt  }
0x82: {  	_ =	shalt  }
0x83: {  	_ =	shalt  }
0x84: {  	_ =	shalt  }
0x85: {  	_ =	shalt  }
0x86: {  	_ =	shalt  }
0x87: {  	_ =	shalt  }
.Lfunc_end0:
.L_simem_size_0:
called_computation.1_lowered:
.L_overlay_start_0:
0x88: {  	s2 =	sld [smem:$0x3FD9]  }
0x89: {  	s3 =	sld [smem:$0x3FFE];
	_ =	sdelay $0x1  }
0x8a: {  	s1 =	srdreg.scid  }
0x8b: {  	s0 =	sand.u32 $0x1, s1  }
0x8c: {  	s17 =	sshll.u32 s0, $0xA;
	s2 =	sadd.s32 s3, s2  }
0x8d: {  	s2 =	sadd.s32 s2, s17  }
0x8e: {  	[smem:$0x3FBB] =	sst s2  }
0x8f: {  	_ = 	snop  }
0x90: {  	s2 =	sld [smem:$0x3FD0];
	(tm) =	ssettm $0x1  }
0x91: {  	s18 =	sld [smem:$0x3FFB];
	_ =	sdelay $0x3  }
0x92: {  	_ =	strace s18  }
0x93: {  	s3 =	sld [smem:$0x3FFC];
	_ =	sdelay $0x3  }
0x94: {  	_ =	strace s3  }
0x95: {  	s3 =	sld [smem:$0x3FFD];
	_ =	sdelay $0x3  }
0x96: {  	_ =	strace s3  }
0x97: {  	_ =	strace $0x8FFFFFFF  }
0x98: {  	s19 =	sld [smem:$0x3FDB];
	_ =	sdelay $0x1  }
0x99: {  	s4 =	simm.s32 $_scs_section_size  }
0x9a: {  	s5 =	simm.s32 $_size__tile_overlayer_lowered;
	s6 =	simm.s32 $_tile_overlayer_lowered  }
0x9b: {  	s22 =	simm.s32 $0x1BFF;
	s21 =	sshll.u32 s6, $0x1;
	s3 =	sadd.s32 s4, s19  }
0x9c: {  	s7 =	simm.s32 $0x0;
	s20 =	sshll.u32 s5, $0x1;
	s5 =	sadd.s32 s21, s3  }
0x9d: {  	[timem:s7], [sflag:s22] =	dma.local [hbm:s5], s20  }
0x9e: {  	_ =	swait.ge [sflag:s22], s20  }
0x9f: {  	s4 =	ssub.s32 $0x0, s20;
	[sflag:s22] =	ssyncset.done $0x0  }
0xa0: {  	[sflag:s22] =	ssyncadd.s32 s4;
	_ =	sdelay $0x1  }
0xa1: {  	s23 =	simm.s32 $0x1B8B  }
0xa2: {  	_ =	swait.ge [sflag:s23], $0x1  }
0xa3: {  	[sflag:s23] =	ssyncset.done $0x0  }
0xa4: {  	s25 =	simm.s32 $0x1B8E;
	s24 =	sld [smem:$0x3FFE];
	[sflag:s23] =	ssyncadd.s32 $0xFFFFFFFF  }
0xa5: {  	s26 =	simm.s32 $execute0_lowered;
	[smem:$0x3FD2] =	sst s25  }
0xa6: {  	s5 =	sshll.u32 s26, $0x1;
	_ =	strace $0x80000049;
	[dreg:$0x1] =	wrdreg $0xFFFFFFFF  }
0xa7: {  	s28 =	simm.s32 $_size_execute0_lowered;
	s3 =	sadd.s32 s3, s5;
	[dreg:$0x0] =	wrdreg $0x0  }
0xa8: {  	s5 =	sshll.u32 s28, $0x1;
	[dreg:$0x2] =	wrdreg s3  }
0xa9: {  	[dreg:$0x3] =	wrdreg s5  }
0xaa: {  	[dreg:$0x4] =	wrdreg $0xC0  }
0xab: {  	_ =	task [dreg:s7], $0x5FFFF  }
0xac: {  	[dreg:$0x1] =	wrdreg $0xFFFFFFFF  }
0xad: {  	[dreg:$0x0] =	wrdreg $0x60  }
0xae: {  	[dreg:$0x2] =	wrdreg s24  }
0xaf: {  	[dreg:$0x3] =	wrdreg s2  }
0xb0: {  	[dreg:$0x4] =	wrdreg $0xA0000  }
0xb1: {  	[dreg:$0x5] =	wrdreg $0x9  }
0xb2: {  	_ =	task.clear_ibuf [dreg:s7], $0x6FFFF;
	_ =	strace $0x90000049  }
0xb3: {  	s29 =	simm.s32 $0x9;
	_ =	strace $0x8000004B  }
0xb4: {  	_ =	swait.ge [sflag:s29], $0x1  }
0xb5: {  	[sflag:s29] =	ssyncadd.s32 $0xFFFFFFFF  }
0xb6: {  	_ =	strace $0x9000004B  }
0xb7: {  	_ =	sfence  }
0xb8: {  	s30 =	sld [smem:$0x0];
	_ =	sdelay $0x2  }
0xb9: {  	s31 =	sshll.u32 s1, $0xD;
	s1 =	sshrl.u32 s1, $0x2  }
0xba: {  	s3 =	sand.u32 $0x4000, s31;
	s1 =	sadd.s32 s1, s30  }
0xbb: {  	s0 =	sor.u32 s3, s0;
	s1 =	sshll.u32 s1, $0x11  }
0xbc: {  	s0 =	sor.u32 s1, s0  }
0xbd: {  	s0 =	sadd.s32 $0x8F2B, s0  }
0xbe: {  	[sflag:s0] =	ssyncadd.remote.s32 $0x1  }
0xbf: {  	_ =	sfence.sel $0xFFFF  }
0xc0: {  	[dreg:$0x0] =	wrdreg $0xFFFFFFFF;
	(pc) =	sbr.abs _section_cstart, $3  }
0xc1: {  	[dreg:$0x1] =	wrdreg $0xFFFFFFFF  }
0xc2: {  	_ =	task.clear_ibuf [dreg:s7], $0x2FFFF;
	_ =	strace $0x9FFFFFFF  }
0xc3: {  	(tm) =	ssettm $0x7FFFFFFF  }
tec
execute0_lowered:
.L_overlay_start_1:
0x0: {  	(tag) =	ssettag $0x1  }
0x1: {  	s8 =	rddreg [dreg:$0x0]  }
0x2: {  	s7 =	rddreg [dreg:$0x1]  }
0x3: {  	s2 =	rddreg [dreg:$0x2]  }
0x4: {  	s0 =	rddreg [dreg:$0x3]  }
0x5: {  	s3 =	simm.s32 $0x0;
	s1 =	stileid.u32;
	s10 =	srdreg.scid  }
0x6: {  	s16 =	simm.s32 $0x1;
	s17 =	simm.s32 $0x80;
	s18 =	simm.s32 $0x2000  }
0x7: {  	s19 =	simm.s32 $0x6000;
	s20 =	simm.s32 $0x2;
	s21 =	simm.s32 $0x4  }
0x8: {  	s22 =	simm.s32 $0x0;
	[smem:$0x7FF] =	sst s3;
	s9 =	smul.u32 $0x13C00, s1  }
0x9: {  	s4 =	sadd.s32 $0x18C00, s8;
	s5 =	sadd.s32 $0xEC00, s8;
	s6 =	sadd.s32 $0x4C00, s8  }
0xa: {  	s10 =	sand.u32 $0x1, s10;
	s12 =	smul.u32 $0x4F000, s1;
	s31 =	sshll.u32 s1, $0x6  }
0xb: {  	_ =	strace $0x8000004A;
	p0 =	seq.s32 s10, $0x1;
	s26 =	ssub.s32 $0x2, s10  }
0xc: {  	s25 =	sshll.u32 s10, $0x4;
	s9 =	sshrl.u32 s9, $0x3;
	s28 =	sshrl.u32 s26, $0x1  }
0xd: {  	s29 =	sshrl.u32 s12, $0x2;
	s11 =	sadd.s32 $0x27800, s9;
	s7 =	sadd.s32 s7, s9  }
.Ltmp0:
0xe: {  	s14 =	ssub.s32 s26, s28;
	s15 =	sadd.s32 s29, s2;
	(pc) =	sbr.rel .LBB2_1-.Ltmp0, $4  }
0xf: {  	s9 =	smov.u32 @p0 s11;
	s11 =	sor.u32 s1, s25;
	s12 =	smax.u32 s14, $0x1  }
0x10: {  	s14 =	sshrl.u32 s15, $0x3;
	s15 =	simm.s32 $0x1000;
	s30 =	smul.u32 $0x500, s11  }
0x11: {  	s13 =	sadd.s32 s9, s8;
	s8 =	sor.u32 $0x1C04, s31;
	s11 =	smul.u32 $0x2800, s11  }
0x12: {  	s13 =	sadd.s32 $0x3FE00, s13;
	s9 =	sadd.s32 s5, s30;
	s10 =	sadd.s32 s6, s30  }
.LBB2_6:
0x13: {  	s22 =	sadd.s32 $0x1, s22  }
0x14: {  	p0 =	sne.s32 s22, s12  }
.Ltmp1:
0x15: {  	[bflag:$0x0] =	sbarrier.arrive $0xFFFF;
	(pc) =	sbr.rel @!p0 .LBB2_7-.Ltmp1, $4  }
0x16: {  	[hbm:s13], [sflag:s8] =	dma.local [spmem:s14], $0x2780  }
0x17: {  	_ =	swait.ge [sflag:s21], $0x2780  }
0x18: {  	[sflag:s21] =	ssyncset.done $0x0  }
0x19: {  	[sflag:s21] =	ssyncadd.s32 $0xFFFFD880  }
.LBB2_1:
0x1a: {  	[spmem:s14], [sflag:s8] =	dma.local [hbm:s7], $0x2780  }
0x1b: {  	_ =	swait.ge [sflag:s21], $0x2780  }
0x1c: {  	[sflag:s21] =	ssyncset.done $0x0  }
0x1d: {  	[sflag:s21] =	ssyncadd.s32 $0xFFFFD880  }
0x1e: {  	[bflag:$0x0] =	sbarrier.arrive $0xFFFF  }
0x1f: {  	[tilespmem:s3], [sflag:$0x4] =	stream.linear.gather [hbm4b:s9+s3], $0x800, $0x38;
	[tilespmem:$0x1DC00] =	vst v63  }
0x20: {  	_ =	swait.ge [sflag:s21], $0x800  }
0x21: {  	p0 =	por $0x0, $0x0;
	[sflag:s21] =	ssyncset.done $0x0  }
0x22: {  	s24 =	simm.s32 $0x4;
	s23 =	simm.s32 $0x0;
	[sflag:s21] =	ssyncadd.s32 $0xFFFFF800  }
0x23: {  	[tilespmem:s15], [sflag:$0x4] =	stream.linear.gather [hbm4b:s10+s3], $0x800, $0x38;
	[tilespmem:$0x1DC00] =	vst v63  }
.LBB2_2:
0x24: {  	s25 =	smov.u32 s23  }
0x25: {  	s23 =	sadd.s32 $0x1, s23;
	p1 =	seq.s32 s25, $0x4  }
0x26: {  	_ =	swait.ge [sflag:s24], $0x800;
	s26 =	sshll.u32 @!p1 s23, $0xB  }
0x27: {  	[sflag:s24] =	ssyncset.done $0x0;
	s28 =	sadd.s32 @!p1 s11, s26  }
0x28: {  	[sflag:s24] =	ssyncadd.s32 $0xFFFFF800;
	s24 =	sshrl.u32 @!p1 s28, $0x3  }
0x29: {  	s29 =	simm.s32 @!p1 $0x0;
	s26 =	sand.u32 @!p1 $0x800, s26;
	s28 =	sadd.s32 @!p1 s5, s24  }
0x2a: {  	[tilespmem:s26], [sflag:$0x3] =	stream.linear.gather @!p1 [hbm4b:s28+s29], $0x800, $0x38;
	[tilespmem:$0x1DC00] =	vst v63  }
0x2b: {  	s25 =	sshll.u32 s25, $0xB;
	s24 =	sadd.s32 @!p1 s6, s24;
	s26 =	sor.u32 @!p1 $0x1000, s26  }
0x2c: {  	[tilespmem:s26], [sflag:$0x3] =	stream.linear.gather @!p1 [hbm4b:s24+s29], $0x800, $0x38;
	[tilespmem:$0x1DC00] =	vst v63  }
0x2d: {  	s24 =	sand.u32 $0x800, s25  }
0x2e: {  	[tilespmem:s18], [sflag:$0x1] =	stream.indirect.gather [hbm4b:s4+s17], $0x80, s24, s17, $0xb8;
	[tilespmem:$0x1DC00] =	vst v63  }
0x2f: {  	s26 =	sor.u32 $0x80, s24  }
0x30: {  	[tilespmem:s19], [sflag:$0x1] =	stream.indirect.gather [hbm4b:s4+s17], $0x80, s26, s17, $0xb8;
	[tilespmem:$0x1DC00] =	vst v63  }
0x31: {  	_ =	swait.ge [sflag:s16], $0x4000  }
0x32: {  	s28 =	simm.s32 $0x20000;
	s25 =	simm.s32 $0x1;
	[sflag:s16] =	ssyncset.done $0x0  }
0x33: {  	s25 =	simm.s32 @!p0 $0x0;
	s31 =	sor.u32 $0x1000, s24;
	[sflag:s16] =	ssyncadd.s32 $0xFFFFC000  }
0x34: {  	[spmem:s2] =	stream.indirect.scatter.add.f32 [tilespmem:s18], [sflag:$0x2], $0x80, s31, s17, $0xb8;
	[tilespmem:$0x1DC00] =	vst v63  }
0x35: {  	s28 =	sand.u32 $0x10000, s28;
	s31 =	sshll.u32 s25, $0xB  }
0x36: {  	s25 =	sor.u32 $0x1080, s31;
	_ =	swait.ge [sflag:s20], $0x4000;
	s29 =	sor.u32 $0x100, s31  }
0x37: {  	s31 =	sshrl.u32 s28, $0x2;
	s28 =	simm.s32 $0x10000;
	[sflag:s20] =	ssyncset.done $0x0  }
0x38: {  	s26 =	sor.u32 $0x2000, s31;
	s28 =	sand.u32 $0x10000, s28;
	[sflag:s20] =	ssyncadd.s32 $0xFFFFC000  }
0x39: {  	[tilespmem:s26], [sflag:$0x1] =	stream.indirect.gather [hbm4b:s4+s17], $0x80, s29, s17, $0xb8;
	[tilespmem:$0x1DC00] =	vst v63  }
0x3a: {  	s30 =	sshrl.u32 s28, $0x2;
	_ =	swait.ge [sflag:s16], $0x4000  }
0x3b: {  	s28 =	sadd.s32 $0x80, s29;
	s26 =	simm.s32 $0x30000;
	[sflag:s16] =	ssyncset.done $0x0  }
0x3c: {  	s30 =	sor.u32 $0x2000, s30;
	s29 =	sadd.s32 $0x80, s25;
	[sflag:s16] =	ssyncadd.s32 $0xFFFFC000  }
.LBB2_3:
0x3d: {  	[spmem:s2] =	stream.indirect.scatter.add.f32 [tilespmem:s30], [sflag:$0x2], $0x80, s25, s17, $0xb8;
	[tilespmem:$0x1DC00] =	vst v63  }
0x3e: {  	s25 =	smov.u32 s29  }
0x3f: {  	s30 =	sand.u32 $0x10000, s26;
	p2 =	sne.s32 s26, $0xF0000;
	_ =	swait.ge [sflag:s20], $0x4000  }
0x40: {  	s31 =	sadd.s32 $0xFFFF0000, s26;
	s30 =	sshrl.u32 s30, $0x2;
	[sflag:s20] =	ssyncset.done $0x0  }
.Ltmp2:
0x41: {  	s30 =	sor.u32 $0x2000, s30;
	[sflag:s20] =	ssyncadd.s32 $0xFFFFC000;
	(pc) =	sbr.rel @p2 .LBB2_3-.Ltmp2, $4  }
0x42: {  	[tilespmem:s30], [sflag:$0x1] =	stream.indirect.gather [hbm4b:s4+s17], $0x80, s28, s17, $0xb8;
	[tilespmem:$0x1DC00] =	vst v63  }
0x43: {  	s26 =	sadd.s32 $0x10000, s26;
	s30 =	sand.u32 $0x10000, s31;
	_ =	swait.ge [sflag:s16], $0x4000  }
0x44: {  	s28 =	sadd.s32 $0x80, s28;
	s30 =	sshrl.u32 s30, $0x2;
	[sflag:s16] =	ssyncset.done $0x0  }
0x45: {  	s29 =	sadd.s32 $0x80, s29;
	s30 =	sor.u32 $0x2000, s30;
	[sflag:s16] =	ssyncadd.s32 $0xFFFFC000  }
0x46: {  	[spmem:s2] =	stream.indirect.scatter.add.f32 [tilespmem:s30], [sflag:$0x2], $0x80, s25, s17, $0xb8;
	[tilespmem:$0x1DC00] =	vst v63  }
0x47: {  	_ =	swait.ge [sflag:s20], $0x4000  }
0x48: {  	[sflag:s20] =	ssyncset.done $0x0  }
0x49: {  	[sflag:s20] =	ssyncadd.s32 $0xFFFFC000  }
0x4a: {  	_ =	swait.ge [sflag:s16], $0x4000  }
0x4b: {  	[sflag:s16] =	ssyncset.done $0x0  }
.Ltmp3:
0x4c: {  	s24 =	sadd.s32 $0x1780, s24;
	[sflag:s16] =	ssyncadd.s32 $0xFFFFC000;
	(pc) =	sbr.rel @p1 .LBB2_6-.Ltmp3, $4  }
0x4d: {  	[spmem:s2] =	stream.indirect.scatter.add.f32 [tilespmem:s19], [sflag:$0x2], $0x80, s24, s17, $0xb8;
	[tilespmem:$0x1DC00] =	vst v63  }
0x4e: {  	_ =	swait.ge [sflag:s20], $0x4000  }
0x4f: {  	[sflag:s20] =	ssyncset.done $0x0  }
0x50: {  	[sflag:s20] =	ssyncadd.s32 $0xFFFFC000  }
.Ltmp4:
0x51: {  	(pc) =	sbr.rel .LBB2_2-.Ltmp4, $4  }
0x52: {  	s24 =	simm.s32 $0x3  }
0x53: {  	_ =	swait.ge [sflag:s24], $0x800  }
0x54: {  	[sflag:s24] =	ssyncset.done $0x0  }
0x55: {  	p0 =	por !p0, !p0;
	[sflag:s24] =	ssyncadd.s32 $0xFFFFF800  }
.LBB2_7:
0x56: {  	_ =	sfence.sel $0x180000  }
0x57: {  	[bflag:$0x0] =	sbarrier.arrive $0xFFFF  }
0x58: {  	p0 =	sne.s32 s1, $0x0;
	_ =	strace $0x9000004A  }
0x59: {  	s0 =	sadd.s32 @!p0 $0x100000, s0;
	[bflag:$0x2] =	sbarrier.arrive $0xFFFF  }
0x5a: {  	[sflag:s0] =	ssyncadd.tile.s32 @!p0 $0x1;
	_ =	shalt  }
.Lfunc_end2:
_tile_overlayer_lowered:
.L_overlay_start_2:
0x5b: {  	(tag) =	ssettag $0x2  }
0x5c: {  	s0 =	rddreg [dreg:$0x0];
	s2 =	stileid.u32  }
0x5d: {  	s1 =	rddreg [dreg:$0x1];
	p0 =	sne.s32 s2, $0x0  }
0x5e: {  	s3 =	rddreg [dreg:$0x2];
	[bflag:$0x3] =	sbarrier.arrive $0xFFFF;
	s2 =	simm.s32 @!p0 $0x1C04  }
0x5f: {  	[timem:s3], [sflag:s2] =	dma.local @!p0 [hbm:s0], s1  }
0x60: {  	s0 =	simm.s32 @!p0 $0x4  }
0x61: {  	_ =	swait.ge @!p0 [sflag:s0], s1  }
0x62: {  	s1 =	ssub.s32 @!p0 $0x0, s1;
	[sflag:s0] =	ssyncset.done @!p0 $0x0  }
0x63: {  	[sflag:s0] =	ssyncadd.s32 @!p0 s1  }
0x64: {  	[bflag:$0x3] =	sbarrier.arrive $0xFFFF  }
0x65: {  	_ =	shalt  }

// kernel: kernel.16.cloned.1.call-start
scs
__scs_entry_jumppad:
0x0: {  	(pc) =	sbr.rel $0x88, $3  }
0x1: {  	(tag) =	ssettag $0x0;
	lr =	simm.s32 $0x1  }
0x2: {  	[smem:$0x3F94] =	sst lr;
	_ =	strace $0xD0000000  }
0x3: {  	_ = 	snop  }
0x4: {  	_ = 	snop  }
0x5: {  	_ = 	snop  }
0x6: {  	_ = 	snop  }
0x7: {  	_ = 	snop  }
__scs_overlays_trampoline_lowered:
0x8: {  	[smem:$0x3FA3] =	sst s0  }
0x9: {  	[smem:$0x3FA4] =	sst s1  }
0xa: {  	[smem:$0x3FA5] =	sst s2  }
0xb: {  	[smem:$0x3FA6] =	sst s3  }
0xc: {  	[smem:$0x3FA7] =	sst s4  }
0xd: {  	[smem:$0x3FA8] =	sst s5  }
0xe: {  	[smem:$0x3FA9] =	sst s6  }
0xf: {  	[smem:$0x3FAA] =	sst s7  }
0x10: {  	[smem:$0x3FAB] =	sst s8  }
0x11: {  	[smem:$0x3FAC] =	sst s9;
	s0 =	simm.s32 @!p0 $0x0  }
0x12: {  	s1 =	sld [smem:$0x3F92];
	s0 =	simm.s32 @p0 $0x1  }
0x13: {  	[smem:$0x3FAD] =	sst s0;
	s0 =	simm.s32 @!p1 $0x0  }
0x14: {  	s2 =	sld [smem:$0x3F91];
	s0 =	simm.s32 @p1 $0x1  }
0x15: {  	[smem:$0x3FAE] =	sst s0;
	s0 =	simm.s32 @!p2 $0x0  }
0x16: {  	s3 =	sld [smem:$0x3FDB];
	s0 =	simm.s32 @p2 $0x1  }
0x17: {  	s4 =	simm.s32 $0x1BF5;
	[smem:$0x3FB0] =	sst s0  }
0x18: {  	s0 =	sld [smem:$0x3F93];
	_ =	swait.ge [sflag:s4], $0x0  }
0x19: {  	s7 =	sld [smem:$0x3F94]  }
0x1a: {  	s8 =	sadd.s32 $0xFFFFE003, lr  }
0x1b: {  	s9 =	sadd.s32 $0xFFFFFEF7, lr;
	s5 =	simm.s32 $0xFFFFFFFF;
	p2 =	slt.u32 s8, $0xFFFFF086  }
0x1c: {  	p1 =	slt.u32 s9, $0xF7A;
	s5 =	simm.s32 @!p2 $0x0  }
0x1d: {  	s5 =	simm.s32 @p1 $0x1;
	p0 =	seq.s32 s7, s2  }
0x1e: {  	s7 =	smul.u32 @!p0 $0xF7A, s2;
	p2 =	seq.s32 @!p0 s5, $0x0  }
0x1f: {  	s9 =	smul.u32 $0xF7A, s1;
	s8 =	simm.s32 @!p0 $0x1BF5;
	p2 =	por !p2, p0  }
0x20: {  	[sflag:s8] =	ssyncset.s32 @!p0 $0xFFFFF086;
	s6 =	sadd.s32 @!p0 s3, s7;
	s7 =	simm.s32 @!p0 $0x108  }
0x21: {  	s3 =	sadd.s32 s3, s9;
	s6 =	sadd.s32 @!p0 $0x88, s6;
	s7 =	simm.s32 @p2 $0x1082  }
0x22: {  	[simem:s7], [sflag:s8] =	dma.local @!p0 [hbm:s6], $0xF7A  }
0x23: {  	s9 =	sor.u32 $0xD0000000, s2;
	s6 =	simm.s32 $0x108;
	_ =	swait.ge @!p0 [sflag:s8], $0x0  }
0x24: {  	s3 =	sadd.s32 $0x88, s3;
	s6 =	simm.s32 @!p1 $0x1082;
	[sflag:s4] =	ssyncset.s32 $0xFFFFF086  }
0x25: {  	[simem:s6], [sflag:s4] =	dma.local [hbm:s3], $0xF7A  }
0x26: {  	[smem:$0x3F94] =	sst s1;
	(tag) =	ssettag s2;
	_ =	strace s9  }
0x27: {  	s1 =	sld [smem:$0x3FA4]  }
0x28: {  	s2 =	sld [smem:$0x3FA5]  }
0x29: {  	s4 =	sld [smem:$0x3FA7]  }
0x2a: {  	p0 =	seq.s32 s5, $0x0;
	s5 =	sld [smem:$0x3FA8]  }
0x2b: {  	s6 =	sld [smem:$0x3FA9]  }
0x2c: {  	s7 =	sld [smem:$0x3FAA]  }
0x2d: {  	s3 =	simm.s32 $0x108;
	s8 =	sld [smem:$0x3FAB]  }
0x2e: {  	s3 =	simm.s32 @!p0 $0x1082;
	s9 =	sld [smem:$0x3FAC]  }
0x2f: {  	lr =	sadd.s32 s0, s3;
	s0 =	sld [smem:$0x3FA3]  }
0x30: {  	s3 =	sld [smem:$0x3FA6]  }
0x31: {  	[smem:$0x3FAF] =	sst s10  }
0x32: {  	s10 =	sld [smem:$0x3FAD];
	_ =	sdelay $0x3  }
0x33: {  	p0 =	seq.s32 s10, $0x1;
	s10 =	sld [smem:$0x3FAF];
	_ =	sdelay $0x3  }
0x34: {  	[smem:$0x3FAF] =	sst s10  }
0x35: {  	s10 =	sld [smem:$0x3FAE];
	_ =	sdelay $0x3  }
0x36: {  	p1 =	seq.s32 s10, $0x1;
	s10 =	sld [smem:$0x3FAF];
	_ =	sdelay $0x3  }
0x37: {  	[smem:$0x3FAF] =	sst s10  }
0x38: {  	s10 =	sld [smem:$0x3FB0]  }
0x39: {  	_ = 	snop;
	(pc) =	sbr.ind lr, $3  }
0x3a: {  	_ = 	snop  }
0x3b: {  	_ = 	snop  }
0x3c: {  	p2 =	seq.s32 s10, $0x1;
	s10 =	sld [smem:$0x3FAF]  }
0x3d: {  	_ =	shalt  }
0x3e: {  	_ =	shalt  }
0x3f: {  	_ =	shalt  }
0x40: {  	_ =	shalt  }
0x41: {  	_ =	shalt  }
0x42: {  	_ =	shalt  }
0x43: {  	_ =	shalt  }
0x44: {  	_ =	shalt  }
0x45: {  	_ =	shalt  }
0x46: {  	_ =	shalt  }
0x47: {  	_ =	shalt  }
0x48: {  	_ =	shalt  }
0x49: {  	_ =	shalt  }
0x4a: {  	_ =	shalt  }
0x4b: {  	_ =	shalt  }
0x4c: {  	_ =	shalt  }
0x4d: {  	_ =	shalt  }
0x4e: {  	_ =	shalt  }
0x4f: {  	_ =	shalt  }
0x50: {  	_ =	shalt  }
0x51: {  	_ =	shalt  }
0x52: {  	_ =	shalt  }
0x53: {  	_ =	shalt  }
0x54: {  	_ =	shalt  }
0x55: {  	_ =	shalt  }
0x56: {  	_ =	shalt  }
0x57: {  	_ =	shalt  }
0x58: {  	_ =	shalt  }
0x59: {  	_ =	shalt  }
0x5a: {  	_ =	shalt  }
0x5b: {  	_ =	shalt  }
0x5c: {  	_ =	shalt  }
0x5d: {  	_ =	shalt  }
0x5e: {  	_ =	shalt  }
0x5f: {  	_ =	shalt  }
0x60: {  	_ =	shalt  }
0x61: {  	_ =	shalt  }
0x62: {  	_ =	shalt  }
0x63: {  	_ =	shalt  }
0x64: {  	_ =	shalt  }
0x65: {  	_ =	shalt  }
0x66: {  	_ =	shalt  }
0x67: {  	_ =	shalt  }
0x68: {  	_ =	shalt  }
0x69: {  	_ =	shalt  }
0x6a: {  	_ =	shalt  }
0x6b: {  	_ =	shalt  }
0x6c: {  	_ =	shalt  }
0x6d: {  	_ =	shalt  }
0x6e: {  	_ =	shalt  }
0x6f: {  	_ =	shalt  }
0x70: {  	_ =	shalt  }
0x71: {  	_ =	shalt  }
0x72: {  	_ =	shalt  }
0x73: {  	_ =	shalt  }
0x74: {  	_ =	shalt  }
0x75: {  	_ =	shalt  }
0x76: {  	_ =	shalt  }
0x77: {  	_ =	shalt  }
0x78: {  	_ =	shalt  }
0x79: {  	_ =	shalt  }
0x7a: {  	_ =	shalt  }
0x7b: {  	_ =	shalt  }
0x7c: {  	_ =	shalt  }
0x7d: {  	_ =	shalt  }
0x7e: {  	_ =	shalt  }
0x7f: {  	_ =	shalt  }
0x80: {  	_ =	shalt  }
0x81: {  	_ =	shalt  }
0x82: {  	_ =	shalt  }
0x83: {  	_ =	shalt  }
0x84: {  	_ =	shalt  }
0x85: {  	_ =	shalt  }
0x86: {  	_ =	shalt  }
0x87: {  	_ =	shalt  }
.Lfunc_end0:
.L_simem_size_0:
called_computation.2_lowered:
.L_overlay_start_0:
0x88: {  	s2 =	sld [smem:$0x3FD9]  }
0x89: {  	s3 =	sld [smem:$0x3FFE];
	_ =	sdelay $0x1  }
0x8a: {  	s1 =	srdreg.scid  }
0x8b: {  	s0 =	sand.u32 $0x1, s1  }
0x8c: {  	s17 =	sshll.u32 s0, $0xA;
	s2 =	sadd.s32 s3, s2  }
0x8d: {  	s2 =	sadd.s32 s2, s17  }
0x8e: {  	[smem:$0x3FBB] =	sst s2  }
0x8f: {  	_ = 	snop  }
0x90: {  	s2 =	sld [smem:$0x3FD0];
	(tm) =	ssettm $0x1  }
0x91: {  	s18 =	sld [smem:$0x3FFB];
	_ =	sdelay $0x3  }
0x92: {  	_ =	strace s18  }
0x93: {  	s3 =	sld [smem:$0x3FFC];
	_ =	sdelay $0x3  }
0x94: {  	_ =	strace s3  }
0x95: {  	s3 =	sld [smem:$0x3FFD];
	_ =	sdelay $0x3  }
0x96: {  	_ =	strace s3  }
0x97: {  	_ =	strace $0x8FFFFFFF  }
0x98: {  	s19 =	sld [smem:$0x3FDB];
	_ =	sdelay $0x1  }
0x99: {  	s4 =	simm.s32 $_scs_section_size  }
0x9a: {  	s5 =	simm.s32 $_size__tile_overlayer_lowered;
	s6 =	simm.s32 $_tile_overlayer_lowered  }
0x9b: {  	s22 =	simm.s32 $0x1BFF;
	s21 =	sshll.u32 s6, $0x1;
	s3 =	sadd.s32 s4, s19  }
0x9c: {  	s7 =	simm.s32 $0x0;
	s20 =	sshll.u32 s5, $0x1;
	s5 =	sadd.s32 s21, s3  }
0x9d: {  	[timem:s7], [sflag:s22] =	dma.local [hbm:s5], s20  }
0x9e: {  	_ =	swait.ge [sflag:s22], s20  }
0x9f: {  	s4 =	ssub.s32 $0x0, s20;
	[sflag:s22] =	ssyncset.done $0x0  }
0xa0: {  	[sflag:s22] =	ssyncadd.s32 s4;
	_ =	sdelay $0x1  }
0xa1: {  	s23 =	simm.s32 $0x1B8B  }
0xa2: {  	_ =	swait.ge [sflag:s23], $0x1  }
0xa3: {  	[sflag:s23] =	ssyncset.done $0x0  }
0xa4: {  	s25 =	simm.s32 $0x1B8E;
	s24 =	sld [smem:$0x3FFE];
	[sflag:s23] =	ssyncadd.s32 $0xFFFFFFFF  }
0xa5: {  	s26 =	simm.s32 $execute0_lowered;
	[smem:$0x3FD2] =	sst s25  }
0xa6: {  	s5 =	sshll.u32 s26, $0x1;
	_ =	strace $0x8000004C;
	[dreg:$0x1] =	wrdreg $0xFFFFFFFF  }
0xa7: {  	s28 =	simm.s32 $_size_execute0_lowered;
	s3 =	sadd.s32 s3, s5;
	[dreg:$0x0] =	wrdreg $0x0  }
0xa8: {  	s5 =	sshll.u32 s28, $0x1;
	[dreg:$0x2] =	wrdreg s3  }
0xa9: {  	[dreg:$0x3] =	wrdreg s5  }
0xaa: {  	[dreg:$0x4] =	wrdreg $0xC0  }
0xab: {  	_ =	task [dreg:s7], $0x5FFFF  }
0xac: {  	[dreg:$0x1] =	wrdreg $0xFFFFFFFF  }
0xad: {  	[dreg:$0x0] =	wrdreg $0x60  }
0xae: {  	[dreg:$0x2] =	wrdreg s24  }
0xaf: {  	[dreg:$0x3] =	wrdreg s2  }
0xb0: {  	[dreg:$0x4] =	wrdreg $0xC0000  }
0xb1: {  	[dreg:$0x5] =	wrdreg $0x9  }
0xb2: {  	_ =	task.clear_ibuf [dreg:s7], $0x6FFFF;
	_ =	strace $0x9000004C  }
0xb3: {  	s29 =	simm.s32 $0x9;
	_ =	strace $0x8000004E  }
0xb4: {  	_ =	swait.ge [sflag:s29], $0x1  }
0xb5: {  	[sflag:s29] =	ssyncadd.s32 $0xFFFFFFFF  }
0xb6: {  	_ =	strace $0x9000004E  }
0xb7: {  	_ =	sfence  }
0xb8: {  	s30 =	sld [smem:$0x0];
	_ =	sdelay $0x2  }
0xb9: {  	s31 =	sshll.u32 s1, $0xD;
	s1 =	sshrl.u32 s1, $0x2  }
0xba: {  	s3 =	sand.u32 $0x4000, s31;
	s1 =	sadd.s32 s1, s30  }
0xbb: {  	s0 =	sor.u32 s3, s0;
	s1 =	sshll.u32 s1, $0x11  }
0xbc: {  	s0 =	sor.u32 s1, s0  }
0xbd: {  	s0 =	sadd.s32 $0x8F2B, s0  }
0xbe: {  	[sflag:s0] =	ssyncadd.remote.s32 $0x1  }
0xbf: {  	_ =	sfence.sel $0xFFFF  }
0xc0: {  	[dreg:$0x0] =	wrdreg $0xFFFFFFFF;
	(pc) =	sbr.abs _section_cstart, $3  }
0xc1: {  	[dreg:$0x1] =	wrdreg $0xFFFFFFFF  }
0xc2: {  	_ =	task.clear_ibuf [dreg:s7], $0x2FFFF;
	_ =	strace $0x9FFFFFFF  }
0xc3: {  	(tm) =	ssettm $0x7FFFFFFF  }
tec
execute0_lowered:
.L_overlay_start_1:
0x0: {  	(tag) =	ssettag $0x1  }
0x1: {  	s0 =	rddreg [dreg:$0x0]  }
0x2: {  	s8 =	rddreg [dreg:$0x1]  }
0x3: {  	s2 =	rddreg [dreg:$0x2];
	s3 =	simm.s32 $0x0;
	s1 =	stileid.u32  }
0x4: {  	s10 =	srdreg.scid;
	s17 =	simm.s32 $0x2000;
	s18 =	simm.s32 $0x1  }
0x5: {  	s19 =	simm.s32 $0x80;
	s20 =	simm.s32 $0x4000;
	s21 =	simm.s32 $0x2  }
0x6: {  	s22 =	simm.s32 $0x8000;
	s23 =	simm.s32 $0x4;
	s24 =	simm.s32 $0x0  }
0x7: {  	[smem:$0x7FF] =	sst s3;
	s4 =	sadd.s32 $0x18C00, s0;
	s9 =	smul.u32 $0x13C00, s1  }
0x8: {  	s5 =	sadd.s32 $0x3FE00, s0;
	s6 =	sadd.s32 $0xEC00, s0;
	s11 =	smul.u32 $0x4F000, s1  }
0x9: {  	s7 =	sadd.s32 $0x4C00, s0;
	s13 =	sand.u32 $0x1, s10;
	s12 =	smul.u32 $0xA00, s1  }
0xa: {  	s31 =	sshll.u32 s1, $0x6;
	_ =	strace $0x8000004D;
	s28 =	ssub.s32 $0x2, s13  }
0xb: {  	p0 =	seq.s32 s13, $0x1;
	s9 =	sshrl.u32 s9, $0x3;
	s29 =	sshrl.u32 s28, $0x1  }
0xc: {  	s30 =	sshrl.u32 s11, $0x2;
	s11 =	sadd.s32 s7, s12;
	s10 =	sadd.s32 $0x27800, s9  }
.Ltmp0:
0xd: {  	s8 =	sadd.s32 s8, s9;
	s14 =	ssub.s32 s28, s29;
	(pc) =	sbr.rel .LBB2_1-.Ltmp0, $4  }
0xe: {  	s16 =	sadd.s32 s30, s2;
	s9 =	smov.u32 @p0 s10;
	s10 =	sadd.s32 s6, s12  }
0xf: {  	s12 =	smul.u32 $0x5000, s1;
	p0 =	seq.s32 s13, $0x0;
	s13 =	smov.u32 s5  }
0x10: {  	s14 =	smax.u32 s14, $0x1;
	s16 =	sshrl.u32 s16, $0x3;
	s0 =	sadd.s32 s9, s0  }
0x11: {  	s9 =	sor.u32 $0x1C04, s31;
	s13 =	smov.u32 @p0 s4;
	s15 =	sadd.s32 $0x67000, s0  }
.LBB2_6:
0x12: {  	s24 =	sadd.s32 $0x1, s24  }
0x13: {  	p1 =	sne.s32 s24, s14  }
.Ltmp1:
0x14: {  	[bflag:$0x0] =	sbarrier.arrive $0xFFFF;
	(pc) =	sbr.rel @!p1 .LBB2_7-.Ltmp1, $4  }
0x15: {  	[hbm:s15], [sflag:s9] =	dma.local [spmem:s16], $0x2780  }
0x16: {  	_ =	swait.ge [sflag:s23], $0x2780  }
0x17: {  	[sflag:s23] =	ssyncset.done $0x0  }
0x18: {  	[sflag:s23] =	ssyncadd.s32 $0xFFFFD880  }
.LBB2_1:
0x19: {  	[spmem:s16], [sflag:s9] =	dma.local [hbm:s8], $0x2780  }
0x1a: {  	_ =	swait.ge [sflag:s23], $0x2780  }
0x1b: {  	[sflag:s23] =	ssyncset.done $0x0  }
0x1c: {  	[sflag:s23] =	ssyncadd.s32 $0xFFFFD880  }
0x1d: {  	[bflag:$0x0] =	sbarrier.arrive $0xFFFF  }
0x1e: {  	[tilespmem:s3], [sflag:$0x4] =	stream.linear.gather [hbm4b:s10+s3], $0x1000, $0x38;
	[tilespmem:$0x1FC00] =	vst v63  }
0x1f: {  	_ =	swait.ge [sflag:s23], $0x1000  }
0x20: {  	p1 =	por $0x0, $0x0;
	[sflag:s23] =	ssyncset.done $0x0  }
0x21: {  	s26 =	simm.s32 $0x4;
	s25 =	simm.s32 $0x0;
	[sflag:s23] =	ssyncadd.s32 $0xFFFFF000  }
0x22: {  	[tilespmem:s17], [sflag:$0x4] =	stream.linear.gather [hbm4b:s11+s3], $0x1000, $0x38;
	[tilespmem:$0x1FC00] =	vst v63  }
.LBB2_2:
0x23: {  	s0 =	smov.u32 s25  }
0x24: {  	s25 =	sadd.s32 $0x1, s25;
	p2 =	seq.s32 s0, $0x4  }
0x25: {  	_ =	swait.ge [sflag:s26], $0x1000;
	s28 =	sshll.u32 @!p2 s25, $0xC  }
0x26: {  	[sflag:s26] =	ssyncset.done $0x0;
	s29 =	sadd.s32 @!p2 s12, s28  }
0x27: {  	[sflag:s26] =	ssyncadd.s32 $0xFFFFF000;
	s26 =	sshrl.u32 @!p2 s29, $0x3  }
0x28: {  	s30 =	simm.s32 @!p2 $0x0;
	s28 =	sand.u32 @!p2 $0x1000, s28;
	s29 =	sadd.s32 @!p2 s6, s26  }
0x29: {  	[tilespmem:s28], [sflag:$0x3] =	stream.linear.gather @!p2 [hbm4b:s29+s30], $0x1000, $0x38;
	[tilespmem:$0x1FC00] =	vst v63  }
0x2a: {  	s0 =	sshll.u32 s0, $0xC;
	s26 =	sadd.s32 @!p2 s7, s26;
	s28 =	sor.u32 @!p2 $0x2000, s28  }
0x2b: {  	[tilespmem:s28], [sflag:$0x3] =	stream.linear.gather @!p2 [hbm4b:s26+s30], $0x1000, $0x38;
	[tilespmem:$0x1FC00] =	vst v63  }
0x2c: {  	s26 =	sand.u32 $0x1000, s0;
	s0 =	simm.s32 @p0 $0x80;
	s28 =	simm.s32 @p0 $0x4000  }
0x2d: {  	[tilespmem:s28], [sflag:$0x1] =	stream.indirect.gather @p0 [hbm4b:s4+s0], $0x80, s26, s0, $0xb8;
	[tilespmem:$0x1FC00] =	vst v63  }
0x2e: {  	s29 =	simm.s32 @p0 $0x8000;
	s28 =	sor.u32 $0x80, s26  }
0x2f: {  	[tilespmem:s29], [sflag:$0x1] =	stream.indirect.gather @p0 [hbm4b:s4+s0], $0x80, s28, s0, $0xb8;
	[tilespmem:$0x1FC00] =	vst v63  }
0x30: {  	s0 =	simm.s32 @!p0 $0x80;
	s29 =	simm.s32 @!p0 $0x4000  }
0x31: {  	[tilespmem:s29], [sflag:$0x1] =	stream.indirect.gather @!p0 [hbm4b:s5+s0], $0x80, s26, s0, $0xb8;
	[tilespmem:$0x1FC00] =	vst v63  }
0x32: {  	s30 =	simm.s32 $0x10000;
	s29 =	simm.s32 @!p0 $0x8000  }
0x33: {  	[tilespmem:s29], [sflag:$0x1] =	stream.indirect.gather @!p0 [hbm4b:s5+s0], $0x80, s28, s0, $0xb8;
	[tilespmem:$0x1FC00] =	vst v63  }
0x34: {  	s30 =	sand.u32 $0x10000, s30;
	_ =	swait.ge [sflag:s18], $0x4000  }
0x35: {  	s0 =	simm.s32 $0x1;
	s29 =	simm.s32 $0x20000;
	[sflag:s18] =	ssyncset.done $0x0  }
0x36: {  	s28 =	sor.u32 $0x2000, s26;
	s29 =	sand.u32 $0x10000, s29;
	[sflag:s18] =	ssyncadd.s32 $0xFFFFC000  }
0x37: {  	[spmem:s2] =	stream.indirect.scatter.add.f32 [tilespmem:s20], [sflag:$0x2], $0x80, s28, s19, $0xb8;
	[tilespmem:$0x1FC00] =	vst v63  }
0x38: {  	s0 =	simm.s32 @!p1 $0x0;
	s29 =	sshrl.u32 s29, $0x2;
	_ =	swait.ge [sflag:s21], $0x4000  }
0x39: {  	s0 =	sshll.u32 s0, $0xC;
	s29 =	sadd.s32 $0x4000, s29;
	[sflag:s21] =	ssyncset.done $0x0  }
0x3a: {  	s28 =	sor.u32 $0x2080, s0;
	s0 =	sor.u32 $0x100, s0;
	[sflag:s21] =	ssyncadd.s32 $0xFFFFC000  }
0x3b: {  	[tilespmem:s29], [sflag:$0x1] =	stream.indirect.gather [hbm4b:s13+s19], $0x80, s0, s19, $0xb8;
	[tilespmem:$0x1FC00] =	vst v63  }
0x3c: {  	s31 =	sshrl.u32 s30, $0x2;
	_ =	swait.ge [sflag:s18], $0x4000  }
0x3d: {  	s30 =	sadd.s32 $0x80, s0;
	s29 =	simm.s32 $0x30000;
	[sflag:s18] =	ssyncset.done $0x0  }
0x3e: {  	s0 =	sadd.s32 $0x4000, s31;
	s31 =	sadd.s32 $0x80, s28;
	[sflag:s18] =	ssyncadd.s32 $0xFFFFC000  }
.LBB2_3:
0x3f: {  	[spmem:s2] =	stream.indirect.scatter.add.f32 [tilespmem:s0], [sflag:$0x2], $0x80, s28, s19, $0xb8;
	[tilespmem:$0x1FC00] =	vst v63  }
0x40: {  	s28 =	smov.u32 s31  }
0x41: {  	s0 =	sand.u32 $0x10000, s29;
	p3 =	sne.s32 s29, $0x1F0000;
	_ =	swait.ge [sflag:s21], $0x4000  }
0x42: {  	s1 =	sadd.s32 $0xFFFF0000, s29;
	s0 =	sshrl.u32 s0, $0x2;
	[sflag:s21] =	ssyncset.done $0x0  }
.Ltmp2:
0x43: {  	s0 =	sadd.s32 $0x4000, s0;
	[sflag:s21] =	ssyncadd.s32 $0xFFFFC000;
	(pc) =	sbr.rel @p3 .LBB2_3-.Ltmp2, $4  }
0x44: {  	[tilespmem:s0], [sflag:$0x1] =	stream.indirect.gather [hbm4b:s13+s19], $0x80, s30, s19, $0xb8;
	[tilespmem:$0x1FC00] =	vst v63  }
0x45: {  	s29 =	sadd.s32 $0x10000, s29;
	s0 =	sand.u32 $0x10000, s1;
	_ =	swait.ge [sflag:s18], $0x4000  }
0x46: {  	s30 =	sadd.s32 $0x80, s30;
	s0 =	sshrl.u32 s0, $0x2;
	[sflag:s18] =	ssyncset.done $0x0  }
0x47: {  	s31 =	sadd.s32 $0x80, s31;
	s0 =	sadd.s32 $0x4000, s0;
	[sflag:s18] =	ssyncadd.s32 $0xFFFFC000  }
0x48: {  	[spmem:s2] =	stream.indirect.scatter.add.f32 [tilespmem:s0], [sflag:$0x2], $0x80, s28, s19, $0xb8;
	[tilespmem:$0x1FC00] =	vst v63  }
0x49: {  	_ =	swait.ge [sflag:s21], $0x4000  }
0x4a: {  	[sflag:s21] =	ssyncset.done $0x0  }
0x4b: {  	[sflag:s21] =	ssyncadd.s32 $0xFFFFC000  }
0x4c: {  	_ =	swait.ge [sflag:s18], $0x4000  }
0x4d: {  	[sflag:s18] =	ssyncset.done $0x0  }
.Ltmp3:
0x4e: {  	s31 =	sadd.s32 $0x2F80, s26;
	[sflag:s18] =	ssyncadd.s32 $0xFFFFC000;
	(pc) =	sbr.rel @p2 .LBB2_6-.Ltmp3, $4  }
0x4f: {  	[spmem:s2] =	stream.indirect.scatter.add.f32 [tilespmem:s22], [sflag:$0x2], $0x80, s31, s19, $0xb8;
	[tilespmem:$0x1FC00] =	vst v63  }
0x50: {  	_ =	swait.ge [sflag:s21], $0x4000  }
0x51: {  	[sflag:s21] =	ssyncset.done $0x0  }
0x52: {  	[sflag:s21] =	ssyncadd.s32 $0xFFFFC000  }
.Ltmp4:
0x53: {  	(pc) =	sbr.rel .LBB2_2-.Ltmp4, $4  }
0x54: {  	s26 =	simm.s32 $0x3  }
0x55: {  	_ =	swait.ge [sflag:s26], $0x1000  }
0x56: {  	[sflag:s26] =	ssyncset.done $0x0  }
0x57: {  	p1 =	por !p1, !p1;
	[sflag:s26] =	ssyncadd.s32 $0xFFFFF000  }
.LBB2_7:
0x58: {  	_ =	sfence.sel $0x180000  }
0x59: {  	[bflag:$0x0] =	sbarrier.arrive $0xFFFF  }
0x5a: {  	_ =	strace $0x9000004D  }
0x5b: {  	s0 =	stileid.u32;
	[bflag:$0x2] =	sbarrier.arrive $0xFFFF  }
0x5c: {  	p0 =	sne.s32 s0, $0x0;
	s0 =	rddreg [dreg:$0x3]  }
0x5d: {  	s0 =	sadd.s32 @!p0 $0x100000, s0  }
0x5e: {  	[sflag:s0] =	ssyncadd.tile.s32 @!p0 $0x1;
	_ =	shalt  }
.Lfunc_end2:
_tile_overlayer_lowered:
.L_overlay_start_2:
0x5f: {  	(tag) =	ssettag $0x2  }
0x60: {  	s0 =	rddreg [dreg:$0x0];
	s2 =	stileid.u32  }
0x61: {  	s1 =	rddreg [dreg:$0x1];
	p0 =	sne.s32 s2, $0x0  }
0x62: {  	s3 =	rddreg [dreg:$0x2];
	[bflag:$0x3] =	sbarrier.arrive $0xFFFF;
	s2 =	simm.s32 @!p0 $0x1C04  }
0x63: {  	[timem:s3], [sflag:s2] =	dma.local @!p0 [hbm:s0], s1  }
0x64: {  	s0 =	simm.s32 @!p0 $0x4  }
0x65: {  	_ =	swait.ge @!p0 [sflag:s0], s1  }
0x66: {  	s1 =	ssub.s32 @!p0 $0x0, s1;
	[sflag:s0] =	ssyncset.done @!p0 $0x0  }
0x67: {  	[sflag:s0] =	ssyncadd.s32 @!p0 s1  }
0x68: {  	[bflag:$0x3] =	sbarrier.arrive $0xFFFF  }
0x69: {  	_ =	shalt  }

// kernel: kernel.19.cloned.1.call-start
scs
__scs_entry_jumppad:
0x0: {  	(pc) =	sbr.rel $0x88, $3  }
0x1: {  	(tag) =	ssettag $0x0;
	lr =	simm.s32 $0x1  }
0x2: {  	[smem:$0x3F94] =	sst lr;
	_ =	strace $0xD0000000  }
0x3: {  	_ = 	snop  }
0x4: {  	_ = 	snop  }
0x5: {  	_ = 	snop  }
0x6: {  	_ = 	snop  }
0x7: {  	_ = 	snop  }
__scs_overlays_trampoline_lowered:
0x8: {  	[smem:$0x3FA3] =	sst s0  }
0x9: {  	[smem:$0x3FA4] =	sst s1  }
0xa: {  	[smem:$0x3FA5] =	sst s2  }
0xb: {  	[smem:$0x3FA6] =	sst s3  }
0xc: {  	[smem:$0x3FA7] =	sst s4  }
0xd: {  	[smem:$0x3FA8] =	sst s5  }
0xe: {  	[smem:$0x3FA9] =	sst s6  }
0xf: {  	[smem:$0x3FAA] =	sst s7  }
0x10: {  	[smem:$0x3FAB] =	sst s8  }
0x11: {  	[smem:$0x3FAC] =	sst s9;
	s0 =	simm.s32 @!p0 $0x0  }
0x12: {  	s1 =	sld [smem:$0x3F92];
	s0 =	simm.s32 @p0 $0x1  }
0x13: {  	[smem:$0x3FAD] =	sst s0;
	s0 =	simm.s32 @!p1 $0x0  }
0x14: {  	s2 =	sld [smem:$0x3F91];
	s0 =	simm.s32 @p1 $0x1  }
0x15: {  	[smem:$0x3FAE] =	sst s0;
	s0 =	simm.s32 @!p2 $0x0  }
0x16: {  	s3 =	sld [smem:$0x3FDB];
	s0 =	simm.s32 @p2 $0x1  }
0x17: {  	s4 =	simm.s32 $0x1BF5;
	[smem:$0x3FB0] =	sst s0  }
0x18: {  	s0 =	sld [smem:$0x3F93];
	_ =	swait.ge [sflag:s4], $0x0  }
0x19: {  	s7 =	sld [smem:$0x3F94]  }
0x1a: {  	s8 =	sadd.s32 $0xFFFFE003, lr  }
0x1b: {  	s9 =	sadd.s32 $0xFFFFFEF7, lr;
	s5 =	simm.s32 $0xFFFFFFFF;
	p2 =	slt.u32 s8, $0xFFFFF086  }
0x1c: {  	p1 =	slt.u32 s9, $0xF7A;
	s5 =	simm.s32 @!p2 $0x0  }
0x1d: {  	s5 =	simm.s32 @p1 $0x1;
	p0 =	seq.s32 s7, s2  }
0x1e: {  	s7 =	smul.u32 @!p0 $0xF7A, s2;
	p2 =	seq.s32 @!p0 s5, $0x0  }
0x1f: {  	s9 =	smul.u32 $0xF7A, s1;
	s8 =	simm.s32 @!p0 $0x1BF5;
	p2 =	por !p2, p0  }
0x20: {  	[sflag:s8] =	ssyncset.s32 @!p0 $0xFFFFF086;
	s6 =	sadd.s32 @!p0 s3, s7;
	s7 =	simm.s32 @!p0 $0x108  }
0x21: {  	s3 =	sadd.s32 s3, s9;
	s6 =	sadd.s32 @!p0 $0x88, s6;
	s7 =	simm.s32 @p2 $0x1082  }
0x22: {  	[simem:s7], [sflag:s8] =	dma.local @!p0 [hbm:s6], $0xF7A  }
0x23: {  	s9 =	sor.u32 $0xD0000000, s2;
	s6 =	simm.s32 $0x108;
	_ =	swait.ge @!p0 [sflag:s8], $0x0  }
0x24: {  	s3 =	sadd.s32 $0x88, s3;
	s6 =	simm.s32 @!p1 $0x1082;
	[sflag:s4] =	ssyncset.s32 $0xFFFFF086  }
0x25: {  	[simem:s6], [sflag:s4] =	dma.local [hbm:s3], $0xF7A  }
0x26: {  	[smem:$0x3F94] =	sst s1;
	(tag) =	ssettag s2;
	_ =	strace s9  }
0x27: {  	s1 =	sld [smem:$0x3FA4]  }
0x28: {  	s2 =	sld [smem:$0x3FA5]  }
0x29: {  	s4 =	sld [smem:$0x3FA7]  }
0x2a: {  	p0 =	seq.s32 s5, $0x0;
	s5 =	sld [smem:$0x3FA8]  }
0x2b: {  	s6 =	sld [smem:$0x3FA9]  }
0x2c: {  	s7 =	sld [smem:$0x3FAA]  }
0x2d: {  	s3 =	simm.s32 $0x108;
	s8 =	sld [smem:$0x3FAB]  }
0x2e: {  	s3 =	simm.s32 @!p0 $0x1082;
	s9 =	sld [smem:$0x3FAC]  }
0x2f: {  	lr =	sadd.s32 s0, s3;
	s0 =	sld [smem:$0x3FA3]  }
0x30: {  	s3 =	sld [smem:$0x3FA6]  }
0x31: {  	[smem:$0x3FAF] =	sst s10  }
0x32: {  	s10 =	sld [smem:$0x3FAD];
	_ =	sdelay $0x3  }
0x33: {  	p0 =	seq.s32 s10, $0x1;
	s10 =	sld [smem:$0x3FAF];
	_ =	sdelay $0x3  }
0x34: {  	[smem:$0x3FAF] =	sst s10  }
0x35: {  	s10 =	sld [smem:$0x3FAE];
	_ =	sdelay $0x3  }
0x36: {  	p1 =	seq.s32 s10, $0x1;
	s10 =	sld [smem:$0x3FAF];
	_ =	sdelay $0x3  }
0x37: {  	[smem:$0x3FAF] =	sst s10  }
0x38: {  	s10 =	sld [smem:$0x3FB0]  }
0x39: {  	_ = 	snop;
	(pc) =	sbr.ind lr, $3  }
0x3a: {  	_ = 	snop  }
0x3b: {  	_ = 	snop  }
0x3c: {  	p2 =	seq.s32 s10, $0x1;
	s10 =	sld [smem:$0x3FAF]  }
0x3d: {  	_ =	shalt  }
0x3e: {  	_ =	shalt  }
0x3f: {  	_ =	shalt  }
0x40: {  	_ =	shalt  }
0x41: {  	_ =	shalt  }
0x42: {  	_ =	shalt  }
0x43: {  	_ =	shalt  }
0x44: {  	_ =	shalt  }
0x45: {  	_ =	shalt  }
0x46: {  	_ =	shalt  }
0x47: {  	_ =	shalt  }
0x48: {  	_ =	shalt  }
0x49: {  	_ =	shalt  }
0x4a: {  	_ =	shalt  }
0x4b: {  	_ =	shalt  }
0x4c: {  	_ =	shalt  }
0x4d: {  	_ =	shalt  }
0x4e: {  	_ =	shalt  }
0x4f: {  	_ =	shalt  }
0x50: {  	_ =	shalt  }
0x51: {  	_ =	shalt  }
0x52: {  	_ =	shalt  }
0x53: {  	_ =	shalt  }
0x54: {  	_ =	shalt  }
0x55: {  	_ =	shalt  }
0x56: {  	_ =	shalt  }
0x57: {  	_ =	shalt  }
0x58: {  	_ =	shalt  }
0x59: {  	_ =	shalt  }
0x5a: {  	_ =	shalt  }
0x5b: {  	_ =	shalt  }
0x5c: {  	_ =	shalt  }
0x5d: {  	_ =	shalt  }
0x5e: {  	_ =	shalt  }
0x5f: {  	_ =	shalt  }
0x60: {  	_ =	shalt  }
0x61: {  	_ =	shalt  }
0x62: {  	_ =	shalt  }
0x63: {  	_ =	shalt  }
0x64: {  	_ =	shalt  }
0x65: {  	_ =	shalt  }
0x66: {  	_ =	shalt  }
0x67: {  	_ =	shalt  }
0x68: {  	_ =	shalt  }
0x69: {  	_ =	shalt  }
0x6a: {  	_ =	shalt  }
0x6b: {  	_ =	shalt  }
0x6c: {  	_ =	shalt  }
0x6d: {  	_ =	shalt  }
0x6e: {  	_ =	shalt  }
0x6f: {  	_ =	shalt  }
0x70: {  	_ =	shalt  }
0x71: {  	_ =	shalt  }
0x72: {  	_ =	shalt  }
0x73: {  	_ =	shalt  }
0x74: {  	_ =	shalt  }
0x75: {  	_ =	shalt  }
0x76: {  	_ =	shalt  }
0x77: {  	_ =	shalt  }
0x78: {  	_ =	shalt  }
0x79: {  	_ =	shalt  }
0x7a: {  	_ =	shalt  }
0x7b: {  	_ =	shalt  }
0x7c: {  	_ =	shalt  }
0x7d: {  	_ =	shalt  }
0x7e: {  	_ =	shalt  }
0x7f: {  	_ =	shalt  }
0x80: {  	_ =	shalt  }
0x81: {  	_ =	shalt  }
0x82: {  	_ =	shalt  }
0x83: {  	_ =	shalt  }
0x84: {  	_ =	shalt  }
0x85: {  	_ =	shalt  }
0x86: {  	_ =	shalt  }
0x87: {  	_ =	shalt  }
.Lfunc_end0:
.L_simem_size_0:
called_computation.3_lowered:
.L_overlay_start_0:
0x88: {  	s2 =	sld [smem:$0x3FD9]  }
0x89: {  	s3 =	sld [smem:$0x3FFE];
	_ =	sdelay $0x1  }
0x8a: {  	s1 =	srdreg.scid  }
0x8b: {  	s0 =	sand.u32 $0x1, s1  }
0x8c: {  	s17 =	sshll.u32 s0, $0xA;
	s2 =	sadd.s32 s3, s2  }
0x8d: {  	s2 =	sadd.s32 s2, s17  }
0x8e: {  	[smem:$0x3FBB] =	sst s2  }
0x8f: {  	_ = 	snop  }
0x90: {  	s2 =	sld [smem:$0x3FD0];
	(tm) =	ssettm $0x1  }
0x91: {  	s18 =	sld [smem:$0x3FFB];
	_ =	sdelay $0x3  }
0x92: {  	_ =	strace s18  }
0x93: {  	s3 =	sld [smem:$0x3FFC];
	_ =	sdelay $0x3  }
0x94: {  	_ =	strace s3  }
0x95: {  	s3 =	sld [smem:$0x3FFD];
	_ =	sdelay $0x3  }
0x96: {  	_ =	strace s3  }
0x97: {  	_ =	strace $0x8FFFFFFF  }
0x98: {  	s19 =	sld [smem:$0x3FDB];
	_ =	sdelay $0x1  }
0x99: {  	s4 =	simm.s32 $_scs_section_size  }
0x9a: {  	s5 =	simm.s32 $_size__tile_overlayer_lowered;
	s6 =	simm.s32 $_tile_overlayer_lowered  }
0x9b: {  	s22 =	simm.s32 $0x1BFF;
	s21 =	sshll.u32 s6, $0x1;
	s3 =	sadd.s32 s4, s19  }
0x9c: {  	s7 =	simm.s32 $0x0;
	s20 =	sshll.u32 s5, $0x1;
	s5 =	sadd.s32 s21, s3  }
0x9d: {  	[timem:s7], [sflag:s22] =	dma.local [hbm:s5], s20  }
0x9e: {  	_ =	swait.ge [sflag:s22], s20  }
0x9f: {  	s4 =	ssub.s32 $0x0, s20;
	[sflag:s22] =	ssyncset.done $0x0  }
0xa0: {  	[sflag:s22] =	ssyncadd.s32 s4;
	_ =	sdelay $0x1  }
0xa1: {  	s23 =	simm.s32 $0x1B8B  }
0xa2: {  	_ =	swait.ge [sflag:s23], $0x1  }
0xa3: {  	[sflag:s23] =	ssyncset.done $0x0  }
0xa4: {  	s25 =	simm.s32 $0x1B8E;
	s24 =	sld [smem:$0x3FFE];
	[sflag:s23] =	ssyncadd.s32 $0xFFFFFFFF  }
0xa5: {  	s26 =	simm.s32 $execute0_lowered;
	[smem:$0x3FD2] =	sst s25  }
0xa6: {  	s5 =	sshll.u32 s26, $0x1;
	_ =	strace $0x8000004F;
	[dreg:$0x1] =	wrdreg $0xFFFFFFFF  }
0xa7: {  	s28 =	simm.s32 $_size_execute0_lowered;
	s3 =	sadd.s32 s3, s5;
	[dreg:$0x0] =	wrdreg $0x0  }
0xa8: {  	s5 =	sshll.u32 s28, $0x1;
	[dreg:$0x2] =	wrdreg s3  }
0xa9: {  	[dreg:$0x3] =	wrdreg s5  }
0xaa: {  	[dreg:$0x4] =	wrdreg $0xC0  }
0xab: {  	_ =	task [dreg:s7], $0x5FFFF  }
0xac: {  	[dreg:$0x1] =	wrdreg $0xFFFFFFFF  }
0xad: {  	[dreg:$0x0] =	wrdreg $0x60  }
0xae: {  	[dreg:$0x2] =	wrdreg s24  }
0xaf: {  	[dreg:$0x3] =	wrdreg s2  }
0xb0: {  	[dreg:$0x4] =	wrdreg $0xC0000  }
0xb1: {  	[dreg:$0x5] =	wrdreg $0x9  }
0xb2: {  	_ =	task.clear_ibuf [dreg:s7], $0x6FFFF;
	_ =	strace $0x9000004F  }
0xb3: {  	s29 =	simm.s32 $0x9;
	_ =	strace $0x80000051  }
0xb4: {  	_ =	swait.ge [sflag:s29], $0x1  }
0xb5: {  	[sflag:s29] =	ssyncadd.s32 $0xFFFFFFFF  }
0xb6: {  	_ =	strace $0x90000051  }
0xb7: {  	_ =	sfence  }
0xb8: {  	s30 =	sld [smem:$0x0];
	_ =	sdelay $0x2  }
0xb9: {  	s31 =	sshll.u32 s1, $0xD;
	s1 =	sshrl.u32 s1, $0x2  }
0xba: {  	s3 =	sand.u32 $0x4000, s31;
	s1 =	sadd.s32 s1, s30  }
0xbb: {  	s0 =	sor.u32 s3, s0;
	s1 =	sshll.u32 s1, $0x11  }
0xbc: {  	s0 =	sor.u32 s1, s0  }
0xbd: {  	s0 =	sadd.s32 $0x8F2B, s0  }
0xbe: {  	[sflag:s0] =	ssyncadd.remote.s32 $0x1  }
0xbf: {  	_ =	sfence.sel $0xFFFF  }
0xc0: {  	[dreg:$0x0] =	wrdreg $0xFFFFFFFF;
	(pc) =	sbr.abs _section_cstart, $3  }
0xc1: {  	[dreg:$0x1] =	wrdreg $0xFFFFFFFF  }
0xc2: {  	_ =	task.clear_ibuf [dreg:s7], $0x2FFFF;
	_ =	strace $0x9FFFFFFF  }
0xc3: {  	(tm) =	ssettm $0x7FFFFFFF  }
tec
execute0_lowered:
.L_overlay_start_1:
0x0: {  	(tag) =	ssettag $0x1  }
0x1: {  	s0 =	rddreg [dreg:$0x0]  }
0x2: {  	s8 =	rddreg [dreg:$0x1]  }
0x3: {  	s2 =	rddreg [dreg:$0x2];
	s3 =	simm.s32 $0x0;
	s1 =	stileid.u32  }
0x4: {  	s10 =	srdreg.scid;
	s17 =	simm.s32 $0x2000;
	s18 =	simm.s32 $0x1  }
0x5: {  	s19 =	simm.s32 $0x80;
	s20 =	simm.s32 $0x4000;
	s21 =	simm.s32 $0x2  }
0x6: {  	s22 =	simm.s32 $0x8000;
	s23 =	simm.s32 $0x4;
	s24 =	simm.s32 $0x0  }
0x7: {  	[smem:$0x7FF] =	sst s3;
	s4 =	sadd.s32 $0x18C00, s0;
	s9 =	smul.u32 $0x13C00, s1  }
0x8: {  	s5 =	sadd.s32 $0x3FE00, s0;
	s6 =	sadd.s32 $0xEC00, s0;
	s11 =	smul.u32 $0x4F000, s1  }
0x9: {  	s7 =	sadd.s32 $0x4C00, s0;
	s13 =	sand.u32 $0x1, s10;
	s12 =	smul.u32 $0xA00, s1  }
0xa: {  	s31 =	sshll.u32 s1, $0x6;
	_ =	strace $0x80000050;
	s28 =	ssub.s32 $0x2, s13  }
0xb: {  	p0 =	seq.s32 s13, $0x1;
	s9 =	sshrl.u32 s9, $0x3;
	s29 =	sshrl.u32 s28, $0x1  }
0xc: {  	s30 =	sshrl.u32 s11, $0x2;
	s11 =	sadd.s32 s7, s12;
	s10 =	sadd.s32 $0x27800, s9  }
.Ltmp0:
0xd: {  	s8 =	sadd.s32 s8, s9;
	s14 =	ssub.s32 s28, s29;
	(pc) =	sbr.rel .LBB2_1-.Ltmp0, $4  }
0xe: {  	s16 =	sadd.s32 s30, s2;
	s9 =	smov.u32 @p0 s10;
	s10 =	sadd.s32 s6, s12  }
0xf: {  	s12 =	smul.u32 $0x5000, s1;
	p0 =	seq.s32 s13, $0x0;
	s13 =	smov.u32 s5  }
0x10: {  	s14 =	smax.u32 s14, $0x1;
	s16 =	sshrl.u32 s16, $0x3;
	s0 =	sadd.s32 s9, s0  }
0x11: {  	s9 =	sor.u32 $0x1C04, s31;
	s13 =	smov.u32 @p0 s4;
	s15 =	sadd.s32 $0x67000, s0  }
.LBB2_6:
0x12: {  	s24 =	sadd.s32 $0x1, s24  }
0x13: {  	p1 =	sne.s32 s24, s14  }
.Ltmp1:
0x14: {  	[bflag:$0x0] =	sbarrier.arrive $0xFFFF;
	(pc) =	sbr.rel @!p1 .LBB2_7-.Ltmp1, $4  }
0x15: {  	[hbm:s15], [sflag:s9] =	dma.local [spmem:s16], $0x2780  }
0x16: {  	_ =	swait.ge [sflag:s23], $0x2780  }
0x17: {  	[sflag:s23] =	ssyncset.done $0x0  }
0x18: {  	[sflag:s23] =	ssyncadd.s32 $0xFFFFD880  }
.LBB2_1:
0x19: {  	[spmem:s16], [sflag:s9] =	dma.local [hbm:s8], $0x2780  }
0x1a: {  	_ =	swait.ge [sflag:s23], $0x2780  }
0x1b: {  	[sflag:s23] =	ssyncset.done $0x0  }
0x1c: {  	[sflag:s23] =	ssyncadd.s32 $0xFFFFD880  }
0x1d: {  	[bflag:$0x0] =	sbarrier.arrive $0xFFFF  }
0x1e: {  	[tilespmem:s3], [sflag:$0x4] =	stream.linear.gather [hbm4b:s10+s3], $0x1000, $0x38;
	[tilespmem:$0x1FC00] =	vst v63  }
0x1f: {  	_ =	swait.ge [sflag:s23], $0x1000  }
0x20: {  	p1 =	por $0x0, $0x0;
	[sflag:s23] =	ssyncset.done $0x0  }
0x21: {  	s26 =	simm.s32 $0x4;
	s25 =	simm.s32 $0x0;
	[sflag:s23] =	ssyncadd.s32 $0xFFFFF000  }
0x22: {  	[tilespmem:s17], [sflag:$0x4] =	stream.linear.gather [hbm4b:s11+s3], $0x1000, $0x38;
	[tilespmem:$0x1FC00] =	vst v63  }
.LBB2_2:
0x23: {  	s0 =	smov.u32 s25  }
0x24: {  	s25 =	sadd.s32 $0x1, s25;
	p2 =	seq.s32 s0, $0x4  }
0x25: {  	_ =	swait.ge [sflag:s26], $0x1000;
	s28 =	sshll.u32 @!p2 s25, $0xC  }
0x26: {  	[sflag:s26] =	ssyncset.done $0x0;
	s29 =	sadd.s32 @!p2 s12, s28  }
0x27: {  	[sflag:s26] =	ssyncadd.s32 $0xFFFFF000;
	s26 =	sshrl.u32 @!p2 s29, $0x3  }
0x28: {  	s30 =	simm.s32 @!p2 $0x0;
	s28 =	sand.u32 @!p2 $0x1000, s28;
	s29 =	sadd.s32 @!p2 s6, s26  }
0x29: {  	[tilespmem:s28], [sflag:$0x3] =	stream.linear.gather @!p2 [hbm4b:s29+s30], $0x1000, $0x38;
	[tilespmem:$0x1FC00] =	vst v63  }
0x2a: {  	s0 =	sshll.u32 s0, $0xC;
	s26 =	sadd.s32 @!p2 s7, s26;
	s28 =	sor.u32 @!p2 $0x2000, s28  }
0x2b: {  	[tilespmem:s28], [sflag:$0x3] =	stream.linear.gather @!p2 [hbm4b:s26+s30], $0x1000, $0x38;
	[tilespmem:$0x1FC00] =	vst v63  }
0x2c: {  	s26 =	sand.u32 $0x1000, s0;
	s0 =	simm.s32 @p0 $0x80;
	s28 =	simm.s32 @p0 $0x4000  }
0x2d: {  	[tilespmem:s28], [sflag:$0x1] =	stream.indirect.gather @p0 [hbm4b:s4+s0], $0x80, s26, s0, $0xb8;
	[tilespmem:$0x1FC00] =	vst v63  }
0x2e: {  	s29 =	simm.s32 @p0 $0x8000;
	s28 =	sor.u32 $0x80, s26  }
0x2f: {  	[tilespmem:s29], [sflag:$0x1] =	stream.indirect.gather @p0 [hbm4b:s4+s0], $0x80, s28, s0, $0xb8;
	[tilespmem:$0x1FC00] =	vst v63  }
0x30: {  	s0 =	simm.s32 @!p0 $0x80;
	s29 =	simm.s32 @!p0 $0x4000  }
0x31: {  	[tilespmem:s29], [sflag:$0x1] =	stream.indirect.gather @!p0 [hbm4b:s5+s0], $0x80, s26, s0, $0xb8;
	[tilespmem:$0x1FC00] =	vst v63  }
0x32: {  	s30 =	simm.s32 $0x10000;
	s29 =	simm.s32 @!p0 $0x8000  }
0x33: {  	[tilespmem:s29], [sflag:$0x1] =	stream.indirect.gather @!p0 [hbm4b:s5+s0], $0x80, s28, s0, $0xb8;
	[tilespmem:$0x1FC00] =	vst v63  }
0x34: {  	s30 =	sand.u32 $0x10000, s30;
	_ =	swait.ge [sflag:s18], $0x4000  }
0x35: {  	s0 =	simm.s32 $0x1;
	s29 =	simm.s32 $0x20000;
	[sflag:s18] =	ssyncset.done $0x0  }
0x36: {  	s28 =	sor.u32 $0x2000, s26;
	s29 =	sand.u32 $0x10000, s29;
	[sflag:s18] =	ssyncadd.s32 $0xFFFFC000  }
0x37: {  	[spmem:s2] =	stream.indirect.scatter.add.f32 [tilespmem:s20], [sflag:$0x2], $0x80, s28, s19, $0xb8;
	[tilespmem:$0x1FC00] =	vst v63  }
0x38: {  	s0 =	simm.s32 @!p1 $0x0;
	s29 =	sshrl.u32 s29, $0x2;
	_ =	swait.ge [sflag:s21], $0x4000  }
0x39: {  	s0 =	sshll.u32 s0, $0xC;
	s29 =	sadd.s32 $0x4000, s29;
	[sflag:s21] =	ssyncset.done $0x0  }
0x3a: {  	s28 =	sor.u32 $0x2080, s0;
	s0 =	sor.u32 $0x100, s0;
	[sflag:s21] =	ssyncadd.s32 $0xFFFFC000  }
0x3b: {  	[tilespmem:s29], [sflag:$0x1] =	stream.indirect.gather [hbm4b:s13+s19], $0x80, s0, s19, $0xb8;
	[tilespmem:$0x1FC00] =	vst v63  }
0x3c: {  	s31 =	sshrl.u32 s30, $0x2;
	_ =	swait.ge [sflag:s18], $0x4000  }
0x3d: {  	s30 =	sadd.s32 $0x80, s0;
	s29 =	simm.s32 $0x30000;
	[sflag:s18] =	ssyncset.done $0x0  }
0x3e: {  	s0 =	sadd.s32 $0x4000, s31;
	s31 =	sadd.s32 $0x80, s28;
	[sflag:s18] =	ssyncadd.s32 $0xFFFFC000  }
.LBB2_3:
0x3f: {  	[spmem:s2] =	stream.indirect.scatter.add.f32 [tilespmem:s0], [sflag:$0x2], $0x80, s28, s19, $0xb8;
	[tilespmem:$0x1FC00] =	vst v63  }
0x40: {  	s28 =	smov.u32 s31  }
0x41: {  	s0 =	sand.u32 $0x10000, s29;
	p3 =	sne.s32 s29, $0x1F0000;
	_ =	swait.ge [sflag:s21], $0x4000  }
0x42: {  	s1 =	sadd.s32 $0xFFFF0000, s29;
	s0 =	sshrl.u32 s0, $0x2;
	[sflag:s21] =	ssyncset.done $0x0  }
.Ltmp2:
0x43: {  	s0 =	sadd.s32 $0x4000, s0;
	[sflag:s21] =	ssyncadd.s32 $0xFFFFC000;
	(pc) =	sbr.rel @p3 .LBB2_3-.Ltmp2, $4  }
0x44: {  	[tilespmem:s0], [sflag:$0x1] =	stream.indirect.gather [hbm4b:s13+s19], $0x80, s30, s19, $0xb8;
	[tilespmem:$0x1FC00] =	vst v63  }
0x45: {  	s29 =	sadd.s32 $0x10000, s29;
	s0 =	sand.u32 $0x10000, s1;
	_ =	swait.ge [sflag:s18], $0x4000  }
0x46: {  	s30 =	sadd.s32 $0x80, s30;
	s0 =	sshrl.u32 s0, $0x2;
	[sflag:s18] =	ssyncset.done $0x0  }
0x47: {  	s31 =	sadd.s32 $0x80, s31;
	s0 =	sadd.s32 $0x4000, s0;
	[sflag:s18] =	ssyncadd.s32 $0xFFFFC000  }
0x48: {  	[spmem:s2] =	stream.indirect.scatter.add.f32 [tilespmem:s0], [sflag:$0x2], $0x80, s28, s19, $0xb8;
	[tilespmem:$0x1FC00] =	vst v63  }
0x49: {  	_ =	swait.ge [sflag:s21], $0x4000  }
0x4a: {  	[sflag:s21] =	ssyncset.done $0x0  }
0x4b: {  	[sflag:s21] =	ssyncadd.s32 $0xFFFFC000  }
0x4c: {  	_ =	swait.ge [sflag:s18], $0x4000  }
0x4d: {  	[sflag:s18] =	ssyncset.done $0x0  }
.Ltmp3:
0x4e: {  	s31 =	sadd.s32 $0x2F80, s26;
	[sflag:s18] =	ssyncadd.s32 $0xFFFFC000;
	(pc) =	sbr.rel @p2 .LBB2_6-.Ltmp3, $4  }
0x4f: {  	[spmem:s2] =	stream.indirect.scatter.add.f32 [tilespmem:s22], [sflag:$0x2], $0x80, s31, s19, $0xb8;
	[tilespmem:$0x1FC00] =	vst v63  }
0x50: {  	_ =	swait.ge [sflag:s21], $0x4000  }
0x51: {  	[sflag:s21] =	ssyncset.done $0x0  }
0x52: {  	[sflag:s21] =	ssyncadd.s32 $0xFFFFC000  }
.Ltmp4:
0x53: {  	(pc) =	sbr.rel .LBB2_2-.Ltmp4, $4  }
0x54: {  	s26 =	simm.s32 $0x3  }
0x55: {  	_ =	swait.ge [sflag:s26], $0x1000  }
0x56: {  	[sflag:s26] =	ssyncset.done $0x0  }
0x57: {  	p1 =	por !p1, !p1;
	[sflag:s26] =	ssyncadd.s32 $0xFFFFF000  }
.LBB2_7:
0x58: {  	_ =	sfence.sel $0x180000  }
0x59: {  	[bflag:$0x0] =	sbarrier.arrive $0xFFFF  }
0x5a: {  	_ =	strace $0x90000050  }
0x5b: {  	s0 =	stileid.u32;
	[bflag:$0x2] =	sbarrier.arrive $0xFFFF  }
0x5c: {  	p0 =	sne.s32 s0, $0x0;
	s0 =	rddreg [dreg:$0x3]  }
0x5d: {  	s0 =	sadd.s32 @!p0 $0x100000, s0  }
0x5e: {  	[sflag:s0] =	ssyncadd.tile.s32 @!p0 $0x1;
	_ =	shalt  }
.Lfunc_end2:
_tile_overlayer_lowered:
.L_overlay_start_2:
0x5f: {  	(tag) =	ssettag $0x2  }
0x60: {  	s0 =	rddreg [dreg:$0x0];
	s2 =	stileid.u32  }
0x61: {  	s1 =	rddreg [dreg:$0x1];
	p0 =	sne.s32 s2, $0x0  }
0x62: {  	s3 =	rddreg [dreg:$0x2];
	[bflag:$0x3] =	sbarrier.arrive $0xFFFF;
	s2 =	simm.s32 @!p0 $0x1C04  }
0x63: {  	[timem:s3], [sflag:s2] =	dma.local @!p0 [hbm:s0], s1  }
0x64: {  	s0 =	simm.s32 @!p0 $0x4  }
0x65: {  	_ =	swait.ge @!p0 [sflag:s0], s1  }
0x66: {  	s1 =	ssub.s32 @!p0 $0x0, s1;
	[sflag:s0] =	ssyncset.done @!p0 $0x0  }
0x67: {  	[sflag:s0] =	ssyncadd.s32 @!p0 s1  }
0x68: {  	[bflag:$0x3] =	sbarrier.arrive $0xFFFF  }
0x69: {  	_ =	shalt  }

</sc_bundles>
